<compile_context>
chip_gen: v7x
topology: tpu7x:2x2x1
jax: 0.10.2.dev20260603
libtpu: 0.0.44.dev20260713+nightly
codegen_flags: <defaults>
</compile_context>

<pallas_src>
import functools

import jax
import jax.numpy as jnp
from jax import lax
from jax.experimental import pallas as pl
from jax.experimental.pallas import tpu as pltpu
from jax.experimental.pallas import tpu_sc as plsc

BATCH = 16384
EMB = 64
H1 = 128
CHUNK = 128
LR_BIG = 11
LR_SMALL = 9


def _to_bf16_bits(x_i32):
    return x_i32 & jnp.int32(-65536)


def _pack_body(a_ref, b_ref, c_ref, d_ref, e_ref, f_ref, g_ref, h_ref, o_ref):
    r = a_ref.shape[1]
    eye = (lax.broadcasted_iota(jnp.int32, (EMB, EMB), 0)
           == lax.broadcasted_iota(jnp.int32, (EMB, EMB), 1)).astype(jnp.float32)

    def tp(ref):
        return lax.dot_general(ref[...], eye, (((0,), (0,)), ((), ())),
                               preferred_element_type=jnp.float32)

    def pack2(hi, lo):
        hb = _to_bf16_bits(lax.bitcast_convert_type(hi, jnp.int32))
        lb = _to_bf16_bits(lax.bitcast_convert_type(lo, jnp.int32))
        word = hb | lax.shift_right_logical(lb, 16)
        return lax.bitcast_convert_type(word, jnp.float32)

    o_ref[0:r, 0:EMB] = pack2(tp(a_ref), tp(b_ref))
    o_ref[0:r, EMB:2 * EMB] = pack2(tp(c_ref), tp(d_ref))
    o_ref[r:2 * r, 0:EMB] = pack2(tp(e_ref), tp(f_ref))
    o_ref[r:2 * r, EMB:2 * EMB] = pack2(tp(g_ref), tp(h_ref))


def _pack_quads(tT, lr):
    r = 1 << lr
    n = tT.shape[1]
    nblk = (n + 8 * r - 1) // (8 * r)
    last = (n - 1) // r

    def strip(k):
        return pl.BlockSpec((EMB, r), lambda i: (0, jnp.minimum(8 * i + k, last)))

    return pl.pallas_call(
        _pack_body,
        grid=(nblk,),
        in_specs=[strip(k) for k in range(8)],
        out_specs=pl.BlockSpec((2 * r, 2 * EMB), lambda i: (i, 0)),
        out_shape=jax.ShapeDtypeStruct((nblk * 2 * r, 2 * EMB), jnp.float32),
    )(*([tT] * 8))


def _gather3(uid2d, did2d, bid2d, ut_p, dt_p, bt_p):
    info = plsc.get_sparse_core_info()
    nc, ns = info.num_cores, info.num_subcores
    nw = nc * ns
    rows_per_w = BATCH // nw
    nchunk = rows_per_w // CHUNK

    mesh = plsc.VectorSubcoreMesh(core_axis_name="c", subcore_axis_name="s")

    @functools.partial(
        pl.kernel,
        mesh=mesh,
        compiler_params=pltpu.CompilerParams(use_tc_tiling_on_sc=True),
        out_type=(
            jax.ShapeDtypeStruct((BATCH, 2 * EMB), jnp.float32),
            jax.ShapeDtypeStruct((BATCH, 2 * EMB), jnp.float32),
            jax.ShapeDtypeStruct((BATCH, 2 * EMB), jnp.float32),
        ),
        scratch_types=[
            pltpu.VMEM((nchunk, CHUNK), jnp.int32),
            pltpu.VMEM((nchunk, CHUNK), jnp.int32),
            pltpu.VMEM((nchunk, CHUNK), jnp.int32),
            pltpu.VMEM((rows_per_w, 2 * EMB), jnp.float32),
            pltpu.SemaphoreType.DMA,
        ],
    )
    def gather_kernel(uid_hbm, did_hbm, bid_hbm, ut_hbm, dt_hbm, bt_hbm,
                      uo_hbm, do_hbm, bo_hbm,
                      uidx_v, didx_v, bidx_v, rows_v, sem):
        wid = lax.axis_index("s") * nc + lax.axis_index("c")
        rbase = wid * nchunk
        pltpu.sync_copy(uid_hbm.at[pl.ds(rbase, nchunk)], uidx_v)
        pltpu.sync_copy(did_hbm.at[pl.ds(rbase, nchunk)], didx_v)
        pltpu.sync_copy(bid_hbm.at[pl.ds(rbase, nchunk)], bidx_v)
        for idx_v, lr in ((uidx_v, LR_BIG), (didx_v, LR_BIG), (bidx_v, LR_SMALL)):
            for c in range(nchunk):
                for k in range(CHUNK // 16):
                    s = pl.ds(k * 16, 16)
                    v = idx_v[c, s]
                    blk = lax.shift_right_logical(v, lr + 2)
                    off = lax.bitwise_and(v, (1 << lr) - 1)
                    idx_v[c, s] = lax.bitwise_or(lax.shift_left(blk, lr), off)
        base = wid * rows_per_w
        for idx_v, t_hbm, o_hbm in ((uidx_v, ut_hbm, uo_hbm),
                                    (didx_v, dt_hbm, do_hbm),
                                    (bidx_v, bt_hbm, bo_hbm)):
            copies = [
                pltpu.async_copy(t_hbm.at[idx_v.at[c]],
                                 rows_v.at[pl.ds(c * CHUNK, CHUNK)], sem)
                for c in range(nchunk)
            ]
            for cp in copies:
                cp.wait()
            pltpu.sync_copy(rows_v, o_hbm.at[pl.ds(base, rows_per_w)])

    return gather_kernel(uid2d, did2d, bid2d, ut_p, dt_p, bt_p)


def _mlp_body(u_ref, d_ref, b_ref, hm_ref,
              w1_ref, b1_ref, w2_ref, b2_ref, w3_ref, b3_ref, o_ref):
    hm = hm_ref[...]

    def pick(pair_ref, h1bit, h0bit):
        h1 = (hm & h1bit) > 0
        h0 = (hm & h0bit) > 0
        half = jnp.where(h1, pair_ref[:, EMB:2 * EMB], pair_ref[:, 0:EMB])
        bits = lax.bitcast_convert_type(half, jnp.int32)
        bits = jnp.where(h0, lax.shift_left(bits, 16),
                         bits & jnp.int32(-65536))
        return lax.bitcast_convert_type(bits, jnp.float32)

    u = pick(u_ref, 1, 2)
    d = pick(d_ref, 4, 8)
    b = pick(b_ref, 16, 32)
    h = jnp.dot(u, w1_ref[0:EMB, :], preferred_element_type=jnp.float32)
    h = h + jnp.dot(d, w1_ref[EMB:2 * EMB, :], preferred_element_type=jnp.float32)
    h = h + jnp.dot(b, w1_ref[2 * EMB:3 * EMB, :], preferred_element_type=jnp.float32)
    h = jnp.maximum(h + b1_ref[...], 0.0)
    h = jnp.maximum(jnp.dot(h, w2_ref[...], preferred_element_type=jnp.float32) + b2_ref[...], 0.0)
    o = jnp.dot(h, w3_ref[...], preferred_element_type=jnp.float32) + b3_ref[...]
    o_ref[...] = o


def _mlp(u2, d2, b2_, hm, W1, b1, W2, b2, W3, b3):
    bb = 2048
    grid = (BATCH // bb,)
    return pl.pallas_call(
        _mlp_body,
        grid=grid,
        in_specs=[
            pl.BlockSpec((bb, 2 * EMB), lambda i: (i, 0)),
            pl.BlockSpec((bb, 2 * EMB), lambda i: (i, 0)),
            pl.BlockSpec((bb, 2 * EMB), lambda i: (i, 0)),
            pl.BlockSpec((bb, 1), lambda i: (i, 0)),
            pl.BlockSpec((3 * EMB, H1), lambda i: (0, 0)),
            pl.BlockSpec((1, H1), lambda i: (0, 0)),
            pl.BlockSpec((H1, EMB), lambda i: (0, 0)),
            pl.BlockSpec((1, EMB), lambda i: (0, 0)),
            pl.BlockSpec((EMB, 1), lambda i: (0, 0)),
            pl.BlockSpec((1, 1), lambda i: (0, 0)),
        ],
        out_specs=pl.BlockSpec((bb, 1), lambda i: (i, 0)),
        out_shape=jax.ShapeDtypeStruct((BATCH, 1), jnp.float32),
    )(u2, d2, b2_, hm, W1, b1.reshape(1, H1), W2, b2.reshape(1, EMB),
      W3, b3.reshape(1, 1))


def kernel(user_ids, device_ids, brand_ids, user_table, device_table, brand_table,
           W1, b1, W2, b2, W3, b3):
    uid = user_ids.astype(jnp.int32)
    did = device_ids.astype(jnp.int32)
    bid = brand_ids.astype(jnp.int32)
    ut_p = _pack_quads(user_table.T, LR_BIG)
    dt_p = _pack_quads(device_table.T, LR_BIG)
    bt_p = _pack_quads(brand_table.T, LR_SMALL)
    u2, d2, b2_ = _gather3(
        uid.reshape(BATCH // CHUNK, CHUNK), did.reshape(BATCH // CHUNK, CHUNK),
        bid.reshape(BATCH // CHUNK, CHUNK), ut_p, dt_p, bt_p)
    hm = ((((uid >> (LR_BIG + 1)) & 1) | (((uid >> LR_BIG) & 1) << 1))
          | ((((did >> (LR_BIG + 1)) & 1) << 2) | (((did >> LR_BIG) & 1) << 3))
          | ((((bid >> (LR_SMALL + 1)) & 1) << 4) | (((bid >> LR_SMALL) & 1) << 5))
          ).reshape(BATCH, 1)
    out = _mlp(u2, d2, b2_, hm, W1, b1, W2, b2, W3, b3)
    return out.reshape(BATCH)

# --- scband reference (transcript-rebuilt; emitter-appended) ---
"""Pipeline reference for scband-second-hand-device-recommender-17265768530826 (READ-ONLY COPY).

The authoritative reference and input builder live on the scoring server;
editing this copy changes nothing except your own understanding.
"""

import jax, jax.numpy as jnp
import numpy as np

N_USERS = 1000000
N_DEVICES = 100000
N_BRANDS = 1000
EMB = 64
BATCH = 16384


def _xavier(key, shape):
    fan_in, fan_out = shape[0], shape[1]
    limit = float(np.sqrt(6.0 / (fan_in + fan_out)))
    return jax.random.uniform(key, shape, dtype=jnp.float32, minval=-limit, maxval=limit)


def setup_inputs(seed: int = 0) -> dict:
    key = jax.random.key(seed)
    ks = jax.random.split(key, 9)
    user_ids = jax.random.randint(ks[0], (BATCH,), 0, N_USERS)
    device_ids = jax.random.randint(ks[1], (BATCH,), 0, N_DEVICES)
    brand_ids = jax.random.randint(ks[2], (BATCH,), 0, N_BRANDS)
    user_table = _xavier(ks[3], (N_USERS, EMB))
    device_table = _xavier(ks[4], (N_DEVICES, EMB))
    brand_table = _xavier(ks[5], (N_BRANDS, EMB))
    W1 = _xavier(ks[6], (EMB * 3, 128))
    b1 = jnp.zeros((128,), dtype=jnp.float32)
    W2 = _xavier(ks[7], (128, 64))
    b2 = jnp.zeros((64,), dtype=jnp.float32)
    W3 = _xavier(ks[8], (64, 1))
    b3 = jnp.zeros((1,), dtype=jnp.float32)
    return {
        'user_ids': user_ids,
        'device_ids': device_ids,
        'brand_ids': brand_ids,
        'user_table': user_table,
        'device_table': device_table,
        'brand_table': brand_table,
        'W1': W1, 'b1': b1,
        'W2': W2, 'b2': b2,
        'W3': W3, 'b3': b3,
    }


def reference(user_ids, device_ids, brand_ids, user_table, device_table, brand_table, W1, b1, W2, b2, W3, b3):
    # Embedding lookups (gather)
    user_emb = jnp.take(user_table, user_ids, axis=0)
    device_emb = jnp.take(device_table, device_ids, axis=0)
    brand_emb = jnp.take(brand_table, brand_ids, axis=0)
    combined = jnp.concatenate([user_emb, device_emb, brand_emb], axis=1)
    # Deep MLP (dropout is identity in eval mode)
    h = jax.nn.relu(combined @ W1 + b1)
    h = jax.nn.relu(h @ W2 + b2)
    out = (h @ W3 + b3)
    return jnp.squeeze(out)

if __name__ == "__main__":
    import jax
    _d = setup_inputs()
    print(jax.jit(kernel)(*tuple(_d.values())))

</pallas_src>

<mosaic_0001>
#map = affine_map<(d0, d1) -> (0, 0)>
module attributes {stable_mosaic.version = 14 : i64} {
  func.func @gather_kernel(%arg0: i32, %arg1: i32, %arg2: memref<128x128xi32, #tpu.memory_space<hbm>>, %arg3: memref<128x128xi32, #tpu.memory_space<hbm>>, %arg4: memref<128x128xi32, #tpu.memory_space<hbm>>, %arg5: memref<253952x128xf32, #tpu.memory_space<hbm>>, %arg6: memref<28672x128xf32, #tpu.memory_space<hbm>>, %arg7: memref<1024x128xf32, #tpu.memory_space<hbm>>, %arg8: memref<16384x128xf32, #tpu.memory_space<hbm>>, %arg9: memref<16384x128xf32, #tpu.memory_space<hbm>>, %arg10: memref<16384x128xf32, #tpu.memory_space<hbm>>, %arg11: memref<4x128xi32, #tpu.memory_space<vmem>>, %arg12: memref<4x128xi32, #tpu.memory_space<vmem>>, %arg13: memref<4x128xi32, #tpu.memory_space<vmem>>, %arg14: memref<512x128xf32, #tpu.memory_space<vmem>>, %arg15: memref<!tpu.dma_semaphore, #tpu.memory_space<semaphore_mem>>) attributes {dimension_semantics = [#tpu.dimension_semantics<core_parallel>, #tpu.dimension_semantics<subcore_parallel>], iteration_bounds = array<i64: 2, 16>, scalar_prefetch = 0 : i64, scratch_operands = 5 : i64, tpu.core_type = #tpu.core_type<sc_vector_subcore>, window_params = [{transform_indices = #map}, {transform_indices = #map}, {transform_indices = #map}, {transform_indices = #map}, {transform_indices = #map}, {transform_indices = #map}, {transform_indices = #map}, {transform_indices = #map}, {transform_indices = #map}]} {
    %mul3A = arith.constant 2 : i32
    %mul3A_0 = arith.muli %arg1, %mul3A : i32
    %add3A = arith.addi %mul3A_0, %arg0 : i32
    %mul3A_1 = arith.constant 4 : i32
    %mul3A_2 = arith.muli %add3A, %mul3A_1 : i32
    "tpu.region"() ({
      %run_scoped3A = tpu.sem_alloc : memref<!tpu.dma_semaphore, #tpu.memory_space<semaphore_mem>>
      %dma_start3A_2253 = arith.constant 0 : i32
      %dma_start3A_2254 = tpu.memref_slice %arg2[%mul3A_2, %dma_start3A_2253] : memref<128x128xi32, #tpu.memory_space<hbm>> -> memref<4x128xi32, #tpu.memory_space<hbm>>
      %dma_start3A_2255 = arith.constant 0 : i32
      %dma_start3A_2256 = tpu.memref_slice %arg2[%mul3A_2, %dma_start3A_2255] : memref<128x128xi32, #tpu.memory_space<hbm>> -> memref<4x128xi32, #tpu.memory_space<hbm>>
      tpu.enqueue_dma source(%dma_start3A_2256 : memref<4x128xi32, #tpu.memory_space<hbm>>) target(%arg11 : memref<4x128xi32, #tpu.memory_space<vmem>>) target_semaphore(%run_scoped3A : memref<!tpu.dma_semaphore, #tpu.memory_space<semaphore_mem>>)
      %dma_wait3A_2257 = arith.constant 0 : i32
      %dma_wait3A_2258 = tpu.memref_slice %arg2[%mul3A_2, %dma_wait3A_2257] : memref<128x128xi32, #tpu.memory_space<hbm>> -> memref<4x128xi32, #tpu.memory_space<hbm>>
      %dma_wait3A_2259 = arith.constant 0 : i32
      %dma_wait3A_2260 = tpu.memref_slice %arg2[%mul3A_2, %dma_wait3A_2259] : memref<128x128xi32, #tpu.memory_space<hbm>> -> memref<4x128xi32, #tpu.memory_space<hbm>>
      tpu.wait_dma2 semaphore(%run_scoped3A : memref<!tpu.dma_semaphore, #tpu.memory_space<semaphore_mem>>) src(%dma_wait3A_2260 : memref<4x128xi32, #tpu.memory_space<hbm>>) dst(%arg11 : memref<4x128xi32, #tpu.memory_space<vmem>>)
      tpu.yield
    }) : () -> ()
    "tpu.region"() ({
      %run_scoped3A = tpu.sem_alloc : memref<!tpu.dma_semaphore, #tpu.memory_space<semaphore_mem>>
      %dma_start3A_2253 = arith.constant 0 : i32
      %dma_start3A_2254 = tpu.memref_slice %arg3[%mul3A_2, %dma_start3A_2253] : memref<128x128xi32, #tpu.memory_space<hbm>> -> memref<4x128xi32, #tpu.memory_space<hbm>>
      %dma_start3A_2255 = arith.constant 0 : i32
      %dma_start3A_2256 = tpu.memref_slice %arg3[%mul3A_2, %dma_start3A_2255] : memref<128x128xi32, #tpu.memory_space<hbm>> -> memref<4x128xi32, #tpu.memory_space<hbm>>
      tpu.enqueue_dma source(%dma_start3A_2256 : memref<4x128xi32, #tpu.memory_space<hbm>>) target(%arg12 : memref<4x128xi32, #tpu.memory_space<vmem>>) target_semaphore(%run_scoped3A : memref<!tpu.dma_semaphore, #tpu.memory_space<semaphore_mem>>)
      %dma_wait3A_2257 = arith.constant 0 : i32
      %dma_wait3A_2258 = tpu.memref_slice %arg3[%mul3A_2, %dma_wait3A_2257] : memref<128x128xi32, #tpu.memory_space<hbm>> -> memref<4x128xi32, #tpu.memory_space<hbm>>
      %dma_wait3A_2259 = arith.constant 0 : i32
      %dma_wait3A_2260 = tpu.memref_slice %arg3[%mul3A_2, %dma_wait3A_2259] : memref<128x128xi32, #tpu.memory_space<hbm>> -> memref<4x128xi32, #tpu.memory_space<hbm>>
      tpu.wait_dma2 semaphore(%run_scoped3A : memref<!tpu.dma_semaphore, #tpu.memory_space<semaphore_mem>>) src(%dma_wait3A_2260 : memref<4x128xi32, #tpu.memory_space<hbm>>) dst(%arg12 : memref<4x128xi32, #tpu.memory_space<vmem>>)
      tpu.yield
    }) : () -> ()
    "tpu.region"() ({
      %run_scoped3A = tpu.sem_alloc : memref<!tpu.dma_semaphore, #tpu.memory_space<semaphore_mem>>
      %dma_start3A_2253 = arith.constant 0 : i32
      %dma_start3A_2254 = tpu.memref_slice %arg4[%mul3A_2, %dma_start3A_2253] : memref<128x128xi32, #tpu.memory_space<hbm>> -> memref<4x128xi32, #tpu.memory_space<hbm>>
      %dma_start3A_2255 = arith.constant 0 : i32
      %dma_start3A_2256 = tpu.memref_slice %arg4[%mul3A_2, %dma_start3A_2255] : memref<128x128xi32, #tpu.memory_space<hbm>> -> memref<4x128xi32, #tpu.memory_space<hbm>>
      tpu.enqueue_dma source(%dma_start3A_2256 : memref<4x128xi32, #tpu.memory_space<hbm>>) target(%arg13 : memref<4x128xi32, #tpu.memory_space<vmem>>) target_semaphore(%run_scoped3A : memref<!tpu.dma_semaphore, #tpu.memory_space<semaphore_mem>>)
      %dma_wait3A_2257 = arith.constant 0 : i32
      %dma_wait3A_2258 = tpu.memref_slice %arg4[%mul3A_2, %dma_wait3A_2257] : memref<128x128xi32, #tpu.memory_space<hbm>> -> memref<4x128xi32, #tpu.memory_space<hbm>>
      %dma_wait3A_2259 = arith.constant 0 : i32
      %dma_wait3A_2260 = tpu.memref_slice %arg4[%mul3A_2, %dma_wait3A_2259] : memref<128x128xi32, #tpu.memory_space<hbm>> -> memref<4x128xi32, #tpu.memory_space<hbm>>
      tpu.wait_dma2 semaphore(%run_scoped3A : memref<!tpu.dma_semaphore, #tpu.memory_space<semaphore_mem>>) src(%dma_wait3A_2260 : memref<4x128xi32, #tpu.memory_space<hbm>>) dst(%arg13 : memref<4x128xi32, #tpu.memory_space<vmem>>)
      tpu.yield
    }) : () -> ()
    %get3A = arith.constant 0 : i32
    %get3A_3 = arith.index_cast %get3A : i32 to index
    %get3A_4 = arith.constant 0 : index
    %get3A_5 = tpu.vector_load %arg11[%get3A_3, %get3A_4] {strides = array<i32>} : memref<4x128xi32, #tpu.memory_space<vmem>>, vector<1x16xi32>,
    %get3A_6 = vector.shape_cast %get3A_5 : vector<1x16xi32> to vector<16xi32>
    %shift_right_logical3A = arith.constant 13 : i32
    %shift_right_logical3A_7 = vector.broadcast %shift_right_logical3A : i32 to vector<16xi32>
    %shift_right_logical3A_8 = arith.shrui %get3A_6, %shift_right_logical3A_7 : vector<16xi32>
    %and3A = arith.constant 2047 : i32
    %and3A_9 = vector.broadcast %and3A : i32 to vector<16xi32>
    %and3A_10 = arith.andi %get3A_6, %and3A_9 : vector<16xi32>
    %shift_left3A = arith.constant 11 : i32
    %shift_left3A_11 = vector.broadcast %shift_left3A : i32 to vector<16xi32>
    %shift_left3A_12 = arith.shli %shift_right_logical3A_8, %shift_left3A_11 : vector<16xi32>
    %or3A = arith.ori %shift_left3A_12, %and3A_10 : vector<16xi32>
    %swap3A = arith.constant 0 : i32
    %swap3A_13 = arith.index_cast %swap3A : i32 to index
    %swap3A_14 = arith.constant 0 : index
    %swap3A_15 = tpu.vector_load %arg11[%swap3A_13, %swap3A_14] {strides = array<i32>} : memref<4x128xi32, #tpu.memory_space<vmem>>, vector<1x16xi32>,
    %swap3A_16 = vector.shape_cast %swap3A_15 : vector<1x16xi32> to vector<16xi32>
    %swap3A_17 = vector.shape_cast %or3A : vector<16xi32> to vector<1x16xi32>
    tpu.vector_store %arg11[%swap3A_13, %swap3A_14], %swap3A_17 {strides = array<i32>} : memref<4x128xi32, #tpu.memory_space<vmem>>, vector<1x16xi32>,
    %get3A_18 = arith.constant 0 : i32
    %get3A_19 = arith.index_cast %get3A_18 : i32 to index
    %get3A_20 = arith.constant 16 : index
    %get3A_21 = tpu.vector_load %arg11[%get3A_19, %get3A_20] {strides = array<i32>} : memref<4x128xi32, #tpu.memory_space<vmem>>, vector<1x16xi32>,
    %get3A_22 = vector.shape_cast %get3A_21 : vector<1x16xi32> to vector<16xi32>
    %shift_right_logical3A_23 = arith.constant 13 : i32
    %shift_right_logical3A_24 = vector.broadcast %shift_right_logical3A_23 : i32 to vector<16xi32>
    %shift_right_logical3A_25 = arith.shrui %get3A_22, %shift_right_logical3A_24 : vector<16xi32>
    %and3A_26 = arith.constant 2047 : i32
    %and3A_27 = vector.broadcast %and3A_26 : i32 to vector<16xi32>
    %and3A_28 = arith.andi %get3A_22, %and3A_27 : vector<16xi32>
    %shift_left3A_29 = arith.constant 11 : i32
    %shift_left3A_30 = vector.broadcast %shift_left3A_29 : i32 to vector<16xi32>
    %shift_left3A_31 = arith.shli %shift_right_logical3A_25, %shift_left3A_30 : vector<16xi32>
    %or3A_32 = arith.ori %shift_left3A_31, %and3A_28 : vector<16xi32>
    %swap3A_33 = arith.constant 0 : i32
    %swap3A_34 = arith.index_cast %swap3A_33 : i32 to index
    %swap3A_35 = arith.constant 16 : index
    %swap3A_36 = tpu.vector_load %arg11[%swap3A_34, %swap3A_35] {strides = array<i32>} : memref<4x128xi32, #tpu.memory_space<vmem>>, vector<1x16xi32>,
    %swap3A_37 = vector.shape_cast %swap3A_36 : vector<1x16xi32> to vector<16xi32>
    %swap3A_38 = vector.shape_cast %or3A_32 : vector<16xi32> to vector<1x16xi32>
    tpu.vector_store %arg11[%swap3A_34, %swap3A_35], %swap3A_38 {strides = array<i32>} : memref<4x128xi32, #tpu.memory_space<vmem>>, vector<1x16xi32>,
    %get3A_39 = arith.constant 0 : i32
    %get3A_40 = arith.index_cast %get3A_39 : i32 to index
    %get3A_41 = arith.constant 32 : index
    %get3A_42 = tpu.vector_load %arg11[%get3A_40, %get3A_41] {strides = array<i32>} : memref<4x128xi32, #tpu.memory_space<vmem>>, vector<1x16xi32>,
    %get3A_43 = vector.shape_cast %get3A_42 : vector<1x16xi32> to vector<16xi32>
    %shift_right_logical3A_44 = arith.constant 13 : i32
    %shift_right_logical3A_45 = vector.broadcast %shift_right_logical3A_44 : i32 to vector<16xi32>
    %shift_right_logical3A_46 = arith.shrui %get3A_43, %shift_right_logical3A_45 : vector<16xi32>
    %and3A_47 = arith.constant 2047 : i32
    %and3A_48 = vector.broadcast %and3A_47 : i32 to vector<16xi32>
    %and3A_49 = arith.andi %get3A_43, %and3A_48 : vector<16xi32>
    %shift_left3A_50 = arith.constant 11 : i32
    %shift_left3A_51 = vector.broadcast %shift_left3A_50 : i32 to vector<16xi32>
    %shift_left3A_52 = arith.shli %shift_right_logical3A_46, %shift_left3A_51 : vector<16xi32>
    %or3A_53 = arith.ori %shift_left3A_52, %and3A_49 : vector<16xi32>
    %swap3A_54 = arith.constant 0 : i32
    %swap3A_55 = arith.index_cast %swap3A_54 : i32 to index
    %swap3A_56 = arith.constant 32 : index
    %swap3A_57 = tpu.vector_load %arg11[%swap3A_55, %swap3A_56] {strides = array<i32>} : memref<4x128xi32, #tpu.memory_space<vmem>>, vector<1x16xi32>,
    %swap3A_58 = vector.shape_cast %swap3A_57 : vector<1x16xi32> to vector<16xi32>
    %swap3A_59 = vector.shape_cast %or3A_53 : vector<16xi32> to vector<1x16xi32>
    tpu.vector_store %arg11[%swap3A_55, %swap3A_56], %swap3A_59 {strides = array<i32>} : memref<4x128xi32, #tpu.memory_space<vmem>>, vector<1x16xi32>,
    %get3A_60 = arith.constant 0 : i32
    %get3A_61 = arith.index_cast %get3A_60 : i32 to index
    %get3A_62 = arith.constant 48 : index
    %get3A_63 = tpu.vector_load %arg11[%get3A_61, %get3A_62] {strides = array<i32>} : memref<4x128xi32, #tpu.memory_space<vmem>>, vector<1x16xi32>,
    %get3A_64 = vector.shape_cast %get3A_63 : vector<1x16xi32> to vector<16xi32>
    %shift_right_logical3A_65 = arith.constant 13 : i32
    %shift_right_logical3A_66 = vector.broadcast %shift_right_logical3A_65 : i32 to vector<16xi32>
    %shift_right_logical3A_67 = arith.shrui %get3A_64, %shift_right_logical3A_66 : vector<16xi32>
    %and3A_68 = arith.constant 2047 : i32
    %and3A_69 = vector.broadcast %and3A_68 : i32 to vector<16xi32>
    %and3A_70 = arith.andi %get3A_64, %and3A_69 : vector<16xi32>
    %shift_left3A_71 = arith.constant 11 : i32
    %shift_left3A_72 = vector.broadcast %shift_left3A_71 : i32 to vector<16xi32>
    %shift_left3A_73 = arith.shli %shift_right_logical3A_67, %shift_left3A_72 : vector<16xi32>
    %or3A_74 = arith.ori %shift_left3A_73, %and3A_70 : vector<16xi32>
    %swap3A_75 = arith.constant 0 : i32
    %swap3A_76 = arith.index_cast %swap3A_75 : i32 to index
    %swap3A_77 = arith.constant 48 : index
    %swap3A_78 = tpu.vector_load %arg11[%swap3A_76, %swap3A_77] {strides = array<i32>} : memref<4x128xi32, #tpu.memory_space<vmem>>, vector<1x16xi32>,
    %swap3A_79 = vector.shape_cast %swap3A_78 : vector<1x16xi32> to vector<16xi32>
    %swap3A_80 = vector.shape_cast %or3A_74 : vector<16xi32> to vector<1x16xi32>
    tpu.vector_store %arg11[%swap3A_76, %swap3A_77], %swap3A_80 {strides = array<i32>} : memref<4x128xi32, #tpu.memory_space<vmem>>, vector<1x16xi32>,
    %get3A_81 = arith.constant 0 : i32
    %get3A_82 = arith.index_cast %get3A_81 : i32 to index
    %get3A_83 = arith.constant 64 : index
    %get3A_84 = tpu.vector_load %arg11[%get3A_82, %get3A_83] {strides = array<i32>} : memref<4x128xi32, #tpu.memory_space<vmem>>, vector<1x16xi32>,
    %get3A_85 = vector.shape_cast %get3A_84 : vector<1x16xi32> to vector<16xi32>
    %shift_right_logical3A_86 = arith.constant 13 : i32
    %shift_right_logical3A_87 = vector.broadcast %shift_right_logical3A_86 : i32 to vector<16xi32>
    %shift_right_logical3A_88 = arith.shrui %get3A_85, %shift_right_logical3A_87 : vector<16xi32>
    %and3A_89 = arith.constant 2047 : i32
    %and3A_90 = vector.broadcast %and3A_89 : i32 to vector<16xi32>
    %and3A_91 = arith.andi %get3A_85, %and3A_90 : vector<16xi32>
    %shift_left3A_92 = arith.constant 11 : i32
    %shift_left3A_93 = vector.broadcast %shift_left3A_92 : i32 to vector<16xi32>
    %shift_left3A_94 = arith.shli %shift_right_logical3A_88, %shift_left3A_93 : vector<16xi32>
    %or3A_95 = arith.ori %shift_left3A_94, %and3A_91 : vector<16xi32>
    %swap3A_96 = arith.constant 0 : i32
    %swap3A_97 = arith.index_cast %swap3A_96 : i32 to index
    %swap3A_98 = arith.constant 64 : index
    %swap3A_99 = tpu.vector_load %arg11[%swap3A_97, %swap3A_98] {strides = array<i32>} : memref<4x128xi32, #tpu.memory_space<vmem>>, vector<1x16xi32>,
    %swap3A_100 = vector.shape_cast %swap3A_99 : vector<1x16xi32> to vector<16xi32>
    %swap3A_101 = vector.shape_cast %or3A_95 : vector<16xi32> to vector<1x16xi32>
    tpu.vector_store %arg11[%swap3A_97, %swap3A_98], %swap3A_101 {strides = array<i32>} : memref<4x128xi32, #tpu.memory_space<vmem>>, vector<1x16xi32>,
    %get3A_102 = arith.constant 0 : i32
    %get3A_103 = arith.index_cast %get3A_102 : i32 to index
    %get3A_104 = arith.constant 80 : index
    %get3A_105 = tpu.vector_load %arg11[%get3A_103, %get3A_104] {strides = array<i32>} : memref<4x128xi32, #tpu.memory_space<vmem>>, vector<1x16xi32>,
    %get3A_106 = vector.shape_cast %get3A_105 : vector<1x16xi32> to vector<16xi32>
    %shift_right_logical3A_107 = arith.constant 13 : i32
    %shift_right_logical3A_108 = vector.broadcast %shift_right_logical3A_107 : i32 to vector<16xi32>
    %shift_right_logical3A_109 = arith.shrui %get3A_106, %shift_right_logical3A_108 : vector<16xi32>
    %and3A_110 = arith.constant 2047 : i32
    %and3A_111 = vector.broadcast %and3A_110 : i32 to vector<16xi32>
    %and3A_112 = arith.andi %get3A_106, %and3A_111 : vector<16xi32>
    %shift_left3A_113 = arith.constant 11 : i32
    %shift_left3A_114 = vector.broadcast %shift_left3A_113 : i32 to vector<16xi32>
    %shift_left3A_115 = arith.shli %shift_right_logical3A_109, %shift_left3A_114 : vector<16xi32>
    %or3A_116 = arith.ori %shift_left3A_115, %and3A_112 : vector<16xi32>
    %swap3A_117 = arith.constant 0 : i32
    %swap3A_118 = arith.index_cast %swap3A_117 : i32 to index
    %swap3A_119 = arith.constant 80 : index
    %swap3A_120 = tpu.vector_load %arg11[%swap3A_118, %swap3A_119] {strides = array<i32>} : memref<4x128xi32, #tpu.memory_space<vmem>>, vector<1x16xi32>,
    %swap3A_121 = vector.shape_cast %swap3A_120 : vector<1x16xi32> to vector<16xi32>
    %swap3A_122 = vector.shape_cast %or3A_116 : vector<16xi32> to vector<1x16xi32>
    tpu.vector_store %arg11[%swap3A_118, %swap3A_119], %swap3A_122 {strides = array<i32>} : memref<4x128xi32, #tpu.memory_space<vmem>>, vector<1x16xi32>,
    %get3A_123 = arith.constant 0 : i32
    %get3A_124 = arith.index_cast %get3A_123 : i32 to index
    %get3A_125 = arith.constant 96 : index
    %get3A_126 = tpu.vector_load %arg11[%get3A_124, %get3A_125] {strides = array<i32>} : memref<4x128xi32, #tpu.memory_space<vmem>>, vector<1x16xi32>,
    %get3A_127 = vector.shape_cast %get3A_126 : vector<1x16xi32> to vector<16xi32>
    %shift_right_logical3A_128 = arith.constant 13 : i32
    %shift_right_logical3A_129 = vector.broadcast %shift_right_logical3A_128 : i32 to vector<16xi32>
    %shift_right_logical3A_130 = arith.shrui %get3A_127, %shift_right_logical3A_129 : vector<16xi32>
    %and3A_131 = arith.constant 2047 : i32
    %and3A_132 = vector.broadcast %and3A_131 : i32 to vector<16xi32>
    %and3A_133 = arith.andi %get3A_127, %and3A_132 : vector<16xi32>
    %shift_left3A_134 = arith.constant 11 : i32
    %shift_left3A_135 = vector.broadcast %shift_left3A_134 : i32 to vector<16xi32>
    %shift_left3A_136 = arith.shli %shift_right_logical3A_130, %shift_left3A_135 : vector<16xi32>
    %or3A_137 = arith.ori %shift_left3A_136, %and3A_133 : vector<16xi32>
    %swap3A_138 = arith.constant 0 : i32
    %swap3A_139 = arith.index_cast %swap3A_138 : i32 to index
    %swap3A_140 = arith.constant 96 : index
    %swap3A_141 = tpu.vector_load %arg11[%swap3A_139, %swap3A_140] {strides = array<i32>} : memref<4x128xi32, #tpu.memory_space<vmem>>, vector<1x16xi32>,
    %swap3A_142 = vector.shape_cast %swap3A_141 : vector<1x16xi32> to vector<16xi32>
    %swap3A_143 = vector.shape_cast %or3A_137 : vector<16xi32> to vector<1x16xi32>
    tpu.vector_store %arg11[%swap3A_139, %swap3A_140], %swap3A_143 {strides = array<i32>} : memref<4x128xi32, #tpu.memory_space<vmem>>, vector<1x16xi32>,
    %get3A_144 = arith.constant 0 : i32
    %get3A_145 = arith.index_cast %get3A_144 : i32 to index
    %get3A_146 = arith.constant 112 : index
    %get3A_147 = tpu.vector_load %arg11[%get3A_145, %get3A_146] {strides = array<i32>} : memref<4x128xi32, #tpu.memory_space<vmem>>, vector<1x16xi32>,
    %get3A_148 = vector.shape_cast %get3A_147 : vector<1x16xi32> to vector<16xi32>
    %shift_right_logical3A_149 = arith.constant 13 : i32
    %shift_right_logical3A_150 = vector.broadcast %shift_right_logical3A_149 : i32 to vector<16xi32>
    %shift_right_logical3A_151 = arith.shrui %get3A_148, %shift_right_logical3A_150 : vector<16xi32>
    %and3A_152 = arith.constant 2047 : i32
    %and3A_153 = vector.broadcast %and3A_152 : i32 to vector<16xi32>
    %and3A_154 = arith.andi %get3A_148, %and3A_153 : vector<16xi32>
    %shift_left3A_155 = arith.constant 11 : i32
    %shift_left3A_156 = vector.broadcast %shift_left3A_155 : i32 to vector<16xi32>
    %shift_left3A_157 = arith.shli %shift_right_logical3A_151, %shift_left3A_156 : vector<16xi32>
    %or3A_158 = arith.ori %shift_left3A_157, %and3A_154 : vector<16xi32>
    %swap3A_159 = arith.constant 0 : i32
    %swap3A_160 = arith.index_cast %swap3A_159 : i32 to index
    %swap3A_161 = arith.constant 112 : index
    %swap3A_162 = tpu.vector_load %arg11[%swap3A_160, %swap3A_161] {strides = array<i32>} : memref<4x128xi32, #tpu.memory_space<vmem>>, vector<1x16xi32>,
    %swap3A_163 = vector.shape_cast %swap3A_162 : vector<1x16xi32> to vector<16xi32>
    %swap3A_164 = vector.shape_cast %or3A_158 : vector<16xi32> to vector<1x16xi32>
    tpu.vector_store %arg11[%swap3A_160, %swap3A_161], %swap3A_164 {strides = array<i32>} : memref<4x128xi32, #tpu.memory_space<vmem>>, vector<1x16xi32>,
    %get3A_165 = arith.constant 1 : i32
    %get3A_166 = arith.index_cast %get3A_165 : i32 to index
    %get3A_167 = arith.constant 0 : index
    %get3A_168 = tpu.vector_load %arg11[%get3A_166, %get3A_167] {strides = array<i32>} : memref<4x128xi32, #tpu.memory_space<vmem>>, vector<1x16xi32>,
    %get3A_169 = vector.shape_cast %get3A_168 : vector<1x16xi32> to vector<16xi32>
    %shift_right_logical3A_170 = arith.constant 13 : i32
    %shift_right_logical3A_171 = vector.broadcast %shift_right_logical3A_170 : i32 to vector<16xi32>
    %shift_right_logical3A_172 = arith.shrui %get3A_169, %shift_right_logical3A_171 : vector<16xi32>
    %and3A_173 = arith.constant 2047 : i32
    %and3A_174 = vector.broadcast %and3A_173 : i32 to vector<16xi32>
    %and3A_175 = arith.andi %get3A_169, %and3A_174 : vector<16xi32>
    %shift_left3A_176 = arith.constant 11 : i32
    %shift_left3A_177 = vector.broadcast %shift_left3A_176 : i32 to vector<16xi32>
    %shift_left3A_178 = arith.shli %shift_right_logical3A_172, %shift_left3A_177 : vector<16xi32>
    %or3A_179 = arith.ori %shift_left3A_178, %and3A_175 : vector<16xi32>
    %swap3A_180 = arith.constant 1 : i32
    %swap3A_181 = arith.index_cast %swap3A_180 : i32 to index
    %swap3A_182 = arith.constant 0 : index
    %swap3A_183 = tpu.vector_load %arg11[%swap3A_181, %swap3A_182] {strides = array<i32>} : memref<4x128xi32, #tpu.memory_space<vmem>>, vector<1x16xi32>,
    %swap3A_184 = vector.shape_cast %swap3A_183 : vector<1x16xi32> to vector<16xi32>
    %swap3A_185 = vector.shape_cast %or3A_179 : vector<16xi32> to vector<1x16xi32>
    tpu.vector_store %arg11[%swap3A_181, %swap3A_182], %swap3A_185 {strides = array<i32>} : memref<4x128xi32, #tpu.memory_space<vmem>>, vector<1x16xi32>,
    %get3A_186 = arith.constant 1 : i32
    %get3A_187 = arith.index_cast %get3A_186 : i32 to index
    %get3A_188 = arith.constant 16 : index
    %get3A_189 = tpu.vector_load %arg11[%get3A_187, %get3A_188] {strides = array<i32>} : memref<4x128xi32, #tpu.memory_space<vmem>>, vector<1x16xi32>,
    %get3A_190 = vector.shape_cast %get3A_189 : vector<1x16xi32> to vector<16xi32>
    %shift_right_logical3A_191 = arith.constant 13 : i32
    %shift_right_logical3A_192 = vector.broadcast %shift_right_logical3A_191 : i32 to vector<16xi32>
    %shift_right_logical3A_193 = arith.shrui %get3A_190, %shift_right_logical3A_192 : vector<16xi32>
    %and3A_194 = arith.constant 2047 : i32
    %and3A_195 = vector.broadcast %and3A_194 : i32 to vector<16xi32>
    %and3A_196 = arith.andi %get3A_190, %and3A_195 : vector<16xi32>
    %shift_left3A_197 = arith.constant 11 : i32
    %shift_left3A_198 = vector.broadcast %shift_left3A_197 : i32 to vector<16xi32>
    %shift_left3A_199 = arith.shli %shift_right_logical3A_193, %shift_left3A_198 : vector<16xi32>
    %or3A_200 = arith.ori %shift_left3A_199, %and3A_196 : vector<16xi32>
    %swap3A_201 = arith.constant 1 : i32
    %swap3A_202 = arith.index_cast %swap3A_201 : i32 to index
    %swap3A_203 = arith.constant 16 : index
    %swap3A_204 = tpu.vector_load %arg11[%swap3A_202, %swap3A_203] {strides = array<i32>} : memref<4x128xi32, #tpu.memory_space<vmem>>, vector<1x16xi32>,
    %swap3A_205 = vector.shape_cast %swap3A_204 : vector<1x16xi32> to vector<16xi32>
    %swap3A_206 = vector.shape_cast %or3A_200 : vector<16xi32> to vector<1x16xi32>
    tpu.vector_store %arg11[%swap3A_202, %swap3A_203], %swap3A_206 {strides = array<i32>} : memref<4x128xi32, #tpu.memory_space<vmem>>, vector<1x16xi32>,
    %get3A_207 = arith.constant 1 : i32
    %get3A_208 = arith.index_cast %get3A_207 : i32 to index
    %get3A_209 = arith.constant 32 : index
    %get3A_210 = tpu.vector_load %arg11[%get3A_208, %get3A_209] {strides = array<i32>} : memref<4x128xi32, #tpu.memory_space<vmem>>, vector<1x16xi32>,
    %get3A_211 = vector.shape_cast %get3A_210 : vector<1x16xi32> to vector<16xi32>
    %shift_right_logical3A_212 = arith.constant 13 : i32
    %shift_right_logical3A_213 = vector.broadcast %shift_right_logical3A_212 : i32 to vector<16xi32>
    %shift_right_logical3A_214 = arith.shrui %get3A_211, %shift_right_logical3A_213 : vector<16xi32>
    %and3A_215 = arith.constant 2047 : i32
    %and3A_216 = vector.broadcast %and3A_215 : i32 to vector<16xi32>
    %and3A_217 = arith.andi %get3A_211, %and3A_216 : vector<16xi32>
    %shift_left3A_218 = arith.constant 11 : i32
    %shift_left3A_219 = vector.broadcast %shift_left3A_218 : i32 to vector<16xi32>
    %shift_left3A_220 = arith.shli %shift_right_logical3A_214, %shift_left3A_219 : vector<16xi32>
    %or3A_221 = arith.ori %shift_left3A_220, %and3A_217 : vector<16xi32>
    %swap3A_222 = arith.constant 1 : i32
    %swap3A_223 = arith.index_cast %swap3A_222 : i32 to index
    %swap3A_224 = arith.constant 32 : index
    %swap3A_225 = tpu.vector_load %arg11[%swap3A_223, %swap3A_224] {strides = array<i32>} : memref<4x128xi32, #tpu.memory_space<vmem>>, vector<1x16xi32>,
    %swap3A_226 = vector.shape_cast %swap3A_225 : vector<1x16xi32> to vector<16xi32>
    %swap3A_227 = vector.shape_cast %or3A_221 : vector<16xi32> to vector<1x16xi32>
    tpu.vector_store %arg11[%swap3A_223, %swap3A_224], %swap3A_227 {strides = array<i32>} : memref<4x128xi32, #tpu.memory_space<vmem>>, vector<1x16xi32>,
    %get3A_228 = arith.constant 1 : i32
    %get3A_229 = arith.index_cast %get3A_228 : i32 to index
    %get3A_230 = arith.constant 48 : index
    %get3A_231 = tpu.vector_load %arg11[%get3A_229, %get3A_230] {strides = array<i32>} : memref<4x128xi32, #tpu.memory_space<vmem>>, vector<1x16xi32>,
    %get3A_232 = vector.shape_cast %get3A_231 : vector<1x16xi32> to vector<16xi32>
    %shift_right_logical3A_233 = arith.constant 13 : i32
    %shift_right_logical3A_234 = vector.broadcast %shift_right_logical3A_233 : i32 to vector<16xi32>
    %shift_right_logical3A_235 = arith.shrui %get3A_232, %shift_right_logical3A_234 : vector<16xi32>
    %and3A_236 = arith.constant 2047 : i32
    %and3A_237 = vector.broadcast %and3A_236 : i32 to vector<16xi32>
    %and3A_238 = arith.andi %get3A_232, %and3A_237 : vector<16xi32>
    %shift_left3A_239 = arith.constant 11 : i32
    %shift_left3A_240 = vector.broadcast %shift_left3A_239 : i32 to vector<16xi32>
    %shift_left3A_241 = arith.shli %shift_right_logical3A_235, %shift_left3A_240 : vector<16xi32>
    %or3A_242 = arith.ori %shift_left3A_241, %and3A_238 : vector<16xi32>
    %swap3A_243 = arith.constant 1 : i32
    %swap3A_244 = arith.index_cast %swap3A_243 : i32 to index
    %swap3A_245 = arith.constant 48 : index
    %swap3A_246 = tpu.vector_load %arg11[%swap3A_244, %swap3A_245] {strides = array<i32>} : memref<4x128xi32, #tpu.memory_space<vmem>>, vector<1x16xi32>,
    %swap3A_247 = vector.shape_cast %swap3A_246 : vector<1x16xi32> to vector<16xi32>
    %swap3A_248 = vector.shape_cast %or3A_242 : vector<16xi32> to vector<1x16xi32>
    tpu.vector_store %arg11[%swap3A_244, %swap3A_245], %swap3A_248 {strides = array<i32>} : memref<4x128xi32, #tpu.memory_space<vmem>>, vector<1x16xi32>,
    %get3A_249 = arith.constant 1 : i32
    %get3A_250 = arith.index_cast %get3A_249 : i32 to index
    %get3A_251 = arith.constant 64 : index
    %get3A_252 = tpu.vector_load %arg11[%get3A_250, %get3A_251] {strides = array<i32>} : memref<4x128xi32, #tpu.memory_space<vmem>>, vector<1x16xi32>,
    %get3A_253 = vector.shape_cast %get3A_252 : vector<1x16xi32> to vector<16xi32>
    %shift_right_logical3A_254 = arith.constant 13 : i32
    %shift_right_logical3A_255 = vector.broadcast %shift_right_logical3A_254 : i32 to vector<16xi32>
    %shift_right_logical3A_256 = arith.shrui %get3A_253, %shift_right_logical3A_255 : vector<16xi32>
    %and3A_257 = arith.constant 2047 : i32
    %and3A_258 = vector.broadcast %and3A_257 : i32 to vector<16xi32>
    %and3A_259 = arith.andi %get3A_253, %and3A_258 : vector<16xi32>
    %shift_left3A_260 = arith.constant 11 : i32
    %shift_left3A_261 = vector.broadcast %shift_left3A_260 : i32 to vector<16xi32>
    %shift_left3A_262 = arith.shli %shift_right_logical3A_256, %shift_left3A_261 : vector<16xi32>
    %or3A_263 = arith.ori %shift_left3A_262, %and3A_259 : vector<16xi32>
    %swap3A_264 = arith.constant 1 : i32
    %swap3A_265 = arith.index_cast %swap3A_264 : i32 to index
    %swap3A_266 = arith.constant 64 : index
    %swap3A_267 = tpu.vector_load %arg11[%swap3A_265, %swap3A_266] {strides = array<i32>} : memref<4x128xi32, #tpu.memory_space<vmem>>, vector<1x16xi32>,
    %swap3A_268 = vector.shape_cast %swap3A_267 : vector<1x16xi32> to vector<16xi32>
    %swap3A_269 = vector.shape_cast %or3A_263 : vector<16xi32> to vector<1x16xi32>
    tpu.vector_store %arg11[%swap3A_265, %swap3A_266], %swap3A_269 {strides = array<i32>} : memref<4x128xi32, #tpu.memory_space<vmem>>, vector<1x16xi32>,
    %get3A_270 = arith.constant 1 : i32
    %get3A_271 = arith.index_cast %get3A_270 : i32 to index
    %get3A_272 = arith.constant 80 : index
    %get3A_273 = tpu.vector_load %arg11[%get3A_271, %get3A_272] {strides = array<i32>} : memref<4x128xi32, #tpu.memory_space<vmem>>, vector<1x16xi32>,
    %get3A_274 = vector.shape_cast %get3A_273 : vector<1x16xi32> to vector<16xi32>
    %shift_right_logical3A_275 = arith.constant 13 : i32
    %shift_right_logical3A_276 = vector.broadcast %shift_right_logical3A_275 : i32 to vector<16xi32>
    %shift_right_logical3A_277 = arith.shrui %get3A_274, %shift_right_logical3A_276 : vector<16xi32>
    %and3A_278 = arith.constant 2047 : i32
    %and3A_279 = vector.broadcast %and3A_278 : i32 to vector<16xi32>
    %and3A_280 = arith.andi %get3A_274, %and3A_279 : vector<16xi32>
    %shift_left3A_281 = arith.constant 11 : i32
    %shift_left3A_282 = vector.broadcast %shift_left3A_281 : i32 to vector<16xi32>
    %shift_left3A_283 = arith.shli %shift_right_logical3A_277, %shift_left3A_282 : vector<16xi32>
    %or3A_284 = arith.ori %shift_left3A_283, %and3A_280 : vector<16xi32>
    %swap3A_285 = arith.constant 1 : i32
    %swap3A_286 = arith.index_cast %swap3A_285 : i32 to index
    %swap3A_287 = arith.constant 80 : index
    %swap3A_288 = tpu.vector_load %arg11[%swap3A_286, %swap3A_287] {strides = array<i32>} : memref<4x128xi32, #tpu.memory_space<vmem>>, vector<1x16xi32>,
    %swap3A_289 = vector.shape_cast %swap3A_288 : vector<1x16xi32> to vector<16xi32>
    %swap3A_290 = vector.shape_cast %or3A_284 : vector<16xi32> to vector<1x16xi32>
    tpu.vector_store %arg11[%swap3A_286, %swap3A_287], %swap3A_290 {strides = array<i32>} : memref<4x128xi32, #tpu.memory_space<vmem>>, vector<1x16xi32>,
    %get3A_291 = arith.constant 1 : i32
    %get3A_292 = arith.index_cast %get3A_291 : i32 to index
    %get3A_293 = arith.constant 96 : index
    %get3A_294 = tpu.vector_load %arg11[%get3A_292, %get3A_293] {strides = array<i32>} : memref<4x128xi32, #tpu.memory_space<vmem>>, vector<1x16xi32>,
    %get3A_295 = vector.shape_cast %get3A_294 : vector<1x16xi32> to vector<16xi32>
    %shift_right_logical3A_296 = arith.constant 13 : i32
    %shift_right_logical3A_297 = vector.broadcast %shift_right_logical3A_296 : i32 to vector<16xi32>
    %shift_right_logical3A_298 = arith.shrui %get3A_295, %shift_right_logical3A_297 : vector<16xi32>
    %and3A_299 = arith.constant 2047 : i32
    %and3A_300 = vector.broadcast %and3A_299 : i32 to vector<16xi32>
    %and3A_301 = arith.andi %get3A_295, %and3A_300 : vector<16xi32>
    %shift_left3A_302 = arith.constant 11 : i32
    %shift_left3A_303 = vector.broadcast %shift_left3A_302 : i32 to vector<16xi32>
    %shift_left3A_304 = arith.shli %shift_right_logical3A_298, %shift_left3A_303 : vector<16xi32>
    %or3A_305 = arith.ori %shift_left3A_304, %and3A_301 : vector<16xi32>
    %swap3A_306 = arith.constant 1 : i32
    %swap3A_307 = arith.index_cast %swap3A_306 : i32 to index
    %swap3A_308 = arith.constant 96 : index
    %swap3A_309 = tpu.vector_load %arg11[%swap3A_307, %swap3A_308] {strides = array<i32>} : memref<4x128xi32, #tpu.memory_space<vmem>>, vector<1x16xi32>,
    %swap3A_310 = vector.shape_cast %swap3A_309 : vector<1x16xi32> to vector<16xi32>
    %swap3A_311 = vector.shape_cast %or3A_305 : vector<16xi32> to vector<1x16xi32>
    tpu.vector_store %arg11[%swap3A_307, %swap3A_308], %swap3A_311 {strides = array<i32>} : memref<4x128xi32, #tpu.memory_space<vmem>>, vector<1x16xi32>,
    %get3A_312 = arith.constant 1 : i32
    %get3A_313 = arith.index_cast %get3A_312 : i32 to index
    %get3A_314 = arith.constant 112 : index
    %get3A_315 = tpu.vector_load %arg11[%get3A_313, %get3A_314] {strides = array<i32>} : memref<4x128xi32, #tpu.memory_space<vmem>>, vector<1x16xi32>,
    %get3A_316 = vector.shape_cast %get3A_315 : vector<1x16xi32> to vector<16xi32>
    %shift_right_logical3A_317 = arith.constant 13 : i32
    %shift_right_logical3A_318 = vector.broadcast %shift_right_logical3A_317 : i32 to vector<16xi32>
    %shift_right_logical3A_319 = arith.shrui %get3A_316, %shift_right_logical3A_318 : vector<16xi32>
    %and3A_320 = arith.constant 2047 : i32
    %and3A_321 = vector.broadcast %and3A_320 : i32 to vector<16xi32>
    %and3A_322 = arith.andi %get3A_316, %and3A_321 : vector<16xi32>
    %shift_left3A_323 = arith.constant 11 : i32
    %shift_left3A_324 = vector.broadcast %shift_left3A_323 : i32 to vector<16xi32>
    %shift_left3A_325 = arith.shli %shift_right_logical3A_319, %shift_left3A_324 : vector<16xi32>
    %or3A_326 = arith.ori %shift_left3A_325, %and3A_322 : vector<16xi32>
    %swap3A_327 = arith.constant 1 : i32
    %swap3A_328 = arith.index_cast %swap3A_327 : i32 to index
    %swap3A_329 = arith.constant 112 : index
    %swap3A_330 = tpu.vector_load %arg11[%swap3A_328, %swap3A_329] {strides = array<i32>} : memref<4x128xi32, #tpu.memory_space<vmem>>, vector<1x16xi32>,
    %swap3A_331 = vector.shape_cast %swap3A_330 : vector<1x16xi32> to vector<16xi32>
    %swap3A_332 = vector.shape_cast %or3A_326 : vector<16xi32> to vector<1x16xi32>
    tpu.vector_store %arg11[%swap3A_328, %swap3A_329], %swap3A_332 {strides = array<i32>} : memref<4x128xi32, #tpu.memory_space<vmem>>, vector<1x16xi32>,
    %get3A_333 = arith.constant 2 : i32
    %get3A_334 = arith.index_cast %get3A_333 : i32 to index
    %get3A_335 = arith.constant 0 : index
    %get3A_336 = tpu.vector_load %arg11[%get3A_334, %get3A_335] {strides = array<i32>} : memref<4x128xi32, #tpu.memory_space<vmem>>, vector<1x16xi32>,
    %get3A_337 = vector.shape_cast %get3A_336 : vector<1x16xi32> to vector<16xi32>
    %shift_right_logical3A_338 = arith.constant 13 : i32
    %shift_right_logical3A_339 = vector.broadcast %shift_right_logical3A_338 : i32 to vector<16xi32>
    %shift_right_logical3A_340 = arith.shrui %get3A_337, %shift_right_logical3A_339 : vector<16xi32>
    %and3A_341 = arith.constant 2047 : i32
    %and3A_342 = vector.broadcast %and3A_341 : i32 to vector<16xi32>
    %and3A_343 = arith.andi %get3A_337, %and3A_342 : vector<16xi32>
    %shift_left3A_344 = arith.constant 11 : i32
    %shift_left3A_345 = vector.broadcast %shift_left3A_344 : i32 to vector<16xi32>
    %shift_left3A_346 = arith.shli %shift_right_logical3A_340, %shift_left3A_345 : vector<16xi32>
    %or3A_347 = arith.ori %shift_left3A_346, %and3A_343 : vector<16xi32>
    %swap3A_348 = arith.constant 2 : i32
    %swap3A_349 = arith.index_cast %swap3A_348 : i32 to index
    %swap3A_350 = arith.constant 0 : index
    %swap3A_351 = tpu.vector_load %arg11[%swap3A_349, %swap3A_350] {strides = array<i32>} : memref<4x128xi32, #tpu.memory_space<vmem>>, vector<1x16xi32>,
    %swap3A_352 = vector.shape_cast %swap3A_351 : vector<1x16xi32> to vector<16xi32>
    %swap3A_353 = vector.shape_cast %or3A_347 : vector<16xi32> to vector<1x16xi32>
    tpu.vector_store %arg11[%swap3A_349, %swap3A_350], %swap3A_353 {strides = array<i32>} : memref<4x128xi32, #tpu.memory_space<vmem>>, vector<1x16xi32>,
    %get3A_354 = arith.constant 2 : i32
    %get3A_355 = arith.index_cast %get3A_354 : i32 to index
    %get3A_356 = arith.constant 16 : index
    %get3A_357 = tpu.vector_load %arg11[%get3A_355, %get3A_356] {strides = array<i32>} : memref<4x128xi32, #tpu.memory_space<vmem>>, vector<1x16xi32>,
    %get3A_358 = vector.shape_cast %get3A_357 : vector<1x16xi32> to vector<16xi32>
    %shift_right_logical3A_359 = arith.constant 13 : i32
    %shift_right_logical3A_360 = vector.broadcast %shift_right_logical3A_359 : i32 to vector<16xi32>
    %shift_right_logical3A_361 = arith.shrui %get3A_358, %shift_right_logical3A_360 : vector<16xi32>
    %and3A_362 = arith.constant 2047 : i32
    %and3A_363 = vector.broadcast %and3A_362 : i32 to vector<16xi32>
    %and3A_364 = arith.andi %get3A_358, %and3A_363 : vector<16xi32>
    %shift_left3A_365 = arith.constant 11 : i32
    %shift_left3A_366 = vector.broadcast %shift_left3A_365 : i32 to vector<16xi32>
    %shift_left3A_367 = arith.shli %shift_right_logical3A_361, %shift_left3A_366 : vector<16xi32>
    %or3A_368 = arith.ori %shift_left3A_367, %and3A_364 : vector<16xi32>
    %swap3A_369 = arith.constant 2 : i32
    %swap3A_370 = arith.index_cast %swap3A_369 : i32 to index
    %swap3A_371 = arith.constant 16 : index
    %swap3A_372 = tpu.vector_load %arg11[%swap3A_370, %swap3A_371] {strides = array<i32>} : memref<4x128xi32, #tpu.memory_space<vmem>>, vector<1x16xi32>,
    %swap3A_373 = vector.shape_cast %swap3A_372 : vector<1x16xi32> to vector<16xi32>
    %swap3A_374 = vector.shape_cast %or3A_368 : vector<16xi32> to vector<1x16xi32>
    tpu.vector_store %arg11[%swap3A_370, %swap3A_371], %swap3A_374 {strides = array<i32>} : memref<4x128xi32, #tpu.memory_space<vmem>>, vector<1x16xi32>,
    %get3A_375 = arith.constant 2 : i32
    %get3A_376 = arith.index_cast %get3A_375 : i32 to index
    %get3A_377 = arith.constant 32 : index
    %get3A_378 = tpu.vector_load %arg11[%get3A_376, %get3A_377] {strides = array<i32>} : memref<4x128xi32, #tpu.memory_space<vmem>>, vector<1x16xi32>,
    %get3A_379 = vector.shape_cast %get3A_378 : vector<1x16xi32> to vector<16xi32>
    %shift_right_logical3A_380 = arith.constant 13 : i32
    %shift_right_logical3A_381 = vector.broadcast %shift_right_logical3A_380 : i32 to vector<16xi32>
    %shift_right_logical3A_382 = arith.shrui %get3A_379, %shift_right_logical3A_381 : vector<16xi32>
    %and3A_383 = arith.constant 2047 : i32
    %and3A_384 = vector.broadcast %and3A_383 : i32 to vector<16xi32>
    %and3A_385 = arith.andi %get3A_379, %and3A_384 : vector<16xi32>
    %shift_left3A_386 = arith.constant 11 : i32
    %shift_left3A_387 = vector.broadcast %shift_left3A_386 : i32 to vector<16xi32>
    %shift_left3A_388 = arith.shli %shift_right_logical3A_382, %shift_left3A_387 : vector<16xi32>
    %or3A_389 = arith.ori %shift_left3A_388, %and3A_385 : vector<16xi32>
    %swap3A_390 = arith.constant 2 : i32
    %swap3A_391 = arith.index_cast %swap3A_390 : i32 to index
    %swap3A_392 = arith.constant 32 : index
    %swap3A_393 = tpu.vector_load %arg11[%swap3A_391, %swap3A_392] {strides = array<i32>} : memref<4x128xi32, #tpu.memory_space<vmem>>, vector<1x16xi32>,
    %swap3A_394 = vector.shape_cast %swap3A_393 : vector<1x16xi32> to vector<16xi32>
    %swap3A_395 = vector.shape_cast %or3A_389 : vector<16xi32> to vector<1x16xi32>
    tpu.vector_store %arg11[%swap3A_391, %swap3A_392], %swap3A_395 {strides = array<i32>} : memref<4x128xi32, #tpu.memory_space<vmem>>, vector<1x16xi32>,
    %get3A_396 = arith.constant 2 : i32
    %get3A_397 = arith.index_cast %get3A_396 : i32 to index
    %get3A_398 = arith.constant 48 : index
    %get3A_399 = tpu.vector_load %arg11[%get3A_397, %get3A_398] {strides = array<i32>} : memref<4x128xi32, #tpu.memory_space<vmem>>, vector<1x16xi32>,
    %get3A_400 = vector.shape_cast %get3A_399 : vector<1x16xi32> to vector<16xi32>
    %shift_right_logical3A_401 = arith.constant 13 : i32
    %shift_right_logical3A_402 = vector.broadcast %shift_right_logical3A_401 : i32 to vector<16xi32>
    %shift_right_logical3A_403 = arith.shrui %get3A_400, %shift_right_logical3A_402 : vector<16xi32>
    %and3A_404 = arith.constant 2047 : i32
    %and3A_405 = vector.broadcast %and3A_404 : i32 to vector<16xi32>
    %and3A_406 = arith.andi %get3A_400, %and3A_405 : vector<16xi32>
    %shift_left3A_407 = arith.constant 11 : i32
    %shift_left3A_408 = vector.broadcast %shift_left3A_407 : i32 to vector<16xi32>
    %shift_left3A_409 = arith.shli %shift_right_logical3A_403, %shift_left3A_408 : vector<16xi32>
    %or3A_410 = arith.ori %shift_left3A_409, %and3A_406 : vector<16xi32>
    %swap3A_411 = arith.constant 2 : i32
    %swap3A_412 = arith.index_cast %swap3A_411 : i32 to index
    %swap3A_413 = arith.constant 48 : index
    %swap3A_414 = tpu.vector_load %arg11[%swap3A_412, %swap3A_413] {strides = array<i32>} : memref<4x128xi32, #tpu.memory_space<vmem>>, vector<1x16xi32>,
    %swap3A_415 = vector.shape_cast %swap3A_414 : vector<1x16xi32> to vector<16xi32>
    %swap3A_416 = vector.shape_cast %or3A_410 : vector<16xi32> to vector<1x16xi32>
    tpu.vector_store %arg11[%swap3A_412, %swap3A_413], %swap3A_416 {strides = array<i32>} : memref<4x128xi32, #tpu.memory_space<vmem>>, vector<1x16xi32>,
    %get3A_417 = arith.constant 2 : i32
    %get3A_418 = arith.index_cast %get3A_417 : i32 to index
    %get3A_419 = arith.constant 64 : index
    %get3A_420 = tpu.vector_load %arg11[%get3A_418, %get3A_419] {strides = array<i32>} : memref<4x128xi32, #tpu.memory_space<vmem>>, vector<1x16xi32>,
    %get3A_421 = vector.shape_cast %get3A_420 : vector<1x16xi32> to vector<16xi32>
    %shift_right_logical3A_422 = arith.constant 13 : i32
    %shift_right_logical3A_423 = vector.broadcast %shift_right_logical3A_422 : i32 to vector<16xi32>
    %shift_right_logical3A_424 = arith.shrui %get3A_421, %shift_right_logical3A_423 : vector<16xi32>
    %and3A_425 = arith.constant 2047 : i32
    %and3A_426 = vector.broadcast %and3A_425 : i32 to vector<16xi32>
    %and3A_427 = arith.andi %get3A_421, %and3A_426 : vector<16xi32>
    %shift_left3A_428 = arith.constant 11 : i32
    %shift_left3A_429 = vector.broadcast %shift_left3A_428 : i32 to vector<16xi32>
    %shift_left3A_430 = arith.shli %shift_right_logical3A_424, %shift_left3A_429 : vector<16xi32>
    %or3A_431 = arith.ori %shift_left3A_430, %and3A_427 : vector<16xi32>
    %swap3A_432 = arith.constant 2 : i32
    %swap3A_433 = arith.index_cast %swap3A_432 : i32 to index
    %swap3A_434 = arith.constant 64 : index
    %swap3A_435 = tpu.vector_load %arg11[%swap3A_433, %swap3A_434] {strides = array<i32>} : memref<4x128xi32, #tpu.memory_space<vmem>>, vector<1x16xi32>,
    %swap3A_436 = vector.shape_cast %swap3A_435 : vector<1x16xi32> to vector<16xi32>
    %swap3A_437 = vector.shape_cast %or3A_431 : vector<16xi32> to vector<1x16xi32>
    tpu.vector_store %arg11[%swap3A_433, %swap3A_434], %swap3A_437 {strides = array<i32>} : memref<4x128xi32, #tpu.memory_space<vmem>>, vector<1x16xi32>,
    %get3A_438 = arith.constant 2 : i32
    %get3A_439 = arith.index_cast %get3A_438 : i32 to index
    %get3A_440 = arith.constant 80 : index
    %get3A_441 = tpu.vector_load %arg11[%get3A_439, %get3A_440] {strides = array<i32>} : memref<4x128xi32, #tpu.memory_space<vmem>>, vector<1x16xi32>,
    %get3A_442 = vector.shape_cast %get3A_441 : vector<1x16xi32> to vector<16xi32>
    %shift_right_logical3A_443 = arith.constant 13 : i32
    %shift_right_logical3A_444 = vector.broadcast %shift_right_logical3A_443 : i32 to vector<16xi32>
    %shift_right_logical3A_445 = arith.shrui %get3A_442, %shift_right_logical3A_444 : vector<16xi32>
    %and3A_446 = arith.constant 2047 : i32
    %and3A_447 = vector.broadcast %and3A_446 : i32 to vector<16xi32>
    %and3A_448 = arith.andi %get3A_442, %and3A_447 : vector<16xi32>
    %shift_left3A_449 = arith.constant 11 : i32
    %shift_left3A_450 = vector.broadcast %shift_left3A_449 : i32 to vector<16xi32>
    %shift_left3A_451 = arith.shli %shift_right_logical3A_445, %shift_left3A_450 : vector<16xi32>
    %or3A_452 = arith.ori %shift_left3A_451, %and3A_448 : vector<16xi32>
    %swap3A_453 = arith.constant 2 : i32
    %swap3A_454 = arith.index_cast %swap3A_453 : i32 to index
    %swap3A_455 = arith.constant 80 : index
    %swap3A_456 = tpu.vector_load %arg11[%swap3A_454, %swap3A_455] {strides = array<i32>} : memref<4x128xi32, #tpu.memory_space<vmem>>, vector<1x16xi32>,
    %swap3A_457 = vector.shape_cast %swap3A_456 : vector<1x16xi32> to vector<16xi32>
    %swap3A_458 = vector.shape_cast %or3A_452 : vector<16xi32> to vector<1x16xi32>
    tpu.vector_store %arg11[%swap3A_454, %swap3A_455], %swap3A_458 {strides = array<i32>} : memref<4x128xi32, #tpu.memory_space<vmem>>, vector<1x16xi32>,
    %get3A_459 = arith.constant 2 : i32
    %get3A_460 = arith.index_cast %get3A_459 : i32 to index
    %get3A_461 = arith.constant 96 : index
    %get3A_462 = tpu.vector_load %arg11[%get3A_460, %get3A_461] {strides = array<i32>} : memref<4x128xi32, #tpu.memory_space<vmem>>, vector<1x16xi32>,
    %get3A_463 = vector.shape_cast %get3A_462 : vector<1x16xi32> to vector<16xi32>
    %shift_right_logical3A_464 = arith.constant 13 : i32
    %shift_right_logical3A_465 = vector.broadcast %shift_right_logical3A_464 : i32 to vector<16xi32>
    %shift_right_logical3A_466 = arith.shrui %get3A_463, %shift_right_logical3A_465 : vector<16xi32>
    %and3A_467 = arith.constant 2047 : i32
    %and3A_468 = vector.broadcast %and3A_467 : i32 to vector<16xi32>
    %and3A_469 = arith.andi %get3A_463, %and3A_468 : vector<16xi32>
    %shift_left3A_470 = arith.constant 11 : i32
    %shift_left3A_471 = vector.broadcast %shift_left3A_470 : i32 to vector<16xi32>
    %shift_left3A_472 = arith.shli %shift_right_logical3A_466, %shift_left3A_471 : vector<16xi32>
    %or3A_473 = arith.ori %shift_left3A_472, %and3A_469 : vector<16xi32>
    %swap3A_474 = arith.constant 2 : i32
    %swap3A_475 = arith.index_cast %swap3A_474 : i32 to index
    %swap3A_476 = arith.constant 96 : index
    %swap3A_477 = tpu.vector_load %arg11[%swap3A_475, %swap3A_476] {strides = array<i32>} : memref<4x128xi32, #tpu.memory_space<vmem>>, vector<1x16xi32>,
    %swap3A_478 = vector.shape_cast %swap3A_477 : vector<1x16xi32> to vector<16xi32>
    %swap3A_479 = vector.shape_cast %or3A_473 : vector<16xi32> to vector<1x16xi32>
    tpu.vector_store %arg11[%swap3A_475, %swap3A_476], %swap3A_479 {strides = array<i32>} : memref<4x128xi32, #tpu.memory_space<vmem>>, vector<1x16xi32>,
    %get3A_480 = arith.constant 2 : i32
    %get3A_481 = arith.index_cast %get3A_480 : i32 to index
    %get3A_482 = arith.constant 112 : index
    %get3A_483 = tpu.vector_load %arg11[%get3A_481, %get3A_482] {strides = array<i32>} : memref<4x128xi32, #tpu.memory_space<vmem>>, vector<1x16xi32>,
    %get3A_484 = vector.shape_cast %get3A_483 : vector<1x16xi32> to vector<16xi32>
    %shift_right_logical3A_485 = arith.constant 13 : i32
    %shift_right_logical3A_486 = vector.broadcast %shift_right_logical3A_485 : i32 to vector<16xi32>
    %shift_right_logical3A_487 = arith.shrui %get3A_484, %shift_right_logical3A_486 : vector<16xi32>
    %and3A_488 = arith.constant 2047 : i32
    %and3A_489 = vector.broadcast %and3A_488 : i32 to vector<16xi32>
    %and3A_490 = arith.andi %get3A_484, %and3A_489 : vector<16xi32>
    %shift_left3A_491 = arith.constant 11 : i32
    %shift_left3A_492 = vector.broadcast %shift_left3A_491 : i32 to vector<16xi32>
    %shift_left3A_493 = arith.shli %shift_right_logical3A_487, %shift_left3A_492 : vector<16xi32>
    %or3A_494 = arith.ori %shift_left3A_493, %and3A_490 : vector<16xi32>
    %swap3A_495 = arith.constant 2 : i32
    %swap3A_496 = arith.index_cast %swap3A_495 : i32 to index
    %swap3A_497 = arith.constant 112 : index
    %swap3A_498 = tpu.vector_load %arg11[%swap3A_496, %swap3A_497] {strides = array<i32>} : memref<4x128xi32, #tpu.memory_space<vmem>>, vector<1x16xi32>,
    %swap3A_499 = vector.shape_cast %swap3A_498 : vector<1x16xi32> to vector<16xi32>
    %swap3A_500 = vector.shape_cast %or3A_494 : vector<16xi32> to vector<1x16xi32>
    tpu.vector_store %arg11[%swap3A_496, %swap3A_497], %swap3A_500 {strides = array<i32>} : memref<4x128xi32, #tpu.memory_space<vmem>>, vector<1x16xi32>,
    %get3A_501 = arith.constant 3 : i32
    %get3A_502 = arith.index_cast %get3A_501 : i32 to index
    %get3A_503 = arith.constant 0 : index
    %get3A_504 = tpu.vector_load %arg11[%get3A_502, %get3A_503] {strides = array<i32>} : memref<4x128xi32, #tpu.memory_space<vmem>>, vector<1x16xi32>,
    %get3A_505 = vector.shape_cast %get3A_504 : vector<1x16xi32> to vector<16xi32>
    %shift_right_logical3A_506 = arith.constant 13 : i32
    %shift_right_logical3A_507 = vector.broadcast %shift_right_logical3A_506 : i32 to vector<16xi32>
    %shift_right_logical3A_508 = arith.shrui %get3A_505, %shift_right_logical3A_507 : vector<16xi32>
    %and3A_509 = arith.constant 2047 : i32
    %and3A_510 = vector.broadcast %and3A_509 : i32 to vector<16xi32>
    %and3A_511 = arith.andi %get3A_505, %and3A_510 : vector<16xi32>
    %shift_left3A_512 = arith.constant 11 : i32
    %shift_left3A_513 = vector.broadcast %shift_left3A_512 : i32 to vector<16xi32>
    %shift_left3A_514 = arith.shli %shift_right_logical3A_508, %shift_left3A_513 : vector<16xi32>
    %or3A_515 = arith.ori %shift_left3A_514, %and3A_511 : vector<16xi32>
    %swap3A_516 = arith.constant 3 : i32
    %swap3A_517 = arith.index_cast %swap3A_516 : i32 to index
    %swap3A_518 = arith.constant 0 : index
    %swap3A_519 = tpu.vector_load %arg11[%swap3A_517, %swap3A_518] {strides = array<i32>} : memref<4x128xi32, #tpu.memory_space<vmem>>, vector<1x16xi32>,
    %swap3A_520 = vector.shape_cast %swap3A_519 : vector<1x16xi32> to vector<16xi32>
    %swap3A_521 = vector.shape_cast %or3A_515 : vector<16xi32> to vector<1x16xi32>
    tpu.vector_store %arg11[%swap3A_517, %swap3A_518], %swap3A_521 {strides = array<i32>} : memref<4x128xi32, #tpu.memory_space<vmem>>, vector<1x16xi32>,
    %get3A_522 = arith.constant 3 : i32
    %get3A_523 = arith.index_cast %get3A_522 : i32 to index
    %get3A_524 = arith.constant 16 : index
    %get3A_525 = tpu.vector_load %arg11[%get3A_523, %get3A_524] {strides = array<i32>} : memref<4x128xi32, #tpu.memory_space<vmem>>, vector<1x16xi32>,
    %get3A_526 = vector.shape_cast %get3A_525 : vector<1x16xi32> to vector<16xi32>
    %shift_right_logical3A_527 = arith.constant 13 : i32
    %shift_right_logical3A_528 = vector.broadcast %shift_right_logical3A_527 : i32 to vector<16xi32>
    %shift_right_logical3A_529 = arith.shrui %get3A_526, %shift_right_logical3A_528 : vector<16xi32>
    %and3A_530 = arith.constant 2047 : i32
    %and3A_531 = vector.broadcast %and3A_530 : i32 to vector<16xi32>
    %and3A_532 = arith.andi %get3A_526, %and3A_531 : vector<16xi32>
    %shift_left3A_533 = arith.constant 11 : i32
    %shift_left3A_534 = vector.broadcast %shift_left3A_533 : i32 to vector<16xi32>
    %shift_left3A_535 = arith.shli %shift_right_logical3A_529, %shift_left3A_534 : vector<16xi32>
    %or3A_536 = arith.ori %shift_left3A_535, %and3A_532 : vector<16xi32>
    %swap3A_537 = arith.constant 3 : i32
    %swap3A_538 = arith.index_cast %swap3A_537 : i32 to index
    %swap3A_539 = arith.constant 16 : index
    %swap3A_540 = tpu.vector_load %arg11[%swap3A_538, %swap3A_539] {strides = array<i32>} : memref<4x128xi32, #tpu.memory_space<vmem>>, vector<1x16xi32>,
    %swap3A_541 = vector.shape_cast %swap3A_540 : vector<1x16xi32> to vector<16xi32>
    %swap3A_542 = vector.shape_cast %or3A_536 : vector<16xi32> to vector<1x16xi32>
    tpu.vector_store %arg11[%swap3A_538, %swap3A_539], %swap3A_542 {strides = array<i32>} : memref<4x128xi32, #tpu.memory_space<vmem>>, vector<1x16xi32>,
    %get3A_543 = arith.constant 3 : i32
    %get3A_544 = arith.index_cast %get3A_543 : i32 to index
    %get3A_545 = arith.constant 32 : index
    %get3A_546 = tpu.vector_load %arg11[%get3A_544, %get3A_545] {strides = array<i32>} : memref<4x128xi32, #tpu.memory_space<vmem>>, vector<1x16xi32>,
    %get3A_547 = vector.shape_cast %get3A_546 : vector<1x16xi32> to vector<16xi32>
    %shift_right_logical3A_548 = arith.constant 13 : i32
    %shift_right_logical3A_549 = vector.broadcast %shift_right_logical3A_548 : i32 to vector<16xi32>
    %shift_right_logical3A_550 = arith.shrui %get3A_547, %shift_right_logical3A_549 : vector<16xi32>
    %and3A_551 = arith.constant 2047 : i32
    %and3A_552 = vector.broadcast %and3A_551 : i32 to vector<16xi32>
    %and3A_553 = arith.andi %get3A_547, %and3A_552 : vector<16xi32>
    %shift_left3A_554 = arith.constant 11 : i32
    %shift_left3A_555 = vector.broadcast %shift_left3A_554 : i32 to vector<16xi32>
    %shift_left3A_556 = arith.shli %shift_right_logical3A_550, %shift_left3A_555 : vector<16xi32>
    %or3A_557 = arith.ori %shift_left3A_556, %and3A_553 : vector<16xi32>
    %swap3A_558 = arith.constant 3 : i32
    %swap3A_559 = arith.index_cast %swap3A_558 : i32 to index
    %swap3A_560 = arith.constant 32 : index
    %swap3A_561 = tpu.vector_load %arg11[%swap3A_559, %swap3A_560] {strides = array<i32>} : memref<4x128xi32, #tpu.memory_space<vmem>>, vector<1x16xi32>,
    %swap3A_562 = vector.shape_cast %swap3A_561 : vector<1x16xi32> to vector<16xi32>
    %swap3A_563 = vector.shape_cast %or3A_557 : vector<16xi32> to vector<1x16xi32>
    tpu.vector_store %arg11[%swap3A_559, %swap3A_560], %swap3A_563 {strides = array<i32>} : memref<4x128xi32, #tpu.memory_space<vmem>>, vector<1x16xi32>,
    %get3A_564 = arith.constant 3 : i32
    %get3A_565 = arith.index_cast %get3A_564 : i32 to index
    %get3A_566 = arith.constant 48 : index
    %get3A_567 = tpu.vector_load %arg11[%get3A_565, %get3A_566] {strides = array<i32>} : memref<4x128xi32, #tpu.memory_space<vmem>>, vector<1x16xi32>,
    %get3A_568 = vector.shape_cast %get3A_567 : vector<1x16xi32> to vector<16xi32>
    %shift_right_logical3A_569 = arith.constant 13 : i32
    %shift_right_logical3A_570 = vector.broadcast %shift_right_logical3A_569 : i32 to vector<16xi32>
    %shift_right_logical3A_571 = arith.shrui %get3A_568, %shift_right_logical3A_570 : vector<16xi32>
    %and3A_572 = arith.constant 2047 : i32
    %and3A_573 = vector.broadcast %and3A_572 : i32 to vector<16xi32>
    %and3A_574 = arith.andi %get3A_568, %and3A_573 : vector<16xi32>
    %shift_left3A_575 = arith.constant 11 : i32
    %shift_left3A_576 = vector.broadcast %shift_left3A_575 : i32 to vector<16xi32>
    %shift_left3A_577 = arith.shli %shift_right_logical3A_571, %shift_left3A_576 : vector<16xi32>
    %or3A_578 = arith.ori %shift_left3A_577, %and3A_574 : vector<16xi32>
    %swap3A_579 = arith.constant 3 : i32
    %swap3A_580 = arith.index_cast %swap3A_579 : i32 to index
    %swap3A_581 = arith.constant 48 : index
    %swap3A_582 = tpu.vector_load %arg11[%swap3A_580, %swap3A_581] {strides = array<i32>} : memref<4x128xi32, #tpu.memory_space<vmem>>, vector<1x16xi32>,
    %swap3A_583 = vector.shape_cast %swap3A_582 : vector<1x16xi32> to vector<16xi32>
    %swap3A_584 = vector.shape_cast %or3A_578 : vector<16xi32> to vector<1x16xi32>
    tpu.vector_store %arg11[%swap3A_580, %swap3A_581], %swap3A_584 {strides = array<i32>} : memref<4x128xi32, #tpu.memory_space<vmem>>, vector<1x16xi32>,
    %get3A_585 = arith.constant 3 : i32
    %get3A_586 = arith.index_cast %get3A_585 : i32 to index
    %get3A_587 = arith.constant 64 : index
    %get3A_588 = tpu.vector_load %arg11[%get3A_586, %get3A_587] {strides = array<i32>} : memref<4x128xi32, #tpu.memory_space<vmem>>, vector<1x16xi32>,
    %get3A_589 = vector.shape_cast %get3A_588 : vector<1x16xi32> to vector<16xi32>
    %shift_right_logical3A_590 = arith.constant 13 : i32
    %shift_right_logical3A_591 = vector.broadcast %shift_right_logical3A_590 : i32 to vector<16xi32>
    %shift_right_logical3A_592 = arith.shrui %get3A_589, %shift_right_logical3A_591 : vector<16xi32>
    %and3A_593 = arith.constant 2047 : i32
    %and3A_594 = vector.broadcast %and3A_593 : i32 to vector<16xi32>
    %and3A_595 = arith.andi %get3A_589, %and3A_594 : vector<16xi32>
    %shift_left3A_596 = arith.constant 11 : i32
    %shift_left3A_597 = vector.broadcast %shift_left3A_596 : i32 to vector<16xi32>
    %shift_left3A_598 = arith.shli %shift_right_logical3A_592, %shift_left3A_597 : vector<16xi32>
    %or3A_599 = arith.ori %shift_left3A_598, %and3A_595 : vector<16xi32>
    %swap3A_600 = arith.constant 3 : i32
    %swap3A_601 = arith.index_cast %swap3A_600 : i32 to index
    %swap3A_602 = arith.constant 64 : index
    %swap3A_603 = tpu.vector_load %arg11[%swap3A_601, %swap3A_602] {strides = array<i32>} : memref<4x128xi32, #tpu.memory_space<vmem>>, vector<1x16xi32>,
    %swap3A_604 = vector.shape_cast %swap3A_603 : vector<1x16xi32> to vector<16xi32>
    %swap3A_605 = vector.shape_cast %or3A_599 : vector<16xi32> to vector<1x16xi32>
    tpu.vector_store %arg11[%swap3A_601, %swap3A_602], %swap3A_605 {strides = array<i32>} : memref<4x128xi32, #tpu.memory_space<vmem>>, vector<1x16xi32>,
    %get3A_606 = arith.constant 3 : i32
    %get3A_607 = arith.index_cast %get3A_606 : i32 to index
    %get3A_608 = arith.constant 80 : index
    %get3A_609 = tpu.vector_load %arg11[%get3A_607, %get3A_608] {strides = array<i32>} : memref<4x128xi32, #tpu.memory_space<vmem>>, vector<1x16xi32>,
    %get3A_610 = vector.shape_cast %get3A_609 : vector<1x16xi32> to vector<16xi32>
    %shift_right_logical3A_611 = arith.constant 13 : i32
    %shift_right_logical3A_612 = vector.broadcast %shift_right_logical3A_611 : i32 to vector<16xi32>
    %shift_right_logical3A_613 = arith.shrui %get3A_610, %shift_right_logical3A_612 : vector<16xi32>
    %and3A_614 = arith.constant 2047 : i32
    %and3A_615 = vector.broadcast %and3A_614 : i32 to vector<16xi32>
    %and3A_616 = arith.andi %get3A_610, %and3A_615 : vector<16xi32>
    %shift_left3A_617 = arith.constant 11 : i32
    %shift_left3A_618 = vector.broadcast %shift_left3A_617 : i32 to vector<16xi32>
    %shift_left3A_619 = arith.shli %shift_right_logical3A_613, %shift_left3A_618 : vector<16xi32>
    %or3A_620 = arith.ori %shift_left3A_619, %and3A_616 : vector<16xi32>
    %swap3A_621 = arith.constant 3 : i32
    %swap3A_622 = arith.index_cast %swap3A_621 : i32 to index
    %swap3A_623 = arith.constant 80 : index
    %swap3A_624 = tpu.vector_load %arg11[%swap3A_622, %swap3A_623] {strides = array<i32>} : memref<4x128xi32, #tpu.memory_space<vmem>>, vector<1x16xi32>,
    %swap3A_625 = vector.shape_cast %swap3A_624 : vector<1x16xi32> to vector<16xi32>
    %swap3A_626 = vector.shape_cast %or3A_620 : vector<16xi32> to vector<1x16xi32>
    tpu.vector_store %arg11[%swap3A_622, %swap3A_623], %swap3A_626 {strides = array<i32>} : memref<4x128xi32, #tpu.memory_space<vmem>>, vector<1x16xi32>,
    %get3A_627 = arith.constant 3 : i32
    %get3A_628 = arith.index_cast %get3A_627 : i32 to index
    %get3A_629 = arith.constant 96 : index
    %get3A_630 = tpu.vector_load %arg11[%get3A_628, %get3A_629] {strides = array<i32>} : memref<4x128xi32, #tpu.memory_space<vmem>>, vector<1x16xi32>,
    %get3A_631 = vector.shape_cast %get3A_630 : vector<1x16xi32> to vector<16xi32>
    %shift_right_logical3A_632 = arith.constant 13 : i32
    %shift_right_logical3A_633 = vector.broadcast %shift_right_logical3A_632 : i32 to vector<16xi32>
    %shift_right_logical3A_634 = arith.shrui %get3A_631, %shift_right_logical3A_633 : vector<16xi32>
    %and3A_635 = arith.constant 2047 : i32
    %and3A_636 = vector.broadcast %and3A_635 : i32 to vector<16xi32>
    %and3A_637 = arith.andi %get3A_631, %and3A_636 : vector<16xi32>
    %shift_left3A_638 = arith.constant 11 : i32
    %shift_left3A_639 = vector.broadcast %shift_left3A_638 : i32 to vector<16xi32>
    %shift_left3A_640 = arith.shli %shift_right_logical3A_634, %shift_left3A_639 : vector<16xi32>
    %or3A_641 = arith.ori %shift_left3A_640, %and3A_637 : vector<16xi32>
    %swap3A_642 = arith.constant 3 : i32
    %swap3A_643 = arith.index_cast %swap3A_642 : i32 to index
    %swap3A_644 = arith.constant 96 : index
    %swap3A_645 = tpu.vector_load %arg11[%swap3A_643, %swap3A_644] {strides = array<i32>} : memref<4x128xi32, #tpu.memory_space<vmem>>, vector<1x16xi32>,
    %swap3A_646 = vector.shape_cast %swap3A_645 : vector<1x16xi32> to vector<16xi32>
    %swap3A_647 = vector.shape_cast %or3A_641 : vector<16xi32> to vector<1x16xi32>
    tpu.vector_store %arg11[%swap3A_643, %swap3A_644], %swap3A_647 {strides = array<i32>} : memref<4x128xi32, #tpu.memory_space<vmem>>, vector<1x16xi32>,
    %get3A_648 = arith.constant 3 : i32
    %get3A_649 = arith.index_cast %get3A_648 : i32 to index
    %get3A_650 = arith.constant 112 : index
    %get3A_651 = tpu.vector_load %arg11[%get3A_649, %get3A_650] {strides = array<i32>} : memref<4x128xi32, #tpu.memory_space<vmem>>, vector<1x16xi32>,
    %get3A_652 = vector.shape_cast %get3A_651 : vector<1x16xi32> to vector<16xi32>
    %shift_right_logical3A_653 = arith.constant 13 : i32
    %shift_right_logical3A_654 = vector.broadcast %shift_right_logical3A_653 : i32 to vector<16xi32>
    %shift_right_logical3A_655 = arith.shrui %get3A_652, %shift_right_logical3A_654 : vector<16xi32>
    %and3A_656 = arith.constant 2047 : i32
    %and3A_657 = vector.broadcast %and3A_656 : i32 to vector<16xi32>
    %and3A_658 = arith.andi %get3A_652, %and3A_657 : vector<16xi32>
    %shift_left3A_659 = arith.constant 11 : i32
    %shift_left3A_660 = vector.broadcast %shift_left3A_659 : i32 to vector<16xi32>
    %shift_left3A_661 = arith.shli %shift_right_logical3A_655, %shift_left3A_660 : vector<16xi32>
    %or3A_662 = arith.ori %shift_left3A_661, %and3A_658 : vector<16xi32>
    %swap3A_663 = arith.constant 3 : i32
    %swap3A_664 = arith.index_cast %swap3A_663 : i32 to index
    %swap3A_665 = arith.constant 112 : index
    %swap3A_666 = tpu.vector_load %arg11[%swap3A_664, %swap3A_665] {strides = array<i32>} : memref<4x128xi32, #tpu.memory_space<vmem>>, vector<1x16xi32>,
    %swap3A_667 = vector.shape_cast %swap3A_666 : vector<1x16xi32> to vector<16xi32>
    %swap3A_668 = vector.shape_cast %or3A_662 : vector<16xi32> to vector<1x16xi32>
    tpu.vector_store %arg11[%swap3A_664, %swap3A_665], %swap3A_668 {strides = array<i32>} : memref<4x128xi32, #tpu.memory_space<vmem>>, vector<1x16xi32>,
    %get3A_669 = arith.constant 0 : i32
    %get3A_670 = arith.index_cast %get3A_669 : i32 to index
    %get3A_671 = arith.constant 0 : index
    %get3A_672 = tpu.vector_load %arg12[%get3A_670, %get3A_671] {strides = array<i32>} : memref<4x128xi32, #tpu.memory_space<vmem>>, vector<1x16xi32>,
    %get3A_673 = vector.shape_cast %get3A_672 : vector<1x16xi32> to vector<16xi32>
    %shift_right_logical3A_674 = arith.constant 13 : i32
    %shift_right_logical3A_675 = vector.broadcast %shift_right_logical3A_674 : i32 to vector<16xi32>
    %shift_right_logical3A_676 = arith.shrui %get3A_673, %shift_right_logical3A_675 : vector<16xi32>
    %and3A_677 = arith.constant 2047 : i32
    %and3A_678 = vector.broadcast %and3A_677 : i32 to vector<16xi32>
    %and3A_679 = arith.andi %get3A_673, %and3A_678 : vector<16xi32>
    %shift_left3A_680 = arith.constant 11 : i32
    %shift_left3A_681 = vector.broadcast %shift_left3A_680 : i32 to vector<16xi32>
    %shift_left3A_682 = arith.shli %shift_right_logical3A_676, %shift_left3A_681 : vector<16xi32>
    %or3A_683 = arith.ori %shift_left3A_682, %and3A_679 : vector<16xi32>
    %swap3A_684 = arith.constant 0 : i32
    %swap3A_685 = arith.index_cast %swap3A_684 : i32 to index
    %swap3A_686 = arith.constant 0 : index
    %swap3A_687 = tpu.vector_load %arg12[%swap3A_685, %swap3A_686] {strides = array<i32>} : memref<4x128xi32, #tpu.memory_space<vmem>>, vector<1x16xi32>,
    %swap3A_688 = vector.shape_cast %swap3A_687 : vector<1x16xi32> to vector<16xi32>
    %swap3A_689 = vector.shape_cast %or3A_683 : vector<16xi32> to vector<1x16xi32>
    tpu.vector_store %arg12[%swap3A_685, %swap3A_686], %swap3A_689 {strides = array<i32>} : memref<4x128xi32, #tpu.memory_space<vmem>>, vector<1x16xi32>,
    %get3A_690 = arith.constant 0 : i32
    %get3A_691 = arith.index_cast %get3A_690 : i32 to index
    %get3A_692 = arith.constant 16 : index
    %get3A_693 = tpu.vector_load %arg12[%get3A_691, %get3A_692] {strides = array<i32>} : memref<4x128xi32, #tpu.memory_space<vmem>>, vector<1x16xi32>,
    %get3A_694 = vector.shape_cast %get3A_693 : vector<1x16xi32> to vector<16xi32>
    %shift_right_logical3A_695 = arith.constant 13 : i32
    %shift_right_logical3A_696 = vector.broadcast %shift_right_logical3A_695 : i32 to vector<16xi32>
    %shift_right_logical3A_697 = arith.shrui %get3A_694, %shift_right_logical3A_696 : vector<16xi32>
    %and3A_698 = arith.constant 2047 : i32
    %and3A_699 = vector.broadcast %and3A_698 : i32 to vector<16xi32>
    %and3A_700 = arith.andi %get3A_694, %and3A_699 : vector<16xi32>
    %shift_left3A_701 = arith.constant 11 : i32
    %shift_left3A_702 = vector.broadcast %shift_left3A_701 : i32 to vector<16xi32>
    %shift_left3A_703 = arith.shli %shift_right_logical3A_697, %shift_left3A_702 : vector<16xi32>
    %or3A_704 = arith.ori %shift_left3A_703, %and3A_700 : vector<16xi32>
    %swap3A_705 = arith.constant 0 : i32
    %swap3A_706 = arith.index_cast %swap3A_705 : i32 to index
    %swap3A_707 = arith.constant 16 : index
    %swap3A_708 = tpu.vector_load %arg12[%swap3A_706, %swap3A_707] {strides = array<i32>} : memref<4x128xi32, #tpu.memory_space<vmem>>, vector<1x16xi32>,
    %swap3A_709 = vector.shape_cast %swap3A_708 : vector<1x16xi32> to vector<16xi32>
    %swap3A_710 = vector.shape_cast %or3A_704 : vector<16xi32> to vector<1x16xi32>
    tpu.vector_store %arg12[%swap3A_706, %swap3A_707], %swap3A_710 {strides = array<i32>} : memref<4x128xi32, #tpu.memory_space<vmem>>, vector<1x16xi32>,
    %get3A_711 = arith.constant 0 : i32
    %get3A_712 = arith.index_cast %get3A_711 : i32 to index
    %get3A_713 = arith.constant 32 : index
    %get3A_714 = tpu.vector_load %arg12[%get3A_712, %get3A_713] {strides = array<i32>} : memref<4x128xi32, #tpu.memory_space<vmem>>, vector<1x16xi32>,
    %get3A_715 = vector.shape_cast %get3A_714 : vector<1x16xi32> to vector<16xi32>
    %shift_right_logical3A_716 = arith.constant 13 : i32
    %shift_right_logical3A_717 = vector.broadcast %shift_right_logical3A_716 : i32 to vector<16xi32>
    %shift_right_logical3A_718 = arith.shrui %get3A_715, %shift_right_logical3A_717 : vector<16xi32>
    %and3A_719 = arith.constant 2047 : i32
    %and3A_720 = vector.broadcast %and3A_719 : i32 to vector<16xi32>
    %and3A_721 = arith.andi %get3A_715, %and3A_720 : vector<16xi32>
    %shift_left3A_722 = arith.constant 11 : i32
    %shift_left3A_723 = vector.broadcast %shift_left3A_722 : i32 to vector<16xi32>
    %shift_left3A_724 = arith.shli %shift_right_logical3A_718, %shift_left3A_723 : vector<16xi32>
    %or3A_725 = arith.ori %shift_left3A_724, %and3A_721 : vector<16xi32>
    %swap3A_726 = arith.constant 0 : i32
    %swap3A_727 = arith.index_cast %swap3A_726 : i32 to index
    %swap3A_728 = arith.constant 32 : index
    %swap3A_729 = tpu.vector_load %arg12[%swap3A_727, %swap3A_728] {strides = array<i32>} : memref<4x128xi32, #tpu.memory_space<vmem>>, vector<1x16xi32>,
    %swap3A_730 = vector.shape_cast %swap3A_729 : vector<1x16xi32> to vector<16xi32>
    %swap3A_731 = vector.shape_cast %or3A_725 : vector<16xi32> to vector<1x16xi32>
    tpu.vector_store %arg12[%swap3A_727, %swap3A_728], %swap3A_731 {strides = array<i32>} : memref<4x128xi32, #tpu.memory_space<vmem>>, vector<1x16xi32>,
    %get3A_732 = arith.constant 0 : i32
    %get3A_733 = arith.index_cast %get3A_732 : i32 to index
    %get3A_734 = arith.constant 48 : index
    %get3A_735 = tpu.vector_load %arg12[%get3A_733, %get3A_734] {strides = array<i32>} : memref<4x128xi32, #tpu.memory_space<vmem>>, vector<1x16xi32>,
    %get3A_736 = vector.shape_cast %get3A_735 : vector<1x16xi32> to vector<16xi32>
    %shift_right_logical3A_737 = arith.constant 13 : i32
    %shift_right_logical3A_738 = vector.broadcast %shift_right_logical3A_737 : i32 to vector<16xi32>
    %shift_right_logical3A_739 = arith.shrui %get3A_736, %shift_right_logical3A_738 : vector<16xi32>
    %and3A_740 = arith.constant 2047 : i32
    %and3A_741 = vector.broadcast %and3A_740 : i32 to vector<16xi32>
    %and3A_742 = arith.andi %get3A_736, %and3A_741 : vector<16xi32>
    %shift_left3A_743 = arith.constant 11 : i32
    %shift_left3A_744 = vector.broadcast %shift_left3A_743 : i32 to vector<16xi32>
    %shift_left3A_745 = arith.shli %shift_right_logical3A_739, %shift_left3A_744 : vector<16xi32>
    %or3A_746 = arith.ori %shift_left3A_745, %and3A_742 : vector<16xi32>
    %swap3A_747 = arith.constant 0 : i32
    %swap3A_748 = arith.index_cast %swap3A_747 : i32 to index
    %swap3A_749 = arith.constant 48 : index
    %swap3A_750 = tpu.vector_load %arg12[%swap3A_748, %swap3A_749] {strides = array<i32>} : memref<4x128xi32, #tpu.memory_space<vmem>>, vector<1x16xi32>,
    %swap3A_751 = vector.shape_cast %swap3A_750 : vector<1x16xi32> to vector<16xi32>
    %swap3A_752 = vector.shape_cast %or3A_746 : vector<16xi32> to vector<1x16xi32>
    tpu.vector_store %arg12[%swap3A_748, %swap3A_749], %swap3A_752 {strides = array<i32>} : memref<4x128xi32, #tpu.memory_space<vmem>>, vector<1x16xi32>,
    %get3A_753 = arith.constant 0 : i32
    %get3A_754 = arith.index_cast %get3A_753 : i32 to index
    %get3A_755 = arith.constant 64 : index
    %get3A_756 = tpu.vector_load %arg12[%get3A_754, %get3A_755] {strides = array<i32>} : memref<4x128xi32, #tpu.memory_space<vmem>>, vector<1x16xi32>,
    %get3A_757 = vector.shape_cast %get3A_756 : vector<1x16xi32> to vector<16xi32>
    %shift_right_logical3A_758 = arith.constant 13 : i32
    %shift_right_logical3A_759 = vector.broadcast %shift_right_logical3A_758 : i32 to vector<16xi32>
    %shift_right_logical3A_760 = arith.shrui %get3A_757, %shift_right_logical3A_759 : vector<16xi32>
    %and3A_761 = arith.constant 2047 : i32
    %and3A_762 = vector.broadcast %and3A_761 : i32 to vector<16xi32>
    %and3A_763 = arith.andi %get3A_757, %and3A_762 : vector<16xi32>
    %shift_left3A_764 = arith.constant 11 : i32
    %shift_left3A_765 = vector.broadcast %shift_left3A_764 : i32 to vector<16xi32>
    %shift_left3A_766 = arith.shli %shift_right_logical3A_760, %shift_left3A_765 : vector<16xi32>
    %or3A_767 = arith.ori %shift_left3A_766, %and3A_763 : vector<16xi32>
    %swap3A_768 = arith.constant 0 : i32
    %swap3A_769 = arith.index_cast %swap3A_768 : i32 to index
    %swap3A_770 = arith.constant 64 : index
    %swap3A_771 = tpu.vector_load %arg12[%swap3A_769, %swap3A_770] {strides = array<i32>} : memref<4x128xi32, #tpu.memory_space<vmem>>, vector<1x16xi32>,
    %swap3A_772 = vector.shape_cast %swap3A_771 : vector<1x16xi32> to vector<16xi32>
    %swap3A_773 = vector.shape_cast %or3A_767 : vector<16xi32> to vector<1x16xi32>
    tpu.vector_store %arg12[%swap3A_769, %swap3A_770], %swap3A_773 {strides = array<i32>} : memref<4x128xi32, #tpu.memory_space<vmem>>, vector<1x16xi32>,
    %get3A_774 = arith.constant 0 : i32
    %get3A_775 = arith.index_cast %get3A_774 : i32 to index
    %get3A_776 = arith.constant 80 : index
    %get3A_777 = tpu.vector_load %arg12[%get3A_775, %get3A_776] {strides = array<i32>} : memref<4x128xi32, #tpu.memory_space<vmem>>, vector<1x16xi32>,
    %get3A_778 = vector.shape_cast %get3A_777 : vector<1x16xi32> to vector<16xi32>
    %shift_right_logical3A_779 = arith.constant 13 : i32
    %shift_right_logical3A_780 = vector.broadcast %shift_right_logical3A_779 : i32 to vector<16xi32>
    %shift_right_logical3A_781 = arith.shrui %get3A_778, %shift_right_logical3A_780 : vector<16xi32>
    %and3A_782 = arith.constant 2047 : i32
    %and3A_783 = vector.broadcast %and3A_782 : i32 to vector<16xi32>
    %and3A_784 = arith.andi %get3A_778, %and3A_783 : vector<16xi32>
    %shift_left3A_785 = arith.constant 11 : i32
    %shift_left3A_786 = vector.broadcast %shift_left3A_785 : i32 to vector<16xi32>
    %shift_left3A_787 = arith.shli %shift_right_logical3A_781, %shift_left3A_786 : vector<16xi32>
    %or3A_788 = arith.ori %shift_left3A_787, %and3A_784 : vector<16xi32>
    %swap3A_789 = arith.constant 0 : i32
    %swap3A_790 = arith.index_cast %swap3A_789 : i32 to index
    %swap3A_791 = arith.constant 80 : index
    %swap3A_792 = tpu.vector_load %arg12[%swap3A_790, %swap3A_791] {strides = array<i32>} : memref<4x128xi32, #tpu.memory_space<vmem>>, vector<1x16xi32>,
    %swap3A_793 = vector.shape_cast %swap3A_792 : vector<1x16xi32> to vector<16xi32>
    %swap3A_794 = vector.shape_cast %or3A_788 : vector<16xi32> to vector<1x16xi32>
    tpu.vector_store %arg12[%swap3A_790, %swap3A_791], %swap3A_794 {strides = array<i32>} : memref<4x128xi32, #tpu.memory_space<vmem>>, vector<1x16xi32>,
    %get3A_795 = arith.constant 0 : i32
    %get3A_796 = arith.index_cast %get3A_795 : i32 to index
    %get3A_797 = arith.constant 96 : index
    %get3A_798 = tpu.vector_load %arg12[%get3A_796, %get3A_797] {strides = array<i32>} : memref<4x128xi32, #tpu.memory_space<vmem>>, vector<1x16xi32>,
    %get3A_799 = vector.shape_cast %get3A_798 : vector<1x16xi32> to vector<16xi32>
    %shift_right_logical3A_800 = arith.constant 13 : i32
    %shift_right_logical3A_801 = vector.broadcast %shift_right_logical3A_800 : i32 to vector<16xi32>
    %shift_right_logical3A_802 = arith.shrui %get3A_799, %shift_right_logical3A_801 : vector<16xi32>
    %and3A_803 = arith.constant 2047 : i32
    %and3A_804 = vector.broadcast %and3A_803 : i32 to vector<16xi32>
    %and3A_805 = arith.andi %get3A_799, %and3A_804 : vector<16xi32>
    %shift_left3A_806 = arith.constant 11 : i32
    %shift_left3A_807 = vector.broadcast %shift_left3A_806 : i32 to vector<16xi32>
    %shift_left3A_808 = arith.shli %shift_right_logical3A_802, %shift_left3A_807 : vector<16xi32>
    %or3A_809 = arith.ori %shift_left3A_808, %and3A_805 : vector<16xi32>
    %swap3A_810 = arith.constant 0 : i32
    %swap3A_811 = arith.index_cast %swap3A_810 : i32 to index
    %swap3A_812 = arith.constant 96 : index
    %swap3A_813 = tpu.vector_load %arg12[%swap3A_811, %swap3A_812] {strides = array<i32>} : memref<4x128xi32, #tpu.memory_space<vmem>>, vector<1x16xi32>,
    %swap3A_814 = vector.shape_cast %swap3A_813 : vector<1x16xi32> to vector<16xi32>
    %swap3A_815 = vector.shape_cast %or3A_809 : vector<16xi32> to vector<1x16xi32>
    tpu.vector_store %arg12[%swap3A_811, %swap3A_812], %swap3A_815 {strides = array<i32>} : memref<4x128xi32, #tpu.memory_space<vmem>>, vector<1x16xi32>,
    %get3A_816 = arith.constant 0 : i32
    %get3A_817 = arith.index_cast %get3A_816 : i32 to index
    %get3A_818 = arith.constant 112 : index
    %get3A_819 = tpu.vector_load %arg12[%get3A_817, %get3A_818] {strides = array<i32>} : memref<4x128xi32, #tpu.memory_space<vmem>>, vector<1x16xi32>,
    %get3A_820 = vector.shape_cast %get3A_819 : vector<1x16xi32> to vector<16xi32>
    %shift_right_logical3A_821 = arith.constant 13 : i32
    %shift_right_logical3A_822 = vector.broadcast %shift_right_logical3A_821 : i32 to vector<16xi32>
    %shift_right_logical3A_823 = arith.shrui %get3A_820, %shift_right_logical3A_822 : vector<16xi32>
    %and3A_824 = arith.constant 2047 : i32
    %and3A_825 = vector.broadcast %and3A_824 : i32 to vector<16xi32>
    %and3A_826 = arith.andi %get3A_820, %and3A_825 : vector<16xi32>
    %shift_left3A_827 = arith.constant 11 : i32
    %shift_left3A_828 = vector.broadcast %shift_left3A_827 : i32 to vector<16xi32>
    %shift_left3A_829 = arith.shli %shift_right_logical3A_823, %shift_left3A_828 : vector<16xi32>
    %or3A_830 = arith.ori %shift_left3A_829, %and3A_826 : vector<16xi32>
    %swap3A_831 = arith.constant 0 : i32
    %swap3A_832 = arith.index_cast %swap3A_831 : i32 to index
    %swap3A_833 = arith.constant 112 : index
    %swap3A_834 = tpu.vector_load %arg12[%swap3A_832, %swap3A_833] {strides = array<i32>} : memref<4x128xi32, #tpu.memory_space<vmem>>, vector<1x16xi32>,
    %swap3A_835 = vector.shape_cast %swap3A_834 : vector<1x16xi32> to vector<16xi32>
    %swap3A_836 = vector.shape_cast %or3A_830 : vector<16xi32> to vector<1x16xi32>
    tpu.vector_store %arg12[%swap3A_832, %swap3A_833], %swap3A_836 {strides = array<i32>} : memref<4x128xi32, #tpu.memory_space<vmem>>, vector<1x16xi32>,
    %get3A_837 = arith.constant 1 : i32
    %get3A_838 = arith.index_cast %get3A_837 : i32 to index
    %get3A_839 = arith.constant 0 : index
    %get3A_840 = tpu.vector_load %arg12[%get3A_838, %get3A_839] {strides = array<i32>} : memref<4x128xi32, #tpu.memory_space<vmem>>, vector<1x16xi32>,
    %get3A_841 = vector.shape_cast %get3A_840 : vector<1x16xi32> to vector<16xi32>
    %shift_right_logical3A_842 = arith.constant 13 : i32
    %shift_right_logical3A_843 = vector.broadcast %shift_right_logical3A_842 : i32 to vector<16xi32>
    %shift_right_logical3A_844 = arith.shrui %get3A_841, %shift_right_logical3A_843 : vector<16xi32>
    %and3A_845 = arith.constant 2047 : i32
    %and3A_846 = vector.broadcast %and3A_845 : i32 to vector<16xi32>
    %and3A_847 = arith.andi %get3A_841, %and3A_846 : vector<16xi32>
    %shift_left3A_848 = arith.constant 11 : i32
    %shift_left3A_849 = vector.broadcast %shift_left3A_848 : i32 to vector<16xi32>
    %shift_left3A_850 = arith.shli %shift_right_logical3A_844, %shift_left3A_849 : vector<16xi32>
    %or3A_851 = arith.ori %shift_left3A_850, %and3A_847 : vector<16xi32>
    %swap3A_852 = arith.constant 1 : i32
    %swap3A_853 = arith.index_cast %swap3A_852 : i32 to index
    %swap3A_854 = arith.constant 0 : index
    %swap3A_855 = tpu.vector_load %arg12[%swap3A_853, %swap3A_854] {strides = array<i32>} : memref<4x128xi32, #tpu.memory_space<vmem>>, vector<1x16xi32>,
    %swap3A_856 = vector.shape_cast %swap3A_855 : vector<1x16xi32> to vector<16xi32>
    %swap3A_857 = vector.shape_cast %or3A_851 : vector<16xi32> to vector<1x16xi32>
    tpu.vector_store %arg12[%swap3A_853, %swap3A_854], %swap3A_857 {strides = array<i32>} : memref<4x128xi32, #tpu.memory_space<vmem>>, vector<1x16xi32>,
    %get3A_858 = arith.constant 1 : i32
    %get3A_859 = arith.index_cast %get3A_858 : i32 to index
    %get3A_860 = arith.constant 16 : index
    %get3A_861 = tpu.vector_load %arg12[%get3A_859, %get3A_860] {strides = array<i32>} : memref<4x128xi32, #tpu.memory_space<vmem>>, vector<1x16xi32>,
    %get3A_862 = vector.shape_cast %get3A_861 : vector<1x16xi32> to vector<16xi32>
    %shift_right_logical3A_863 = arith.constant 13 : i32
    %shift_right_logical3A_864 = vector.broadcast %shift_right_logical3A_863 : i32 to vector<16xi32>
    %shift_right_logical3A_865 = arith.shrui %get3A_862, %shift_right_logical3A_864 : vector<16xi32>
    %and3A_866 = arith.constant 2047 : i32
    %and3A_867 = vector.broadcast %and3A_866 : i32 to vector<16xi32>
    %and3A_868 = arith.andi %get3A_862, %and3A_867 : vector<16xi32>
    %shift_left3A_869 = arith.constant 11 : i32
    %shift_left3A_870 = vector.broadcast %shift_left3A_869 : i32 to vector<16xi32>
    %shift_left3A_871 = arith.shli %shift_right_logical3A_865, %shift_left3A_870 : vector<16xi32>
    %or3A_872 = arith.ori %shift_left3A_871, %and3A_868 : vector<16xi32>
    %swap3A_873 = arith.constant 1 : i32
    %swap3A_874 = arith.index_cast %swap3A_873 : i32 to index
    %swap3A_875 = arith.constant 16 : index
    %swap3A_876 = tpu.vector_load %arg12[%swap3A_874, %swap3A_875] {strides = array<i32>} : memref<4x128xi32, #tpu.memory_space<vmem>>, vector<1x16xi32>,
    %swap3A_877 = vector.shape_cast %swap3A_876 : vector<1x16xi32> to vector<16xi32>
    %swap3A_878 = vector.shape_cast %or3A_872 : vector<16xi32> to vector<1x16xi32>
    tpu.vector_store %arg12[%swap3A_874, %swap3A_875], %swap3A_878 {strides = array<i32>} : memref<4x128xi32, #tpu.memory_space<vmem>>, vector<1x16xi32>,
    %get3A_879 = arith.constant 1 : i32
    %get3A_880 = arith.index_cast %get3A_879 : i32 to index
    %get3A_881 = arith.constant 32 : index
    %get3A_882 = tpu.vector_load %arg12[%get3A_880, %get3A_881] {strides = array<i32>} : memref<4x128xi32, #tpu.memory_space<vmem>>, vector<1x16xi32>,
    %get3A_883 = vector.shape_cast %get3A_882 : vector<1x16xi32> to vector<16xi32>
    %shift_right_logical3A_884 = arith.constant 13 : i32
    %shift_right_logical3A_885 = vector.broadcast %shift_right_logical3A_884 : i32 to vector<16xi32>
    %shift_right_logical3A_886 = arith.shrui %get3A_883, %shift_right_logical3A_885 : vector<16xi32>
    %and3A_887 = arith.constant 2047 : i32
    %and3A_888 = vector.broadcast %and3A_887 : i32 to vector<16xi32>
    %and3A_889 = arith.andi %get3A_883, %and3A_888 : vector<16xi32>
    %shift_left3A_890 = arith.constant 11 : i32
    %shift_left3A_891 = vector.broadcast %shift_left3A_890 : i32 to vector<16xi32>
    %shift_left3A_892 = arith.shli %shift_right_logical3A_886, %shift_left3A_891 : vector<16xi32>
    %or3A_893 = arith.ori %shift_left3A_892, %and3A_889 : vector<16xi32>
    %swap3A_894 = arith.constant 1 : i32
    %swap3A_895 = arith.index_cast %swap3A_894 : i32 to index
    %swap3A_896 = arith.constant 32 : index
    %swap3A_897 = tpu.vector_load %arg12[%swap3A_895, %swap3A_896] {strides = array<i32>} : memref<4x128xi32, #tpu.memory_space<vmem>>, vector<1x16xi32>,
    %swap3A_898 = vector.shape_cast %swap3A_897 : vector<1x16xi32> to vector<16xi32>
    %swap3A_899 = vector.shape_cast %or3A_893 : vector<16xi32> to vector<1x16xi32>
    tpu.vector_store %arg12[%swap3A_895, %swap3A_896], %swap3A_899 {strides = array<i32>} : memref<4x128xi32, #tpu.memory_space<vmem>>, vector<1x16xi32>,
    %get3A_900 = arith.constant 1 : i32
    %get3A_901 = arith.index_cast %get3A_900 : i32 to index
    %get3A_902 = arith.constant 48 : index
    %get3A_903 = tpu.vector_load %arg12[%get3A_901, %get3A_902] {strides = array<i32>} : memref<4x128xi32, #tpu.memory_space<vmem>>, vector<1x16xi32>,
    %get3A_904 = vector.shape_cast %get3A_903 : vector<1x16xi32> to vector<16xi32>
    %shift_right_logical3A_905 = arith.constant 13 : i32
    %shift_right_logical3A_906 = vector.broadcast %shift_right_logical3A_905 : i32 to vector<16xi32>
    %shift_right_logical3A_907 = arith.shrui %get3A_904, %shift_right_logical3A_906 : vector<16xi32>
    %and3A_908 = arith.constant 2047 : i32
    %and3A_909 = vector.broadcast %and3A_908 : i32 to vector<16xi32>
    %and3A_910 = arith.andi %get3A_904, %and3A_909 : vector<16xi32>
    %shift_left3A_911 = arith.constant 11 : i32
    %shift_left3A_912 = vector.broadcast %shift_left3A_911 : i32 to vector<16xi32>
    %shift_left3A_913 = arith.shli %shift_right_logical3A_907, %shift_left3A_912 : vector<16xi32>
    %or3A_914 = arith.ori %shift_left3A_913, %and3A_910 : vector<16xi32>
    %swap3A_915 = arith.constant 1 : i32
    %swap3A_916 = arith.index_cast %swap3A_915 : i32 to index
    %swap3A_917 = arith.constant 48 : index
    %swap3A_918 = tpu.vector_load %arg12[%swap3A_916, %swap3A_917] {strides = array<i32>} : memref<4x128xi32, #tpu.memory_space<vmem>>, vector<1x16xi32>,
    %swap3A_919 = vector.shape_cast %swap3A_918 : vector<1x16xi32> to vector<16xi32>
    %swap3A_920 = vector.shape_cast %or3A_914 : vector<16xi32> to vector<1x16xi32>
    tpu.vector_store %arg12[%swap3A_916, %swap3A_917], %swap3A_920 {strides = array<i32>} : memref<4x128xi32, #tpu.memory_space<vmem>>, vector<1x16xi32>,
    %get3A_921 = arith.constant 1 : i32
    %get3A_922 = arith.index_cast %get3A_921 : i32 to index
    %get3A_923 = arith.constant 64 : index
    %get3A_924 = tpu.vector_load %arg12[%get3A_922, %get3A_923] {strides = array<i32>} : memref<4x128xi32, #tpu.memory_space<vmem>>, vector<1x16xi32>,
    %get3A_925 = vector.shape_cast %get3A_924 : vector<1x16xi32> to vector<16xi32>
    %shift_right_logical3A_926 = arith.constant 13 : i32
    %shift_right_logical3A_927 = vector.broadcast %shift_right_logical3A_926 : i32 to vector<16xi32>
    %shift_right_logical3A_928 = arith.shrui %get3A_925, %shift_right_logical3A_927 : vector<16xi32>
    %and3A_929 = arith.constant 2047 : i32
    %and3A_930 = vector.broadcast %and3A_929 : i32 to vector<16xi32>
    %and3A_931 = arith.andi %get3A_925, %and3A_930 : vector<16xi32>
    %shift_left3A_932 = arith.constant 11 : i32
    %shift_left3A_933 = vector.broadcast %shift_left3A_932 : i32 to vector<16xi32>
    %shift_left3A_934 = arith.shli %shift_right_logical3A_928, %shift_left3A_933 : vector<16xi32>
    %or3A_935 = arith.ori %shift_left3A_934, %and3A_931 : vector<16xi32>
    %swap3A_936 = arith.constant 1 : i32
    %swap3A_937 = arith.index_cast %swap3A_936 : i32 to index
    %swap3A_938 = arith.constant 64 : index
    %swap3A_939 = tpu.vector_load %arg12[%swap3A_937, %swap3A_938] {strides = array<i32>} : memref<4x128xi32, #tpu.memory_space<vmem>>, vector<1x16xi32>,
    %swap3A_940 = vector.shape_cast %swap3A_939 : vector<1x16xi32> to vector<16xi32>
    %swap3A_941 = vector.shape_cast %or3A_935 : vector<16xi32> to vector<1x16xi32>
    tpu.vector_store %arg12[%swap3A_937, %swap3A_938], %swap3A_941 {strides = array<i32>} : memref<4x128xi32, #tpu.memory_space<vmem>>, vector<1x16xi32>,
    %get3A_942 = arith.constant 1 : i32
    %get3A_943 = arith.index_cast %get3A_942 : i32 to index
    %get3A_944 = arith.constant 80 : index
    %get3A_945 = tpu.vector_load %arg12[%get3A_943, %get3A_944] {strides = array<i32>} : memref<4x128xi32, #tpu.memory_space<vmem>>, vector<1x16xi32>,
    %get3A_946 = vector.shape_cast %get3A_945 : vector<1x16xi32> to vector<16xi32>
    %shift_right_logical3A_947 = arith.constant 13 : i32
    %shift_right_logical3A_948 = vector.broadcast %shift_right_logical3A_947 : i32 to vector<16xi32>
    %shift_right_logical3A_949 = arith.shrui %get3A_946, %shift_right_logical3A_948 : vector<16xi32>
    %and3A_950 = arith.constant 2047 : i32
    %and3A_951 = vector.broadcast %and3A_950 : i32 to vector<16xi32>
    %and3A_952 = arith.andi %get3A_946, %and3A_951 : vector<16xi32>
    %shift_left3A_953 = arith.constant 11 : i32
    %shift_left3A_954 = vector.broadcast %shift_left3A_953 : i32 to vector<16xi32>
    %shift_left3A_955 = arith.shli %shift_right_logical3A_949, %shift_left3A_954 : vector<16xi32>
    %or3A_956 = arith.ori %shift_left3A_955, %and3A_952 : vector<16xi32>
    %swap3A_957 = arith.constant 1 : i32
    %swap3A_958 = arith.index_cast %swap3A_957 : i32 to index
    %swap3A_959 = arith.constant 80 : index
    %swap3A_960 = tpu.vector_load %arg12[%swap3A_958, %swap3A_959] {strides = array<i32>} : memref<4x128xi32, #tpu.memory_space<vmem>>, vector<1x16xi32>,
    %swap3A_961 = vector.shape_cast %swap3A_960 : vector<1x16xi32> to vector<16xi32>
    %swap3A_962 = vector.shape_cast %or3A_956 : vector<16xi32> to vector<1x16xi32>
    tpu.vector_store %arg12[%swap3A_958, %swap3A_959], %swap3A_962 {strides = array<i32>} : memref<4x128xi32, #tpu.memory_space<vmem>>, vector<1x16xi32>,
    %get3A_963 = arith.constant 1 : i32
    %get3A_964 = arith.index_cast %get3A_963 : i32 to index
    %get3A_965 = arith.constant 96 : index
    %get3A_966 = tpu.vector_load %arg12[%get3A_964, %get3A_965] {strides = array<i32>} : memref<4x128xi32, #tpu.memory_space<vmem>>, vector<1x16xi32>,
    %get3A_967 = vector.shape_cast %get3A_966 : vector<1x16xi32> to vector<16xi32>
    %shift_right_logical3A_968 = arith.constant 13 : i32
    %shift_right_logical3A_969 = vector.broadcast %shift_right_logical3A_968 : i32 to vector<16xi32>
    %shift_right_logical3A_970 = arith.shrui %get3A_967, %shift_right_logical3A_969 : vector<16xi32>
    %and3A_971 = arith.constant 2047 : i32
    %and3A_972 = vector.broadcast %and3A_971 : i32 to vector<16xi32>
    %and3A_973 = arith.andi %get3A_967, %and3A_972 : vector<16xi32>
    %shift_left3A_974 = arith.constant 11 : i32
    %shift_left3A_975 = vector.broadcast %shift_left3A_974 : i32 to vector<16xi32>
    %shift_left3A_976 = arith.shli %shift_right_logical3A_970, %shift_left3A_975 : vector<16xi32>
    %or3A_977 = arith.ori %shift_left3A_976, %and3A_973 : vector<16xi32>
    %swap3A_978 = arith.constant 1 : i32
    %swap3A_979 = arith.index_cast %swap3A_978 : i32 to index
    %swap3A_980 = arith.constant 96 : index
    %swap3A_981 = tpu.vector_load %arg12[%swap3A_979, %swap3A_980] {strides = array<i32>} : memref<4x128xi32, #tpu.memory_space<vmem>>, vector<1x16xi32>,
    %swap3A_982 = vector.shape_cast %swap3A_981 : vector<1x16xi32> to vector<16xi32>
    %swap3A_983 = vector.shape_cast %or3A_977 : vector<16xi32> to vector<1x16xi32>
    tpu.vector_store %arg12[%swap3A_979, %swap3A_980], %swap3A_983 {strides = array<i32>} : memref<4x128xi32, #tpu.memory_space<vmem>>, vector<1x16xi32>,
    %get3A_984 = arith.constant 1 : i32
    %get3A_985 = arith.index_cast %get3A_984 : i32 to index
    %get3A_986 = arith.constant 112 : index
    %get3A_987 = tpu.vector_load %arg12[%get3A_985, %get3A_986] {strides = array<i32>} : memref<4x128xi32, #tpu.memory_space<vmem>>, vector<1x16xi32>,
    %get3A_988 = vector.shape_cast %get3A_987 : vector<1x16xi32> to vector<16xi32>
    %shift_right_logical3A_989 = arith.constant 13 : i32
    %shift_right_logical3A_990 = vector.broadcast %shift_right_logical3A_989 : i32 to vector<16xi32>
    %shift_right_logical3A_991 = arith.shrui %get3A_988, %shift_right_logical3A_990 : vector<16xi32>
    %and3A_992 = arith.constant 2047 : i32
    %and3A_993 = vector.broadcast %and3A_992 : i32 to vector<16xi32>
    %and3A_994 = arith.andi %get3A_988, %and3A_993 : vector<16xi32>
    %shift_left3A_995 = arith.constant 11 : i32
    %shift_left3A_996 = vector.broadcast %shift_left3A_995 : i32 to vector<16xi32>
    %shift_left3A_997 = arith.shli %shift_right_logical3A_991, %shift_left3A_996 : vector<16xi32>
    %or3A_998 = arith.ori %shift_left3A_997, %and3A_994 : vector<16xi32>
    %swap3A_999 = arith.constant 1 : i32
    %swap3A_1000 = arith.index_cast %swap3A_999 : i32 to index
    %swap3A_1001 = arith.constant 112 : index
    %swap3A_1002 = tpu.vector_load %arg12[%swap3A_1000, %swap3A_1001] {strides = array<i32>} : memref<4x128xi32, #tpu.memory_space<vmem>>, vector<1x16xi32>,
    %swap3A_1003 = vector.shape_cast %swap3A_1002 : vector<1x16xi32> to vector<16xi32>
    %swap3A_1004 = vector.shape_cast %or3A_998 : vector<16xi32> to vector<1x16xi32>
    tpu.vector_store %arg12[%swap3A_1000, %swap3A_1001], %swap3A_1004 {strides = array<i32>} : memref<4x128xi32, #tpu.memory_space<vmem>>, vector<1x16xi32>,
    %get3A_1005 = arith.constant 2 : i32
    %get3A_1006 = arith.index_cast %get3A_1005 : i32 to index
    %get3A_1007 = arith.constant 0 : index
    %get3A_1008 = tpu.vector_load %arg12[%get3A_1006, %get3A_1007] {strides = array<i32>} : memref<4x128xi32, #tpu.memory_space<vmem>>, vector<1x16xi32>,
    %get3A_1009 = vector.shape_cast %get3A_1008 : vector<1x16xi32> to vector<16xi32>
    %shift_right_logical3A_1010 = arith.constant 13 : i32
    %shift_right_logical3A_1011 = vector.broadcast %shift_right_logical3A_1010 : i32 to vector<16xi32>
    %shift_right_logical3A_1012 = arith.shrui %get3A_1009, %shift_right_logical3A_1011 : vector<16xi32>
    %and3A_1013 = arith.constant 2047 : i32
    %and3A_1014 = vector.broadcast %and3A_1013 : i32 to vector<16xi32>
    %and3A_1015 = arith.andi %get3A_1009, %and3A_1014 : vector<16xi32>
    %shift_left3A_1016 = arith.constant 11 : i32
    %shift_left3A_1017 = vector.broadcast %shift_left3A_1016 : i32 to vector<16xi32>
    %shift_left3A_1018 = arith.shli %shift_right_logical3A_1012, %shift_left3A_1017 : vector<16xi32>
    %or3A_1019 = arith.ori %shift_left3A_1018, %and3A_1015 : vector<16xi32>
    %swap3A_1020 = arith.constant 2 : i32
    %swap3A_1021 = arith.index_cast %swap3A_1020 : i32 to index
    %swap3A_1022 = arith.constant 0 : index
    %swap3A_1023 = tpu.vector_load %arg12[%swap3A_1021, %swap3A_1022] {strides = array<i32>} : memref<4x128xi32, #tpu.memory_space<vmem>>, vector<1x16xi32>,
    %swap3A_1024 = vector.shape_cast %swap3A_1023 : vector<1x16xi32> to vector<16xi32>
    %swap3A_1025 = vector.shape_cast %or3A_1019 : vector<16xi32> to vector<1x16xi32>
    tpu.vector_store %arg12[%swap3A_1021, %swap3A_1022], %swap3A_1025 {strides = array<i32>} : memref<4x128xi32, #tpu.memory_space<vmem>>, vector<1x16xi32>,
    %get3A_1026 = arith.constant 2 : i32
    %get3A_1027 = arith.index_cast %get3A_1026 : i32 to index
    %get3A_1028 = arith.constant 16 : index
    %get3A_1029 = tpu.vector_load %arg12[%get3A_1027, %get3A_1028] {strides = array<i32>} : memref<4x128xi32, #tpu.memory_space<vmem>>, vector<1x16xi32>,
    %get3A_1030 = vector.shape_cast %get3A_1029 : vector<1x16xi32> to vector<16xi32>
    %shift_right_logical3A_1031 = arith.constant 13 : i32
    %shift_right_logical3A_1032 = vector.broadcast %shift_right_logical3A_1031 : i32 to vector<16xi32>
    %shift_right_logical3A_1033 = arith.shrui %get3A_1030, %shift_right_logical3A_1032 : vector<16xi32>
    %and3A_1034 = arith.constant 2047 : i32
    %and3A_1035 = vector.broadcast %and3A_1034 : i32 to vector<16xi32>
    %and3A_1036 = arith.andi %get3A_1030, %and3A_1035 : vector<16xi32>
    %shift_left3A_1037 = arith.constant 11 : i32
    %shift_left3A_1038 = vector.broadcast %shift_left3A_1037 : i32 to vector<16xi32>
    %shift_left3A_1039 = arith.shli %shift_right_logical3A_1033, %shift_left3A_1038 : vector<16xi32>
    %or3A_1040 = arith.ori %shift_left3A_1039, %and3A_1036 : vector<16xi32>
    %swap3A_1041 = arith.constant 2 : i32
    %swap3A_1042 = arith.index_cast %swap3A_1041 : i32 to index
    %swap3A_1043 = arith.constant 16 : index
    %swap3A_1044 = tpu.vector_load %arg12[%swap3A_1042, %swap3A_1043] {strides = array<i32>} : memref<4x128xi32, #tpu.memory_space<vmem>>, vector<1x16xi32>,
    %swap3A_1045 = vector.shape_cast %swap3A_1044 : vector<1x16xi32> to vector<16xi32>
    %swap3A_1046 = vector.shape_cast %or3A_1040 : vector<16xi32> to vector<1x16xi32>
    tpu.vector_store %arg12[%swap3A_1042, %swap3A_1043], %swap3A_1046 {strides = array<i32>} : memref<4x128xi32, #tpu.memory_space<vmem>>, vector<1x16xi32>,
    %get3A_1047 = arith.constant 2 : i32
    %get3A_1048 = arith.index_cast %get3A_1047 : i32 to index
    %get3A_1049 = arith.constant 32 : index
    %get3A_1050 = tpu.vector_load %arg12[%get3A_1048, %get3A_1049] {strides = array<i32>} : memref<4x128xi32, #tpu.memory_space<vmem>>, vector<1x16xi32>,
    %get3A_1051 = vector.shape_cast %get3A_1050 : vector<1x16xi32> to vector<16xi32>
    %shift_right_logical3A_1052 = arith.constant 13 : i32
    %shift_right_logical3A_1053 = vector.broadcast %shift_right_logical3A_1052 : i32 to vector<16xi32>
    %shift_right_logical3A_1054 = arith.shrui %get3A_1051, %shift_right_logical3A_1053 : vector<16xi32>
    %and3A_1055 = arith.constant 2047 : i32
    %and3A_1056 = vector.broadcast %and3A_1055 : i32 to vector<16xi32>
    %and3A_1057 = arith.andi %get3A_1051, %and3A_1056 : vector<16xi32>
    %shift_left3A_1058 = arith.constant 11 : i32
    %shift_left3A_1059 = vector.broadcast %shift_left3A_1058 : i32 to vector<16xi32>
    %shift_left3A_1060 = arith.shli %shift_right_logical3A_1054, %shift_left3A_1059 : vector<16xi32>
    %or3A_1061 = arith.ori %shift_left3A_1060, %and3A_1057 : vector<16xi32>
    %swap3A_1062 = arith.constant 2 : i32
    %swap3A_1063 = arith.index_cast %swap3A_1062 : i32 to index
    %swap3A_1064 = arith.constant 32 : index
    %swap3A_1065 = tpu.vector_load %arg12[%swap3A_1063, %swap3A_1064] {strides = array<i32>} : memref<4x128xi32, #tpu.memory_space<vmem>>, vector<1x16xi32>,
    %swap3A_1066 = vector.shape_cast %swap3A_1065 : vector<1x16xi32> to vector<16xi32>
    %swap3A_1067 = vector.shape_cast %or3A_1061 : vector<16xi32> to vector<1x16xi32>
    tpu.vector_store %arg12[%swap3A_1063, %swap3A_1064], %swap3A_1067 {strides = array<i32>} : memref<4x128xi32, #tpu.memory_space<vmem>>, vector<1x16xi32>,
    %get3A_1068 = arith.constant 2 : i32
    %get3A_1069 = arith.index_cast %get3A_1068 : i32 to index
    %get3A_1070 = arith.constant 48 : index
    %get3A_1071 = tpu.vector_load %arg12[%get3A_1069, %get3A_1070] {strides = array<i32>} : memref<4x128xi32, #tpu.memory_space<vmem>>, vector<1x16xi32>,
    %get3A_1072 = vector.shape_cast %get3A_1071 : vector<1x16xi32> to vector<16xi32>
    %shift_right_logical3A_1073 = arith.constant 13 : i32
    %shift_right_logical3A_1074 = vector.broadcast %shift_right_logical3A_1073 : i32 to vector<16xi32>
    %shift_right_logical3A_1075 = arith.shrui %get3A_1072, %shift_right_logical3A_1074 : vector<16xi32>
    %and3A_1076 = arith.constant 2047 : i32
    %and3A_1077 = vector.broadcast %and3A_1076 : i32 to vector<16xi32>
    %and3A_1078 = arith.andi %get3A_1072, %and3A_1077 : vector<16xi32>
    %shift_left3A_1079 = arith.constant 11 : i32
    %shift_left3A_1080 = vector.broadcast %shift_left3A_1079 : i32 to vector<16xi32>
    %shift_left3A_1081 = arith.shli %shift_right_logical3A_1075, %shift_left3A_1080 : vector<16xi32>
    %or3A_1082 = arith.ori %shift_left3A_1081, %and3A_1078 : vector<16xi32>
    %swap3A_1083 = arith.constant 2 : i32
    %swap3A_1084 = arith.index_cast %swap3A_1083 : i32 to index
    %swap3A_1085 = arith.constant 48 : index
    %swap3A_1086 = tpu.vector_load %arg12[%swap3A_1084, %swap3A_1085] {strides = array<i32>} : memref<4x128xi32, #tpu.memory_space<vmem>>, vector<1x16xi32>,
    %swap3A_1087 = vector.shape_cast %swap3A_1086 : vector<1x16xi32> to vector<16xi32>
    %swap3A_1088 = vector.shape_cast %or3A_1082 : vector<16xi32> to vector<1x16xi32>
    tpu.vector_store %arg12[%swap3A_1084, %swap3A_1085], %swap3A_1088 {strides = array<i32>} : memref<4x128xi32, #tpu.memory_space<vmem>>, vector<1x16xi32>,
    %get3A_1089 = arith.constant 2 : i32
    %get3A_1090 = arith.index_cast %get3A_1089 : i32 to index
    %get3A_1091 = arith.constant 64 : index
    %get3A_1092 = tpu.vector_load %arg12[%get3A_1090, %get3A_1091] {strides = array<i32>} : memref<4x128xi32, #tpu.memory_space<vmem>>, vector<1x16xi32>,
    %get3A_1093 = vector.shape_cast %get3A_1092 : vector<1x16xi32> to vector<16xi32>
    %shift_right_logical3A_1094 = arith.constant 13 : i32
    %shift_right_logical3A_1095 = vector.broadcast %shift_right_logical3A_1094 : i32 to vector<16xi32>
    %shift_right_logical3A_1096 = arith.shrui %get3A_1093, %shift_right_logical3A_1095 : vector<16xi32>
    %and3A_1097 = arith.constant 2047 : i32
    %and3A_1098 = vector.broadcast %and3A_1097 : i32 to vector<16xi32>
    %and3A_1099 = arith.andi %get3A_1093, %and3A_1098 : vector<16xi32>
    %shift_left3A_1100 = arith.constant 11 : i32
    %shift_left3A_1101 = vector.broadcast %shift_left3A_1100 : i32 to vector<16xi32>
    %shift_left3A_1102 = arith.shli %shift_right_logical3A_1096, %shift_left3A_1101 : vector<16xi32>
    %or3A_1103 = arith.ori %shift_left3A_1102, %and3A_1099 : vector<16xi32>
    %swap3A_1104 = arith.constant 2 : i32
    %swap3A_1105 = arith.index_cast %swap3A_1104 : i32 to index
    %swap3A_1106 = arith.constant 64 : index
    %swap3A_1107 = tpu.vector_load %arg12[%swap3A_1105, %swap3A_1106] {strides = array<i32>} : memref<4x128xi32, #tpu.memory_space<vmem>>, vector<1x16xi32>,
    %swap3A_1108 = vector.shape_cast %swap3A_1107 : vector<1x16xi32> to vector<16xi32>
    %swap3A_1109 = vector.shape_cast %or3A_1103 : vector<16xi32> to vector<1x16xi32>
    tpu.vector_store %arg12[%swap3A_1105, %swap3A_1106], %swap3A_1109 {strides = array<i32>} : memref<4x128xi32, #tpu.memory_space<vmem>>, vector<1x16xi32>,
    %get3A_1110 = arith.constant 2 : i32
    %get3A_1111 = arith.index_cast %get3A_1110 : i32 to index
    %get3A_1112 = arith.constant 80 : index
    %get3A_1113 = tpu.vector_load %arg12[%get3A_1111, %get3A_1112] {strides = array<i32>} : memref<4x128xi32, #tpu.memory_space<vmem>>, vector<1x16xi32>,
    %get3A_1114 = vector.shape_cast %get3A_1113 : vector<1x16xi32> to vector<16xi32>
    %shift_right_logical3A_1115 = arith.constant 13 : i32
    %shift_right_logical3A_1116 = vector.broadcast %shift_right_logical3A_1115 : i32 to vector<16xi32>
    %shift_right_logical3A_1117 = arith.shrui %get3A_1114, %shift_right_logical3A_1116 : vector<16xi32>
    %and3A_1118 = arith.constant 2047 : i32
    %and3A_1119 = vector.broadcast %and3A_1118 : i32 to vector<16xi32>
    %and3A_1120 = arith.andi %get3A_1114, %and3A_1119 : vector<16xi32>
    %shift_left3A_1121 = arith.constant 11 : i32
    %shift_left3A_1122 = vector.broadcast %shift_left3A_1121 : i32 to vector<16xi32>
    %shift_left3A_1123 = arith.shli %shift_right_logical3A_1117, %shift_left3A_1122 : vector<16xi32>
    %or3A_1124 = arith.ori %shift_left3A_1123, %and3A_1120 : vector<16xi32>
    %swap3A_1125 = arith.constant 2 : i32
    %swap3A_1126 = arith.index_cast %swap3A_1125 : i32 to index
    %swap3A_1127 = arith.constant 80 : index
    %swap3A_1128 = tpu.vector_load %arg12[%swap3A_1126, %swap3A_1127] {strides = array<i32>} : memref<4x128xi32, #tpu.memory_space<vmem>>, vector<1x16xi32>,
    %swap3A_1129 = vector.shape_cast %swap3A_1128 : vector<1x16xi32> to vector<16xi32>
    %swap3A_1130 = vector.shape_cast %or3A_1124 : vector<16xi32> to vector<1x16xi32>
    tpu.vector_store %arg12[%swap3A_1126, %swap3A_1127], %swap3A_1130 {strides = array<i32>} : memref<4x128xi32, #tpu.memory_space<vmem>>, vector<1x16xi32>,
    %get3A_1131 = arith.constant 2 : i32
    %get3A_1132 = arith.index_cast %get3A_1131 : i32 to index
    %get3A_1133 = arith.constant 96 : index
    %get3A_1134 = tpu.vector_load %arg12[%get3A_1132, %get3A_1133] {strides = array<i32>} : memref<4x128xi32, #tpu.memory_space<vmem>>, vector<1x16xi32>,
    %get3A_1135 = vector.shape_cast %get3A_1134 : vector<1x16xi32> to vector<16xi32>
    %shift_right_logical3A_1136 = arith.constant 13 : i32
    %shift_right_logical3A_1137 = vector.broadcast %shift_right_logical3A_1136 : i32 to vector<16xi32>
    %shift_right_logical3A_1138 = arith.shrui %get3A_1135, %shift_right_logical3A_1137 : vector<16xi32>
    %and3A_1139 = arith.constant 2047 : i32
    %and3A_1140 = vector.broadcast %and3A_1139 : i32 to vector<16xi32>
    %and3A_1141 = arith.andi %get3A_1135, %and3A_1140 : vector<16xi32>
    %shift_left3A_1142 = arith.constant 11 : i32
    %shift_left3A_1143 = vector.broadcast %shift_left3A_1142 : i32 to vector<16xi32>
    %shift_left3A_1144 = arith.shli %shift_right_logical3A_1138, %shift_left3A_1143 : vector<16xi32>
    %or3A_1145 = arith.ori %shift_left3A_1144, %and3A_1141 : vector<16xi32>
    %swap3A_1146 = arith.constant 2 : i32
    %swap3A_1147 = arith.index_cast %swap3A_1146 : i32 to index
    %swap3A_1148 = arith.constant 96 : index
    %swap3A_1149 = tpu.vector_load %arg12[%swap3A_1147, %swap3A_1148] {strides = array<i32>} : memref<4x128xi32, #tpu.memory_space<vmem>>, vector<1x16xi32>,
    %swap3A_1150 = vector.shape_cast %swap3A_1149 : vector<1x16xi32> to vector<16xi32>
    %swap3A_1151 = vector.shape_cast %or3A_1145 : vector<16xi32> to vector<1x16xi32>
    tpu.vector_store %arg12[%swap3A_1147, %swap3A_1148], %swap3A_1151 {strides = array<i32>} : memref<4x128xi32, #tpu.memory_space<vmem>>, vector<1x16xi32>,
    %get3A_1152 = arith.constant 2 : i32
    %get3A_1153 = arith.index_cast %get3A_1152 : i32 to index
    %get3A_1154 = arith.constant 112 : index
    %get3A_1155 = tpu.vector_load %arg12[%get3A_1153, %get3A_1154] {strides = array<i32>} : memref<4x128xi32, #tpu.memory_space<vmem>>, vector<1x16xi32>,
    %get3A_1156 = vector.shape_cast %get3A_1155 : vector<1x16xi32> to vector<16xi32>
    %shift_right_logical3A_1157 = arith.constant 13 : i32
    %shift_right_logical3A_1158 = vector.broadcast %shift_right_logical3A_1157 : i32 to vector<16xi32>
    %shift_right_logical3A_1159 = arith.shrui %get3A_1156, %shift_right_logical3A_1158 : vector<16xi32>
    %and3A_1160 = arith.constant 2047 : i32
    %and3A_1161 = vector.broadcast %and3A_1160 : i32 to vector<16xi32>
    %and3A_1162 = arith.andi %get3A_1156, %and3A_1161 : vector<16xi32>
    %shift_left3A_1163 = arith.constant 11 : i32
    %shift_left3A_1164 = vector.broadcast %shift_left3A_1163 : i32 to vector<16xi32>
    %shift_left3A_1165 = arith.shli %shift_right_logical3A_1159, %shift_left3A_1164 : vector<16xi32>
    %or3A_1166 = arith.ori %shift_left3A_1165, %and3A_1162 : vector<16xi32>
    %swap3A_1167 = arith.constant 2 : i32
    %swap3A_1168 = arith.index_cast %swap3A_1167 : i32 to index
    %swap3A_1169 = arith.constant 112 : index
    %swap3A_1170 = tpu.vector_load %arg12[%swap3A_1168, %swap3A_1169] {strides = array<i32>} : memref<4x128xi32, #tpu.memory_space<vmem>>, vector<1x16xi32>,
    %swap3A_1171 = vector.shape_cast %swap3A_1170 : vector<1x16xi32> to vector<16xi32>
    %swap3A_1172 = vector.shape_cast %or3A_1166 : vector<16xi32> to vector<1x16xi32>
    tpu.vector_store %arg12[%swap3A_1168, %swap3A_1169], %swap3A_1172 {strides = array<i32>} : memref<4x128xi32, #tpu.memory_space<vmem>>, vector<1x16xi32>,
    %get3A_1173 = arith.constant 3 : i32
    %get3A_1174 = arith.index_cast %get3A_1173 : i32 to index
    %get3A_1175 = arith.constant 0 : index
    %get3A_1176 = tpu.vector_load %arg12[%get3A_1174, %get3A_1175] {strides = array<i32>} : memref<4x128xi32, #tpu.memory_space<vmem>>, vector<1x16xi32>,
    %get3A_1177 = vector.shape_cast %get3A_1176 : vector<1x16xi32> to vector<16xi32>
    %shift_right_logical3A_1178 = arith.constant 13 : i32
    %shift_right_logical3A_1179 = vector.broadcast %shift_right_logical3A_1178 : i32 to vector<16xi32>
    %shift_right_logical3A_1180 = arith.shrui %get3A_1177, %shift_right_logical3A_1179 : vector<16xi32>
    %and3A_1181 = arith.constant 2047 : i32
    %and3A_1182 = vector.broadcast %and3A_1181 : i32 to vector<16xi32>
    %and3A_1183 = arith.andi %get3A_1177, %and3A_1182 : vector<16xi32>
    %shift_left3A_1184 = arith.constant 11 : i32
    %shift_left3A_1185 = vector.broadcast %shift_left3A_1184 : i32 to vector<16xi32>
    %shift_left3A_1186 = arith.shli %shift_right_logical3A_1180, %shift_left3A_1185 : vector<16xi32>
    %or3A_1187 = arith.ori %shift_left3A_1186, %and3A_1183 : vector<16xi32>
    %swap3A_1188 = arith.constant 3 : i32
    %swap3A_1189 = arith.index_cast %swap3A_1188 : i32 to index
    %swap3A_1190 = arith.constant 0 : index
    %swap3A_1191 = tpu.vector_load %arg12[%swap3A_1189, %swap3A_1190] {strides = array<i32>} : memref<4x128xi32, #tpu.memory_space<vmem>>, vector<1x16xi32>,
    %swap3A_1192 = vector.shape_cast %swap3A_1191 : vector<1x16xi32> to vector<16xi32>
    %swap3A_1193 = vector.shape_cast %or3A_1187 : vector<16xi32> to vector<1x16xi32>
    tpu.vector_store %arg12[%swap3A_1189, %swap3A_1190], %swap3A_1193 {strides = array<i32>} : memref<4x128xi32, #tpu.memory_space<vmem>>, vector<1x16xi32>,
    %get3A_1194 = arith.constant 3 : i32
    %get3A_1195 = arith.index_cast %get3A_1194 : i32 to index
    %get3A_1196 = arith.constant 16 : index
    %get3A_1197 = tpu.vector_load %arg12[%get3A_1195, %get3A_1196] {strides = array<i32>} : memref<4x128xi32, #tpu.memory_space<vmem>>, vector<1x16xi32>,
    %get3A_1198 = vector.shape_cast %get3A_1197 : vector<1x16xi32> to vector<16xi32>
    %shift_right_logical3A_1199 = arith.constant 13 : i32
    %shift_right_logical3A_1200 = vector.broadcast %shift_right_logical3A_1199 : i32 to vector<16xi32>
    %shift_right_logical3A_1201 = arith.shrui %get3A_1198, %shift_right_logical3A_1200 : vector<16xi32>
    %and3A_1202 = arith.constant 2047 : i32
    %and3A_1203 = vector.broadcast %and3A_1202 : i32 to vector<16xi32>
    %and3A_1204 = arith.andi %get3A_1198, %and3A_1203 : vector<16xi32>
    %shift_left3A_1205 = arith.constant 11 : i32
    %shift_left3A_1206 = vector.broadcast %shift_left3A_1205 : i32 to vector<16xi32>
    %shift_left3A_1207 = arith.shli %shift_right_logical3A_1201, %shift_left3A_1206 : vector<16xi32>
    %or3A_1208 = arith.ori %shift_left3A_1207, %and3A_1204 : vector<16xi32>
    %swap3A_1209 = arith.constant 3 : i32
    %swap3A_1210 = arith.index_cast %swap3A_1209 : i32 to index
    %swap3A_1211 = arith.constant 16 : index
    %swap3A_1212 = tpu.vector_load %arg12[%swap3A_1210, %swap3A_1211] {strides = array<i32>} : memref<4x128xi32, #tpu.memory_space<vmem>>, vector<1x16xi32>,
    %swap3A_1213 = vector.shape_cast %swap3A_1212 : vector<1x16xi32> to vector<16xi32>
    %swap3A_1214 = vector.shape_cast %or3A_1208 : vector<16xi32> to vector<1x16xi32>
    tpu.vector_store %arg12[%swap3A_1210, %swap3A_1211], %swap3A_1214 {strides = array<i32>} : memref<4x128xi32, #tpu.memory_space<vmem>>, vector<1x16xi32>,
    %get3A_1215 = arith.constant 3 : i32
    %get3A_1216 = arith.index_cast %get3A_1215 : i32 to index
    %get3A_1217 = arith.constant 32 : index
    %get3A_1218 = tpu.vector_load %arg12[%get3A_1216, %get3A_1217] {strides = array<i32>} : memref<4x128xi32, #tpu.memory_space<vmem>>, vector<1x16xi32>,
    %get3A_1219 = vector.shape_cast %get3A_1218 : vector<1x16xi32> to vector<16xi32>
    %shift_right_logical3A_1220 = arith.constant 13 : i32
    %shift_right_logical3A_1221 = vector.broadcast %shift_right_logical3A_1220 : i32 to vector<16xi32>
    %shift_right_logical3A_1222 = arith.shrui %get3A_1219, %shift_right_logical3A_1221 : vector<16xi32>
    %and3A_1223 = arith.constant 2047 : i32
    %and3A_1224 = vector.broadcast %and3A_1223 : i32 to vector<16xi32>
    %and3A_1225 = arith.andi %get3A_1219, %and3A_1224 : vector<16xi32>
    %shift_left3A_1226 = arith.constant 11 : i32
    %shift_left3A_1227 = vector.broadcast %shift_left3A_1226 : i32 to vector<16xi32>
    %shift_left3A_1228 = arith.shli %shift_right_logical3A_1222, %shift_left3A_1227 : vector<16xi32>
    %or3A_1229 = arith.ori %shift_left3A_1228, %and3A_1225 : vector<16xi32>
    %swap3A_1230 = arith.constant 3 : i32
    %swap3A_1231 = arith.index_cast %swap3A_1230 : i32 to index
    %swap3A_1232 = arith.constant 32 : index
    %swap3A_1233 = tpu.vector_load %arg12[%swap3A_1231, %swap3A_1232] {strides = array<i32>} : memref<4x128xi32, #tpu.memory_space<vmem>>, vector<1x16xi32>,
    %swap3A_1234 = vector.shape_cast %swap3A_1233 : vector<1x16xi32> to vector<16xi32>
    %swap3A_1235 = vector.shape_cast %or3A_1229 : vector<16xi32> to vector<1x16xi32>
    tpu.vector_store %arg12[%swap3A_1231, %swap3A_1232], %swap3A_1235 {strides = array<i32>} : memref<4x128xi32, #tpu.memory_space<vmem>>, vector<1x16xi32>,
    %get3A_1236 = arith.constant 3 : i32
    %get3A_1237 = arith.index_cast %get3A_1236 : i32 to index
    %get3A_1238 = arith.constant 48 : index
    %get3A_1239 = tpu.vector_load %arg12[%get3A_1237, %get3A_1238] {strides = array<i32>} : memref<4x128xi32, #tpu.memory_space<vmem>>, vector<1x16xi32>,
    %get3A_1240 = vector.shape_cast %get3A_1239 : vector<1x16xi32> to vector<16xi32>
    %shift_right_logical3A_1241 = arith.constant 13 : i32
    %shift_right_logical3A_1242 = vector.broadcast %shift_right_logical3A_1241 : i32 to vector<16xi32>
    %shift_right_logical3A_1243 = arith.shrui %get3A_1240, %shift_right_logical3A_1242 : vector<16xi32>
    %and3A_1244 = arith.constant 2047 : i32
    %and3A_1245 = vector.broadcast %and3A_1244 : i32 to vector<16xi32>
    %and3A_1246 = arith.andi %get3A_1240, %and3A_1245 : vector<16xi32>
    %shift_left3A_1247 = arith.constant 11 : i32
    %shift_left3A_1248 = vector.broadcast %shift_left3A_1247 : i32 to vector<16xi32>
    %shift_left3A_1249 = arith.shli %shift_right_logical3A_1243, %shift_left3A_1248 : vector<16xi32>
    %or3A_1250 = arith.ori %shift_left3A_1249, %and3A_1246 : vector<16xi32>
    %swap3A_1251 = arith.constant 3 : i32
    %swap3A_1252 = arith.index_cast %swap3A_1251 : i32 to index
    %swap3A_1253 = arith.constant 48 : index
    %swap3A_1254 = tpu.vector_load %arg12[%swap3A_1252, %swap3A_1253] {strides = array<i32>} : memref<4x128xi32, #tpu.memory_space<vmem>>, vector<1x16xi32>,
    %swap3A_1255 = vector.shape_cast %swap3A_1254 : vector<1x16xi32> to vector<16xi32>
    %swap3A_1256 = vector.shape_cast %or3A_1250 : vector<16xi32> to vector<1x16xi32>
    tpu.vector_store %arg12[%swap3A_1252, %swap3A_1253], %swap3A_1256 {strides = array<i32>} : memref<4x128xi32, #tpu.memory_space<vmem>>, vector<1x16xi32>,
    %get3A_1257 = arith.constant 3 : i32
    %get3A_1258 = arith.index_cast %get3A_1257 : i32 to index
    %get3A_1259 = arith.constant 64 : index
    %get3A_1260 = tpu.vector_load %arg12[%get3A_1258, %get3A_1259] {strides = array<i32>} : memref<4x128xi32, #tpu.memory_space<vmem>>, vector<1x16xi32>,
    %get3A_1261 = vector.shape_cast %get3A_1260 : vector<1x16xi32> to vector<16xi32>
    %shift_right_logical3A_1262 = arith.constant 13 : i32
    %shift_right_logical3A_1263 = vector.broadcast %shift_right_logical3A_1262 : i32 to vector<16xi32>
    %shift_right_logical3A_1264 = arith.shrui %get3A_1261, %shift_right_logical3A_1263 : vector<16xi32>
    %and3A_1265 = arith.constant 2047 : i32
    %and3A_1266 = vector.broadcast %and3A_1265 : i32 to vector<16xi32>
    %and3A_1267 = arith.andi %get3A_1261, %and3A_1266 : vector<16xi32>
    %shift_left3A_1268 = arith.constant 11 : i32
    %shift_left3A_1269 = vector.broadcast %shift_left3A_1268 : i32 to vector<16xi32>
    %shift_left3A_1270 = arith.shli %shift_right_logical3A_1264, %shift_left3A_1269 : vector<16xi32>
    %or3A_1271 = arith.ori %shift_left3A_1270, %and3A_1267 : vector<16xi32>
    %swap3A_1272 = arith.constant 3 : i32
    %swap3A_1273 = arith.index_cast %swap3A_1272 : i32 to index
    %swap3A_1274 = arith.constant 64 : index
    %swap3A_1275 = tpu.vector_load %arg12[%swap3A_1273, %swap3A_1274] {strides = array<i32>} : memref<4x128xi32, #tpu.memory_space<vmem>>, vector<1x16xi32>,
    %swap3A_1276 = vector.shape_cast %swap3A_1275 : vector<1x16xi32> to vector<16xi32>
    %swap3A_1277 = vector.shape_cast %or3A_1271 : vector<16xi32> to vector<1x16xi32>
    tpu.vector_store %arg12[%swap3A_1273, %swap3A_1274], %swap3A_1277 {strides = array<i32>} : memref<4x128xi32, #tpu.memory_space<vmem>>, vector<1x16xi32>,
    %get3A_1278 = arith.constant 3 : i32
    %get3A_1279 = arith.index_cast %get3A_1278 : i32 to index
    %get3A_1280 = arith.constant 80 : index
    %get3A_1281 = tpu.vector_load %arg12[%get3A_1279, %get3A_1280] {strides = array<i32>} : memref<4x128xi32, #tpu.memory_space<vmem>>, vector<1x16xi32>,
    %get3A_1282 = vector.shape_cast %get3A_1281 : vector<1x16xi32> to vector<16xi32>
    %shift_right_logical3A_1283 = arith.constant 13 : i32
    %shift_right_logical3A_1284 = vector.broadcast %shift_right_logical3A_1283 : i32 to vector<16xi32>
    %shift_right_logical3A_1285 = arith.shrui %get3A_1282, %shift_right_logical3A_1284 : vector<16xi32>
    %and3A_1286 = arith.constant 2047 : i32
    %and3A_1287 = vector.broadcast %and3A_1286 : i32 to vector<16xi32>
    %and3A_1288 = arith.andi %get3A_1282, %and3A_1287 : vector<16xi32>
    %shift_left3A_1289 = arith.constant 11 : i32
    %shift_left3A_1290 = vector.broadcast %shift_left3A_1289 : i32 to vector<16xi32>
    %shift_left3A_1291 = arith.shli %shift_right_logical3A_1285, %shift_left3A_1290 : vector<16xi32>
    %or3A_1292 = arith.ori %shift_left3A_1291, %and3A_1288 : vector<16xi32>
    %swap3A_1293 = arith.constant 3 : i32
    %swap3A_1294 = arith.index_cast %swap3A_1293 : i32 to index
    %swap3A_1295 = arith.constant 80 : index
    %swap3A_1296 = tpu.vector_load %arg12[%swap3A_1294, %swap3A_1295] {strides = array<i32>} : memref<4x128xi32, #tpu.memory_space<vmem>>, vector<1x16xi32>,
    %swap3A_1297 = vector.shape_cast %swap3A_1296 : vector<1x16xi32> to vector<16xi32>
    %swap3A_1298 = vector.shape_cast %or3A_1292 : vector<16xi32> to vector<1x16xi32>
    tpu.vector_store %arg12[%swap3A_1294, %swap3A_1295], %swap3A_1298 {strides = array<i32>} : memref<4x128xi32, #tpu.memory_space<vmem>>, vector<1x16xi32>,
    %get3A_1299 = arith.constant 3 : i32
    %get3A_1300 = arith.index_cast %get3A_1299 : i32 to index
    %get3A_1301 = arith.constant 96 : index
    %get3A_1302 = tpu.vector_load %arg12[%get3A_1300, %get3A_1301] {strides = array<i32>} : memref<4x128xi32, #tpu.memory_space<vmem>>, vector<1x16xi32>,
    %get3A_1303 = vector.shape_cast %get3A_1302 : vector<1x16xi32> to vector<16xi32>
    %shift_right_logical3A_1304 = arith.constant 13 : i32
    %shift_right_logical3A_1305 = vector.broadcast %shift_right_logical3A_1304 : i32 to vector<16xi32>
    %shift_right_logical3A_1306 = arith.shrui %get3A_1303, %shift_right_logical3A_1305 : vector<16xi32>
    %and3A_1307 = arith.constant 2047 : i32
    %and3A_1308 = vector.broadcast %and3A_1307 : i32 to vector<16xi32>
    %and3A_1309 = arith.andi %get3A_1303, %and3A_1308 : vector<16xi32>
    %shift_left3A_1310 = arith.constant 11 : i32
    %shift_left3A_1311 = vector.broadcast %shift_left3A_1310 : i32 to vector<16xi32>
    %shift_left3A_1312 = arith.shli %shift_right_logical3A_1306, %shift_left3A_1311 : vector<16xi32>
    %or3A_1313 = arith.ori %shift_left3A_1312, %and3A_1309 : vector<16xi32>
    %swap3A_1314 = arith.constant 3 : i32
    %swap3A_1315 = arith.index_cast %swap3A_1314 : i32 to index
    %swap3A_1316 = arith.constant 96 : index
    %swap3A_1317 = tpu.vector_load %arg12[%swap3A_1315, %swap3A_1316] {strides = array<i32>} : memref<4x128xi32, #tpu.memory_space<vmem>>, vector<1x16xi32>,
    %swap3A_1318 = vector.shape_cast %swap3A_1317 : vector<1x16xi32> to vector<16xi32>
    %swap3A_1319 = vector.shape_cast %or3A_1313 : vector<16xi32> to vector<1x16xi32>
    tpu.vector_store %arg12[%swap3A_1315, %swap3A_1316], %swap3A_1319 {strides = array<i32>} : memref<4x128xi32, #tpu.memory_space<vmem>>, vector<1x16xi32>,
    %get3A_1320 = arith.constant 3 : i32
    %get3A_1321 = arith.index_cast %get3A_1320 : i32 to index
    %get3A_1322 = arith.constant 112 : index
    %get3A_1323 = tpu.vector_load %arg12[%get3A_1321, %get3A_1322] {strides = array<i32>} : memref<4x128xi32, #tpu.memory_space<vmem>>, vector<1x16xi32>,
    %get3A_1324 = vector.shape_cast %get3A_1323 : vector<1x16xi32> to vector<16xi32>
    %shift_right_logical3A_1325 = arith.constant 13 : i32
    %shift_right_logical3A_1326 = vector.broadcast %shift_right_logical3A_1325 : i32 to vector<16xi32>
    %shift_right_logical3A_1327 = arith.shrui %get3A_1324, %shift_right_logical3A_1326 : vector<16xi32>
    %and3A_1328 = arith.constant 2047 : i32
    %and3A_1329 = vector.broadcast %and3A_1328 : i32 to vector<16xi32>
    %and3A_1330 = arith.andi %get3A_1324, %and3A_1329 : vector<16xi32>
    %shift_left3A_1331 = arith.constant 11 : i32
    %shift_left3A_1332 = vector.broadcast %shift_left3A_1331 : i32 to vector<16xi32>
    %shift_left3A_1333 = arith.shli %shift_right_logical3A_1327, %shift_left3A_1332 : vector<16xi32>
    %or3A_1334 = arith.ori %shift_left3A_1333, %and3A_1330 : vector<16xi32>
    %swap3A_1335 = arith.constant 3 : i32
    %swap3A_1336 = arith.index_cast %swap3A_1335 : i32 to index
    %swap3A_1337 = arith.constant 112 : index
    %swap3A_1338 = tpu.vector_load %arg12[%swap3A_1336, %swap3A_1337] {strides = array<i32>} : memref<4x128xi32, #tpu.memory_space<vmem>>, vector<1x16xi32>,
    %swap3A_1339 = vector.shape_cast %swap3A_1338 : vector<1x16xi32> to vector<16xi32>
    %swap3A_1340 = vector.shape_cast %or3A_1334 : vector<16xi32> to vector<1x16xi32>
    tpu.vector_store %arg12[%swap3A_1336, %swap3A_1337], %swap3A_1340 {strides = array<i32>} : memref<4x128xi32, #tpu.memory_space<vmem>>, vector<1x16xi32>,
    %get3A_1341 = arith.constant 0 : i32
    %get3A_1342 = arith.index_cast %get3A_1341 : i32 to index
    %get3A_1343 = arith.constant 0 : index
    %get3A_1344 = tpu.vector_load %arg13[%get3A_1342, %get3A_1343] {strides = array<i32>} : memref<4x128xi32, #tpu.memory_space<vmem>>, vector<1x16xi32>,
    %get3A_1345 = vector.shape_cast %get3A_1344 : vector<1x16xi32> to vector<16xi32>
    %shift_right_logical3A_1346 = arith.constant 11 : i32
    %shift_right_logical3A_1347 = vector.broadcast %shift_right_logical3A_1346 : i32 to vector<16xi32>
    %shift_right_logical3A_1348 = arith.shrui %get3A_1345, %shift_right_logical3A_1347 : vector<16xi32>
    %and3A_1349 = arith.constant 511 : i32
    %and3A_1350 = vector.broadcast %and3A_1349 : i32 to vector<16xi32>
    %and3A_1351 = arith.andi %get3A_1345, %and3A_1350 : vector<16xi32>
    %shift_left3A_1352 = arith.constant 9 : i32
    %shift_left3A_1353 = vector.broadcast %shift_left3A_1352 : i32 to vector<16xi32>
    %shift_left3A_1354 = arith.shli %shift_right_logical3A_1348, %shift_left3A_1353 : vector<16xi32>
    %or3A_1355 = arith.ori %shift_left3A_1354, %and3A_1351 : vector<16xi32>
    %swap3A_1356 = arith.constant 0 : i32
    %swap3A_1357 = arith.index_cast %swap3A_1356 : i32 to index
    %swap3A_1358 = arith.constant 0 : index
    %swap3A_1359 = tpu.vector_load %arg13[%swap3A_1357, %swap3A_1358] {strides = array<i32>} : memref<4x128xi32, #tpu.memory_space<vmem>>, vector<1x16xi32>,
    %swap3A_1360 = vector.shape_cast %swap3A_1359 : vector<1x16xi32> to vector<16xi32>
    %swap3A_1361 = vector.shape_cast %or3A_1355 : vector<16xi32> to vector<1x16xi32>
    tpu.vector_store %arg13[%swap3A_1357, %swap3A_1358], %swap3A_1361 {strides = array<i32>} : memref<4x128xi32, #tpu.memory_space<vmem>>, vector<1x16xi32>,
    %get3A_1362 = arith.constant 0 : i32
    %get3A_1363 = arith.index_cast %get3A_1362 : i32 to index
    %get3A_1364 = arith.constant 16 : index
    %get3A_1365 = tpu.vector_load %arg13[%get3A_1363, %get3A_1364] {strides = array<i32>} : memref<4x128xi32, #tpu.memory_space<vmem>>, vector<1x16xi32>,
    %get3A_1366 = vector.shape_cast %get3A_1365 : vector<1x16xi32> to vector<16xi32>
    %shift_right_logical3A_1367 = arith.constant 11 : i32
    %shift_right_logical3A_1368 = vector.broadcast %shift_right_logical3A_1367 : i32 to vector<16xi32>
    %shift_right_logical3A_1369 = arith.shrui %get3A_1366, %shift_right_logical3A_1368 : vector<16xi32>
    %and3A_1370 = arith.constant 511 : i32
    %and3A_1371 = vector.broadcast %and3A_1370 : i32 to vector<16xi32>
    %and3A_1372 = arith.andi %get3A_1366, %and3A_1371 : vector<16xi32>
    %shift_left3A_1373 = arith.constant 9 : i32
    %shift_left3A_1374 = vector.broadcast %shift_left3A_1373 : i32 to vector<16xi32>
    %shift_left3A_1375 = arith.shli %shift_right_logical3A_1369, %shift_left3A_1374 : vector<16xi32>
    %or3A_1376 = arith.ori %shift_left3A_1375, %and3A_1372 : vector<16xi32>
    %swap3A_1377 = arith.constant 0 : i32
    %swap3A_1378 = arith.index_cast %swap3A_1377 : i32 to index
    %swap3A_1379 = arith.constant 16 : index
    %swap3A_1380 = tpu.vector_load %arg13[%swap3A_1378, %swap3A_1379] {strides = array<i32>} : memref<4x128xi32, #tpu.memory_space<vmem>>, vector<1x16xi32>,
    %swap3A_1381 = vector.shape_cast %swap3A_1380 : vector<1x16xi32> to vector<16xi32>
    %swap3A_1382 = vector.shape_cast %or3A_1376 : vector<16xi32> to vector<1x16xi32>
    tpu.vector_store %arg13[%swap3A_1378, %swap3A_1379], %swap3A_1382 {strides = array<i32>} : memref<4x128xi32, #tpu.memory_space<vmem>>, vector<1x16xi32>,
    %get3A_1383 = arith.constant 0 : i32
    %get3A_1384 = arith.index_cast %get3A_1383 : i32 to index
    %get3A_1385 = arith.constant 32 : index
    %get3A_1386 = tpu.vector_load %arg13[%get3A_1384, %get3A_1385] {strides = array<i32>} : memref<4x128xi32, #tpu.memory_space<vmem>>, vector<1x16xi32>,
    %get3A_1387 = vector.shape_cast %get3A_1386 : vector<1x16xi32> to vector<16xi32>
    %shift_right_logical3A_1388 = arith.constant 11 : i32
    %shift_right_logical3A_1389 = vector.broadcast %shift_right_logical3A_1388 : i32 to vector<16xi32>
    %shift_right_logical3A_1390 = arith.shrui %get3A_1387, %shift_right_logical3A_1389 : vector<16xi32>
    %and3A_1391 = arith.constant 511 : i32
    %and3A_1392 = vector.broadcast %and3A_1391 : i32 to vector<16xi32>
    %and3A_1393 = arith.andi %get3A_1387, %and3A_1392 : vector<16xi32>
    %shift_left3A_1394 = arith.constant 9 : i32
    %shift_left3A_1395 = vector.broadcast %shift_left3A_1394 : i32 to vector<16xi32>
    %shift_left3A_1396 = arith.shli %shift_right_logical3A_1390, %shift_left3A_1395 : vector<16xi32>
    %or3A_1397 = arith.ori %shift_left3A_1396, %and3A_1393 : vector<16xi32>
    %swap3A_1398 = arith.constant 0 : i32
    %swap3A_1399 = arith.index_cast %swap3A_1398 : i32 to index
    %swap3A_1400 = arith.constant 32 : index
    %swap3A_1401 = tpu.vector_load %arg13[%swap3A_1399, %swap3A_1400] {strides = array<i32>} : memref<4x128xi32, #tpu.memory_space<vmem>>, vector<1x16xi32>,
    %swap3A_1402 = vector.shape_cast %swap3A_1401 : vector<1x16xi32> to vector<16xi32>
    %swap3A_1403 = vector.shape_cast %or3A_1397 : vector<16xi32> to vector<1x16xi32>
    tpu.vector_store %arg13[%swap3A_1399, %swap3A_1400], %swap3A_1403 {strides = array<i32>} : memref<4x128xi32, #tpu.memory_space<vmem>>, vector<1x16xi32>,
    %get3A_1404 = arith.constant 0 : i32
    %get3A_1405 = arith.index_cast %get3A_1404 : i32 to index
    %get3A_1406 = arith.constant 48 : index
    %get3A_1407 = tpu.vector_load %arg13[%get3A_1405, %get3A_1406] {strides = array<i32>} : memref<4x128xi32, #tpu.memory_space<vmem>>, vector<1x16xi32>,
    %get3A_1408 = vector.shape_cast %get3A_1407 : vector<1x16xi32> to vector<16xi32>
    %shift_right_logical3A_1409 = arith.constant 11 : i32
    %shift_right_logical3A_1410 = vector.broadcast %shift_right_logical3A_1409 : i32 to vector<16xi32>
    %shift_right_logical3A_1411 = arith.shrui %get3A_1408, %shift_right_logical3A_1410 : vector<16xi32>
    %and3A_1412 = arith.constant 511 : i32
    %and3A_1413 = vector.broadcast %and3A_1412 : i32 to vector<16xi32>
    %and3A_1414 = arith.andi %get3A_1408, %and3A_1413 : vector<16xi32>
    %shift_left3A_1415 = arith.constant 9 : i32
    %shift_left3A_1416 = vector.broadcast %shift_left3A_1415 : i32 to vector<16xi32>
    %shift_left3A_1417 = arith.shli %shift_right_logical3A_1411, %shift_left3A_1416 : vector<16xi32>
    %or3A_1418 = arith.ori %shift_left3A_1417, %and3A_1414 : vector<16xi32>
    %swap3A_1419 = arith.constant 0 : i32
    %swap3A_1420 = arith.index_cast %swap3A_1419 : i32 to index
    %swap3A_1421 = arith.constant 48 : index
    %swap3A_1422 = tpu.vector_load %arg13[%swap3A_1420, %swap3A_1421] {strides = array<i32>} : memref<4x128xi32, #tpu.memory_space<vmem>>, vector<1x16xi32>,
    %swap3A_1423 = vector.shape_cast %swap3A_1422 : vector<1x16xi32> to vector<16xi32>
    %swap3A_1424 = vector.shape_cast %or3A_1418 : vector<16xi32> to vector<1x16xi32>
    tpu.vector_store %arg13[%swap3A_1420, %swap3A_1421], %swap3A_1424 {strides = array<i32>} : memref<4x128xi32, #tpu.memory_space<vmem>>, vector<1x16xi32>,
    %get3A_1425 = arith.constant 0 : i32
    %get3A_1426 = arith.index_cast %get3A_1425 : i32 to index
    %get3A_1427 = arith.constant 64 : index
    %get3A_1428 = tpu.vector_load %arg13[%get3A_1426, %get3A_1427] {strides = array<i32>} : memref<4x128xi32, #tpu.memory_space<vmem>>, vector<1x16xi32>,
    %get3A_1429 = vector.shape_cast %get3A_1428 : vector<1x16xi32> to vector<16xi32>
    %shift_right_logical3A_1430 = arith.constant 11 : i32
    %shift_right_logical3A_1431 = vector.broadcast %shift_right_logical3A_1430 : i32 to vector<16xi32>
    %shift_right_logical3A_1432 = arith.shrui %get3A_1429, %shift_right_logical3A_1431 : vector<16xi32>
    %and3A_1433 = arith.constant 511 : i32
    %and3A_1434 = vector.broadcast %and3A_1433 : i32 to vector<16xi32>
    %and3A_1435 = arith.andi %get3A_1429, %and3A_1434 : vector<16xi32>
    %shift_left3A_1436 = arith.constant 9 : i32
    %shift_left3A_1437 = vector.broadcast %shift_left3A_1436 : i32 to vector<16xi32>
    %shift_left3A_1438 = arith.shli %shift_right_logical3A_1432, %shift_left3A_1437 : vector<16xi32>
    %or3A_1439 = arith.ori %shift_left3A_1438, %and3A_1435 : vector<16xi32>
    %swap3A_1440 = arith.constant 0 : i32
    %swap3A_1441 = arith.index_cast %swap3A_1440 : i32 to index
    %swap3A_1442 = arith.constant 64 : index
    %swap3A_1443 = tpu.vector_load %arg13[%swap3A_1441, %swap3A_1442] {strides = array<i32>} : memref<4x128xi32, #tpu.memory_space<vmem>>, vector<1x16xi32>,
    %swap3A_1444 = vector.shape_cast %swap3A_1443 : vector<1x16xi32> to vector<16xi32>
    %swap3A_1445 = vector.shape_cast %or3A_1439 : vector<16xi32> to vector<1x16xi32>
    tpu.vector_store %arg13[%swap3A_1441, %swap3A_1442], %swap3A_1445 {strides = array<i32>} : memref<4x128xi32, #tpu.memory_space<vmem>>, vector<1x16xi32>,
    %get3A_1446 = arith.constant 0 : i32
    %get3A_1447 = arith.index_cast %get3A_1446 : i32 to index
    %get3A_1448 = arith.constant 80 : index
    %get3A_1449 = tpu.vector_load %arg13[%get3A_1447, %get3A_1448] {strides = array<i32>} : memref<4x128xi32, #tpu.memory_space<vmem>>, vector<1x16xi32>,
    %get3A_1450 = vector.shape_cast %get3A_1449 : vector<1x16xi32> to vector<16xi32>
    %shift_right_logical3A_1451 = arith.constant 11 : i32
    %shift_right_logical3A_1452 = vector.broadcast %shift_right_logical3A_1451 : i32 to vector<16xi32>
    %shift_right_logical3A_1453 = arith.shrui %get3A_1450, %shift_right_logical3A_1452 : vector<16xi32>
    %and3A_1454 = arith.constant 511 : i32
    %and3A_1455 = vector.broadcast %and3A_1454 : i32 to vector<16xi32>
    %and3A_1456 = arith.andi %get3A_1450, %and3A_1455 : vector<16xi32>
    %shift_left3A_1457 = arith.constant 9 : i32
    %shift_left3A_1458 = vector.broadcast %shift_left3A_1457 : i32 to vector<16xi32>
    %shift_left3A_1459 = arith.shli %shift_right_logical3A_1453, %shift_left3A_1458 : vector<16xi32>
    %or3A_1460 = arith.ori %shift_left3A_1459, %and3A_1456 : vector<16xi32>
    %swap3A_1461 = arith.constant 0 : i32
    %swap3A_1462 = arith.index_cast %swap3A_1461 : i32 to index
    %swap3A_1463 = arith.constant 80 : index
    %swap3A_1464 = tpu.vector_load %arg13[%swap3A_1462, %swap3A_1463] {strides = array<i32>} : memref<4x128xi32, #tpu.memory_space<vmem>>, vector<1x16xi32>,
    %swap3A_1465 = vector.shape_cast %swap3A_1464 : vector<1x16xi32> to vector<16xi32>
    %swap3A_1466 = vector.shape_cast %or3A_1460 : vector<16xi32> to vector<1x16xi32>
    tpu.vector_store %arg13[%swap3A_1462, %swap3A_1463], %swap3A_1466 {strides = array<i32>} : memref<4x128xi32, #tpu.memory_space<vmem>>, vector<1x16xi32>,
    %get3A_1467 = arith.constant 0 : i32
    %get3A_1468 = arith.index_cast %get3A_1467 : i32 to index
    %get3A_1469 = arith.constant 96 : index
    %get3A_1470 = tpu.vector_load %arg13[%get3A_1468, %get3A_1469] {strides = array<i32>} : memref<4x128xi32, #tpu.memory_space<vmem>>, vector<1x16xi32>,
    %get3A_1471 = vector.shape_cast %get3A_1470 : vector<1x16xi32> to vector<16xi32>
    %shift_right_logical3A_1472 = arith.constant 11 : i32
    %shift_right_logical3A_1473 = vector.broadcast %shift_right_logical3A_1472 : i32 to vector<16xi32>
    %shift_right_logical3A_1474 = arith.shrui %get3A_1471, %shift_right_logical3A_1473 : vector<16xi32>
    %and3A_1475 = arith.constant 511 : i32
    %and3A_1476 = vector.broadcast %and3A_1475 : i32 to vector<16xi32>
    %and3A_1477 = arith.andi %get3A_1471, %and3A_1476 : vector<16xi32>
    %shift_left3A_1478 = arith.constant 9 : i32
    %shift_left3A_1479 = vector.broadcast %shift_left3A_1478 : i32 to vector<16xi32>
    %shift_left3A_1480 = arith.shli %shift_right_logical3A_1474, %shift_left3A_1479 : vector<16xi32>
    %or3A_1481 = arith.ori %shift_left3A_1480, %and3A_1477 : vector<16xi32>
    %swap3A_1482 = arith.constant 0 : i32
    %swap3A_1483 = arith.index_cast %swap3A_1482 : i32 to index
    %swap3A_1484 = arith.constant 96 : index
    %swap3A_1485 = tpu.vector_load %arg13[%swap3A_1483, %swap3A_1484] {strides = array<i32>} : memref<4x128xi32, #tpu.memory_space<vmem>>, vector<1x16xi32>,
    %swap3A_1486 = vector.shape_cast %swap3A_1485 : vector<1x16xi32> to vector<16xi32>
    %swap3A_1487 = vector.shape_cast %or3A_1481 : vector<16xi32> to vector<1x16xi32>
    tpu.vector_store %arg13[%swap3A_1483, %swap3A_1484], %swap3A_1487 {strides = array<i32>} : memref<4x128xi32, #tpu.memory_space<vmem>>, vector<1x16xi32>,
    %get3A_1488 = arith.constant 0 : i32
    %get3A_1489 = arith.index_cast %get3A_1488 : i32 to index
    %get3A_1490 = arith.constant 112 : index
    %get3A_1491 = tpu.vector_load %arg13[%get3A_1489, %get3A_1490] {strides = array<i32>} : memref<4x128xi32, #tpu.memory_space<vmem>>, vector<1x16xi32>,
    %get3A_1492 = vector.shape_cast %get3A_1491 : vector<1x16xi32> to vector<16xi32>
    %shift_right_logical3A_1493 = arith.constant 11 : i32
    %shift_right_logical3A_1494 = vector.broadcast %shift_right_logical3A_1493 : i32 to vector<16xi32>
    %shift_right_logical3A_1495 = arith.shrui %get3A_1492, %shift_right_logical3A_1494 : vector<16xi32>
    %and3A_1496 = arith.constant 511 : i32
    %and3A_1497 = vector.broadcast %and3A_1496 : i32 to vector<16xi32>
    %and3A_1498 = arith.andi %get3A_1492, %and3A_1497 : vector<16xi32>
    %shift_left3A_1499 = arith.constant 9 : i32
    %shift_left3A_1500 = vector.broadcast %shift_left3A_1499 : i32 to vector<16xi32>
    %shift_left3A_1501 = arith.shli %shift_right_logical3A_1495, %shift_left3A_1500 : vector<16xi32>
    %or3A_1502 = arith.ori %shift_left3A_1501, %and3A_1498 : vector<16xi32>
    %swap3A_1503 = arith.constant 0 : i32
    %swap3A_1504 = arith.index_cast %swap3A_1503 : i32 to index
    %swap3A_1505 = arith.constant 112 : index
    %swap3A_1506 = tpu.vector_load %arg13[%swap3A_1504, %swap3A_1505] {strides = array<i32>} : memref<4x128xi32, #tpu.memory_space<vmem>>, vector<1x16xi32>,
    %swap3A_1507 = vector.shape_cast %swap3A_1506 : vector<1x16xi32> to vector<16xi32>
    %swap3A_1508 = vector.shape_cast %or3A_1502 : vector<16xi32> to vector<1x16xi32>
    tpu.vector_store %arg13[%swap3A_1504, %swap3A_1505], %swap3A_1508 {strides = array<i32>} : memref<4x128xi32, #tpu.memory_space<vmem>>, vector<1x16xi32>,
    %get3A_1509 = arith.constant 1 : i32
    %get3A_1510 = arith.index_cast %get3A_1509 : i32 to index
    %get3A_1511 = arith.constant 0 : index
    %get3A_1512 = tpu.vector_load %arg13[%get3A_1510, %get3A_1511] {strides = array<i32>} : memref<4x128xi32, #tpu.memory_space<vmem>>, vector<1x16xi32>,
    %get3A_1513 = vector.shape_cast %get3A_1512 : vector<1x16xi32> to vector<16xi32>
    %shift_right_logical3A_1514 = arith.constant 11 : i32
    %shift_right_logical3A_1515 = vector.broadcast %shift_right_logical3A_1514 : i32 to vector<16xi32>
    %shift_right_logical3A_1516 = arith.shrui %get3A_1513, %shift_right_logical3A_1515 : vector<16xi32>
    %and3A_1517 = arith.constant 511 : i32
    %and3A_1518 = vector.broadcast %and3A_1517 : i32 to vector<16xi32>
    %and3A_1519 = arith.andi %get3A_1513, %and3A_1518 : vector<16xi32>
    %shift_left3A_1520 = arith.constant 9 : i32
    %shift_left3A_1521 = vector.broadcast %shift_left3A_1520 : i32 to vector<16xi32>
    %shift_left3A_1522 = arith.shli %shift_right_logical3A_1516, %shift_left3A_1521 : vector<16xi32>
    %or3A_1523 = arith.ori %shift_left3A_1522, %and3A_1519 : vector<16xi32>
    %swap3A_1524 = arith.constant 1 : i32
    %swap3A_1525 = arith.index_cast %swap3A_1524 : i32 to index
    %swap3A_1526 = arith.constant 0 : index
    %swap3A_1527 = tpu.vector_load %arg13[%swap3A_1525, %swap3A_1526] {strides = array<i32>} : memref<4x128xi32, #tpu.memory_space<vmem>>, vector<1x16xi32>,
    %swap3A_1528 = vector.shape_cast %swap3A_1527 : vector<1x16xi32> to vector<16xi32>
    %swap3A_1529 = vector.shape_cast %or3A_1523 : vector<16xi32> to vector<1x16xi32>
    tpu.vector_store %arg13[%swap3A_1525, %swap3A_1526], %swap3A_1529 {strides = array<i32>} : memref<4x128xi32, #tpu.memory_space<vmem>>, vector<1x16xi32>,
    %get3A_1530 = arith.constant 1 : i32
    %get3A_1531 = arith.index_cast %get3A_1530 : i32 to index
    %get3A_1532 = arith.constant 16 : index
    %get3A_1533 = tpu.vector_load %arg13[%get3A_1531, %get3A_1532] {strides = array<i32>} : memref<4x128xi32, #tpu.memory_space<vmem>>, vector<1x16xi32>,
    %get3A_1534 = vector.shape_cast %get3A_1533 : vector<1x16xi32> to vector<16xi32>
    %shift_right_logical3A_1535 = arith.constant 11 : i32
    %shift_right_logical3A_1536 = vector.broadcast %shift_right_logical3A_1535 : i32 to vector<16xi32>
    %shift_right_logical3A_1537 = arith.shrui %get3A_1534, %shift_right_logical3A_1536 : vector<16xi32>
    %and3A_1538 = arith.constant 511 : i32
    %and3A_1539 = vector.broadcast %and3A_1538 : i32 to vector<16xi32>
    %and3A_1540 = arith.andi %get3A_1534, %and3A_1539 : vector<16xi32>
    %shift_left3A_1541 = arith.constant 9 : i32
    %shift_left3A_1542 = vector.broadcast %shift_left3A_1541 : i32 to vector<16xi32>
    %shift_left3A_1543 = arith.shli %shift_right_logical3A_1537, %shift_left3A_1542 : vector<16xi32>
    %or3A_1544 = arith.ori %shift_left3A_1543, %and3A_1540 : vector<16xi32>
    %swap3A_1545 = arith.constant 1 : i32
    %swap3A_1546 = arith.index_cast %swap3A_1545 : i32 to index
    %swap3A_1547 = arith.constant 16 : index
    %swap3A_1548 = tpu.vector_load %arg13[%swap3A_1546, %swap3A_1547] {strides = array<i32>} : memref<4x128xi32, #tpu.memory_space<vmem>>, vector<1x16xi32>,
    %swap3A_1549 = vector.shape_cast %swap3A_1548 : vector<1x16xi32> to vector<16xi32>
    %swap3A_1550 = vector.shape_cast %or3A_1544 : vector<16xi32> to vector<1x16xi32>
    tpu.vector_store %arg13[%swap3A_1546, %swap3A_1547], %swap3A_1550 {strides = array<i32>} : memref<4x128xi32, #tpu.memory_space<vmem>>, vector<1x16xi32>,
    %get3A_1551 = arith.constant 1 : i32
    %get3A_1552 = arith.index_cast %get3A_1551 : i32 to index
    %get3A_1553 = arith.constant 32 : index
    %get3A_1554 = tpu.vector_load %arg13[%get3A_1552, %get3A_1553] {strides = array<i32>} : memref<4x128xi32, #tpu.memory_space<vmem>>, vector<1x16xi32>,
    %get3A_1555 = vector.shape_cast %get3A_1554 : vector<1x16xi32> to vector<16xi32>
    %shift_right_logical3A_1556 = arith.constant 11 : i32
    %shift_right_logical3A_1557 = vector.broadcast %shift_right_logical3A_1556 : i32 to vector<16xi32>
    %shift_right_logical3A_1558 = arith.shrui %get3A_1555, %shift_right_logical3A_1557 : vector<16xi32>
    %and3A_1559 = arith.constant 511 : i32
    %and3A_1560 = vector.broadcast %and3A_1559 : i32 to vector<16xi32>
    %and3A_1561 = arith.andi %get3A_1555, %and3A_1560 : vector<16xi32>
    %shift_left3A_1562 = arith.constant 9 : i32
    %shift_left3A_1563 = vector.broadcast %shift_left3A_1562 : i32 to vector<16xi32>
    %shift_left3A_1564 = arith.shli %shift_right_logical3A_1558, %shift_left3A_1563 : vector<16xi32>
    %or3A_1565 = arith.ori %shift_left3A_1564, %and3A_1561 : vector<16xi32>
    %swap3A_1566 = arith.constant 1 : i32
    %swap3A_1567 = arith.index_cast %swap3A_1566 : i32 to index
    %swap3A_1568 = arith.constant 32 : index
    %swap3A_1569 = tpu.vector_load %arg13[%swap3A_1567, %swap3A_1568] {strides = array<i32>} : memref<4x128xi32, #tpu.memory_space<vmem>>, vector<1x16xi32>,
    %swap3A_1570 = vector.shape_cast %swap3A_1569 : vector<1x16xi32> to vector<16xi32>
    %swap3A_1571 = vector.shape_cast %or3A_1565 : vector<16xi32> to vector<1x16xi32>
    tpu.vector_store %arg13[%swap3A_1567, %swap3A_1568], %swap3A_1571 {strides = array<i32>} : memref<4x128xi32, #tpu.memory_space<vmem>>, vector<1x16xi32>,
    %get3A_1572 = arith.constant 1 : i32
    %get3A_1573 = arith.index_cast %get3A_1572 : i32 to index
    %get3A_1574 = arith.constant 48 : index
    %get3A_1575 = tpu.vector_load %arg13[%get3A_1573, %get3A_1574] {strides = array<i32>} : memref<4x128xi32, #tpu.memory_space<vmem>>, vector<1x16xi32>,
    %get3A_1576 = vector.shape_cast %get3A_1575 : vector<1x16xi32> to vector<16xi32>
    %shift_right_logical3A_1577 = arith.constant 11 : i32
    %shift_right_logical3A_1578 = vector.broadcast %shift_right_logical3A_1577 : i32 to vector<16xi32>
    %shift_right_logical3A_1579 = arith.shrui %get3A_1576, %shift_right_logical3A_1578 : vector<16xi32>
    %and3A_1580 = arith.constant 511 : i32
    %and3A_1581 = vector.broadcast %and3A_1580 : i32 to vector<16xi32>
    %and3A_1582 = arith.andi %get3A_1576, %and3A_1581 : vector<16xi32>
    %shift_left3A_1583 = arith.constant 9 : i32
    %shift_left3A_1584 = vector.broadcast %shift_left3A_1583 : i32 to vector<16xi32>
    %shift_left3A_1585 = arith.shli %shift_right_logical3A_1579, %shift_left3A_1584 : vector<16xi32>
    %or3A_1586 = arith.ori %shift_left3A_1585, %and3A_1582 : vector<16xi32>
    %swap3A_1587 = arith.constant 1 : i32
    %swap3A_1588 = arith.index_cast %swap3A_1587 : i32 to index
    %swap3A_1589 = arith.constant 48 : index
    %swap3A_1590 = tpu.vector_load %arg13[%swap3A_1588, %swap3A_1589] {strides = array<i32>} : memref<4x128xi32, #tpu.memory_space<vmem>>, vector<1x16xi32>,
    %swap3A_1591 = vector.shape_cast %swap3A_1590 : vector<1x16xi32> to vector<16xi32>
    %swap3A_1592 = vector.shape_cast %or3A_1586 : vector<16xi32> to vector<1x16xi32>
    tpu.vector_store %arg13[%swap3A_1588, %swap3A_1589], %swap3A_1592 {strides = array<i32>} : memref<4x128xi32, #tpu.memory_space<vmem>>, vector<1x16xi32>,
    %get3A_1593 = arith.constant 1 : i32
    %get3A_1594 = arith.index_cast %get3A_1593 : i32 to index
    %get3A_1595 = arith.constant 64 : index
    %get3A_1596 = tpu.vector_load %arg13[%get3A_1594, %get3A_1595] {strides = array<i32>} : memref<4x128xi32, #tpu.memory_space<vmem>>, vector<1x16xi32>,
    %get3A_1597 = vector.shape_cast %get3A_1596 : vector<1x16xi32> to vector<16xi32>
    %shift_right_logical3A_1598 = arith.constant 11 : i32
    %shift_right_logical3A_1599 = vector.broadcast %shift_right_logical3A_1598 : i32 to vector<16xi32>
    %shift_right_logical3A_1600 = arith.shrui %get3A_1597, %shift_right_logical3A_1599 : vector<16xi32>
    %and3A_1601 = arith.constant 511 : i32
    %and3A_1602 = vector.broadcast %and3A_1601 : i32 to vector<16xi32>
    %and3A_1603 = arith.andi %get3A_1597, %and3A_1602 : vector<16xi32>
    %shift_left3A_1604 = arith.constant 9 : i32
    %shift_left3A_1605 = vector.broadcast %shift_left3A_1604 : i32 to vector<16xi32>
    %shift_left3A_1606 = arith.shli %shift_right_logical3A_1600, %shift_left3A_1605 : vector<16xi32>
    %or3A_1607 = arith.ori %shift_left3A_1606, %and3A_1603 : vector<16xi32>
    %swap3A_1608 = arith.constant 1 : i32
    %swap3A_1609 = arith.index_cast %swap3A_1608 : i32 to index
    %swap3A_1610 = arith.constant 64 : index
    %swap3A_1611 = tpu.vector_load %arg13[%swap3A_1609, %swap3A_1610] {strides = array<i32>} : memref<4x128xi32, #tpu.memory_space<vmem>>, vector<1x16xi32>,
    %swap3A_1612 = vector.shape_cast %swap3A_1611 : vector<1x16xi32> to vector<16xi32>
    %swap3A_1613 = vector.shape_cast %or3A_1607 : vector<16xi32> to vector<1x16xi32>
    tpu.vector_store %arg13[%swap3A_1609, %swap3A_1610], %swap3A_1613 {strides = array<i32>} : memref<4x128xi32, #tpu.memory_space<vmem>>, vector<1x16xi32>,
    %get3A_1614 = arith.constant 1 : i32
    %get3A_1615 = arith.index_cast %get3A_1614 : i32 to index
    %get3A_1616 = arith.constant 80 : index
    %get3A_1617 = tpu.vector_load %arg13[%get3A_1615, %get3A_1616] {strides = array<i32>} : memref<4x128xi32, #tpu.memory_space<vmem>>, vector<1x16xi32>,
    %get3A_1618 = vector.shape_cast %get3A_1617 : vector<1x16xi32> to vector<16xi32>
    %shift_right_logical3A_1619 = arith.constant 11 : i32
    %shift_right_logical3A_1620 = vector.broadcast %shift_right_logical3A_1619 : i32 to vector<16xi32>
    %shift_right_logical3A_1621 = arith.shrui %get3A_1618, %shift_right_logical3A_1620 : vector<16xi32>
    %and3A_1622 = arith.constant 511 : i32
    %and3A_1623 = vector.broadcast %and3A_1622 : i32 to vector<16xi32>
    %and3A_1624 = arith.andi %get3A_1618, %and3A_1623 : vector<16xi32>
    %shift_left3A_1625 = arith.constant 9 : i32
    %shift_left3A_1626 = vector.broadcast %shift_left3A_1625 : i32 to vector<16xi32>
    %shift_left3A_1627 = arith.shli %shift_right_logical3A_1621, %shift_left3A_1626 : vector<16xi32>
    %or3A_1628 = arith.ori %shift_left3A_1627, %and3A_1624 : vector<16xi32>
    %swap3A_1629 = arith.constant 1 : i32
    %swap3A_1630 = arith.index_cast %swap3A_1629 : i32 to index
    %swap3A_1631 = arith.constant 80 : index
    %swap3A_1632 = tpu.vector_load %arg13[%swap3A_1630, %swap3A_1631] {strides = array<i32>} : memref<4x128xi32, #tpu.memory_space<vmem>>, vector<1x16xi32>,
    %swap3A_1633 = vector.shape_cast %swap3A_1632 : vector<1x16xi32> to vector<16xi32>
    %swap3A_1634 = vector.shape_cast %or3A_1628 : vector<16xi32> to vector<1x16xi32>
    tpu.vector_store %arg13[%swap3A_1630, %swap3A_1631], %swap3A_1634 {strides = array<i32>} : memref<4x128xi32, #tpu.memory_space<vmem>>, vector<1x16xi32>,
    %get3A_1635 = arith.constant 1 : i32
    %get3A_1636 = arith.index_cast %get3A_1635 : i32 to index
    %get3A_1637 = arith.constant 96 : index
    %get3A_1638 = tpu.vector_load %arg13[%get3A_1636, %get3A_1637] {strides = array<i32>} : memref<4x128xi32, #tpu.memory_space<vmem>>, vector<1x16xi32>,
    %get3A_1639 = vector.shape_cast %get3A_1638 : vector<1x16xi32> to vector<16xi32>
    %shift_right_logical3A_1640 = arith.constant 11 : i32
    %shift_right_logical3A_1641 = vector.broadcast %shift_right_logical3A_1640 : i32 to vector<16xi32>
    %shift_right_logical3A_1642 = arith.shrui %get3A_1639, %shift_right_logical3A_1641 : vector<16xi32>
    %and3A_1643 = arith.constant 511 : i32
    %and3A_1644 = vector.broadcast %and3A_1643 : i32 to vector<16xi32>
    %and3A_1645 = arith.andi %get3A_1639, %and3A_1644 : vector<16xi32>
    %shift_left3A_1646 = arith.constant 9 : i32
    %shift_left3A_1647 = vector.broadcast %shift_left3A_1646 : i32 to vector<16xi32>
    %shift_left3A_1648 = arith.shli %shift_right_logical3A_1642, %shift_left3A_1647 : vector<16xi32>
    %or3A_1649 = arith.ori %shift_left3A_1648, %and3A_1645 : vector<16xi32>
    %swap3A_1650 = arith.constant 1 : i32
    %swap3A_1651 = arith.index_cast %swap3A_1650 : i32 to index
    %swap3A_1652 = arith.constant 96 : index
    %swap3A_1653 = tpu.vector_load %arg13[%swap3A_1651, %swap3A_1652] {strides = array<i32>} : memref<4x128xi32, #tpu.memory_space<vmem>>, vector<1x16xi32>,
    %swap3A_1654 = vector.shape_cast %swap3A_1653 : vector<1x16xi32> to vector<16xi32>
    %swap3A_1655 = vector.shape_cast %or3A_1649 : vector<16xi32> to vector<1x16xi32>
    tpu.vector_store %arg13[%swap3A_1651, %swap3A_1652], %swap3A_1655 {strides = array<i32>} : memref<4x128xi32, #tpu.memory_space<vmem>>, vector<1x16xi32>,
    %get3A_1656 = arith.constant 1 : i32
    %get3A_1657 = arith.index_cast %get3A_1656 : i32 to index
    %get3A_1658 = arith.constant 112 : index
    %get3A_1659 = tpu.vector_load %arg13[%get3A_1657, %get3A_1658] {strides = array<i32>} : memref<4x128xi32, #tpu.memory_space<vmem>>, vector<1x16xi32>,
    %get3A_1660 = vector.shape_cast %get3A_1659 : vector<1x16xi32> to vector<16xi32>
    %shift_right_logical3A_1661 = arith.constant 11 : i32
    %shift_right_logical3A_1662 = vector.broadcast %shift_right_logical3A_1661 : i32 to vector<16xi32>
    %shift_right_logical3A_1663 = arith.shrui %get3A_1660, %shift_right_logical3A_1662 : vector<16xi32>
    %and3A_1664 = arith.constant 511 : i32
    %and3A_1665 = vector.broadcast %and3A_1664 : i32 to vector<16xi32>
    %and3A_1666 = arith.andi %get3A_1660, %and3A_1665 : vector<16xi32>
    %shift_left3A_1667 = arith.constant 9 : i32
    %shift_left3A_1668 = vector.broadcast %shift_left3A_1667 : i32 to vector<16xi32>
    %shift_left3A_1669 = arith.shli %shift_right_logical3A_1663, %shift_left3A_1668 : vector<16xi32>
    %or3A_1670 = arith.ori %shift_left3A_1669, %and3A_1666 : vector<16xi32>
    %swap3A_1671 = arith.constant 1 : i32
    %swap3A_1672 = arith.index_cast %swap3A_1671 : i32 to index
    %swap3A_1673 = arith.constant 112 : index
    %swap3A_1674 = tpu.vector_load %arg13[%swap3A_1672, %swap3A_1673] {strides = array<i32>} : memref<4x128xi32, #tpu.memory_space<vmem>>, vector<1x16xi32>,
    %swap3A_1675 = vector.shape_cast %swap3A_1674 : vector<1x16xi32> to vector<16xi32>
    %swap3A_1676 = vector.shape_cast %or3A_1670 : vector<16xi32> to vector<1x16xi32>
    tpu.vector_store %arg13[%swap3A_1672, %swap3A_1673], %swap3A_1676 {strides = array<i32>} : memref<4x128xi32, #tpu.memory_space<vmem>>, vector<1x16xi32>,
    %get3A_1677 = arith.constant 2 : i32
    %get3A_1678 = arith.index_cast %get3A_1677 : i32 to index
    %get3A_1679 = arith.constant 0 : index
    %get3A_1680 = tpu.vector_load %arg13[%get3A_1678, %get3A_1679] {strides = array<i32>} : memref<4x128xi32, #tpu.memory_space<vmem>>, vector<1x16xi32>,
    %get3A_1681 = vector.shape_cast %get3A_1680 : vector<1x16xi32> to vector<16xi32>
    %shift_right_logical3A_1682 = arith.constant 11 : i32
    %shift_right_logical3A_1683 = vector.broadcast %shift_right_logical3A_1682 : i32 to vector<16xi32>
    %shift_right_logical3A_1684 = arith.shrui %get3A_1681, %shift_right_logical3A_1683 : vector<16xi32>
    %and3A_1685 = arith.constant 511 : i32
    %and3A_1686 = vector.broadcast %and3A_1685 : i32 to vector<16xi32>
    %and3A_1687 = arith.andi %get3A_1681, %and3A_1686 : vector<16xi32>
    %shift_left3A_1688 = arith.constant 9 : i32
    %shift_left3A_1689 = vector.broadcast %shift_left3A_1688 : i32 to vector<16xi32>
    %shift_left3A_1690 = arith.shli %shift_right_logical3A_1684, %shift_left3A_1689 : vector<16xi32>
    %or3A_1691 = arith.ori %shift_left3A_1690, %and3A_1687 : vector<16xi32>
    %swap3A_1692 = arith.constant 2 : i32
    %swap3A_1693 = arith.index_cast %swap3A_1692 : i32 to index
    %swap3A_1694 = arith.constant 0 : index
    %swap3A_1695 = tpu.vector_load %arg13[%swap3A_1693, %swap3A_1694] {strides = array<i32>} : memref<4x128xi32, #tpu.memory_space<vmem>>, vector<1x16xi32>,
    %swap3A_1696 = vector.shape_cast %swap3A_1695 : vector<1x16xi32> to vector<16xi32>
    %swap3A_1697 = vector.shape_cast %or3A_1691 : vector<16xi32> to vector<1x16xi32>
    tpu.vector_store %arg13[%swap3A_1693, %swap3A_1694], %swap3A_1697 {strides = array<i32>} : memref<4x128xi32, #tpu.memory_space<vmem>>, vector<1x16xi32>,
    %get3A_1698 = arith.constant 2 : i32
    %get3A_1699 = arith.index_cast %get3A_1698 : i32 to index
    %get3A_1700 = arith.constant 16 : index
    %get3A_1701 = tpu.vector_load %arg13[%get3A_1699, %get3A_1700] {strides = array<i32>} : memref<4x128xi32, #tpu.memory_space<vmem>>, vector<1x16xi32>,
    %get3A_1702 = vector.shape_cast %get3A_1701 : vector<1x16xi32> to vector<16xi32>
    %shift_right_logical3A_1703 = arith.constant 11 : i32
    %shift_right_logical3A_1704 = vector.broadcast %shift_right_logical3A_1703 : i32 to vector<16xi32>
    %shift_right_logical3A_1705 = arith.shrui %get3A_1702, %shift_right_logical3A_1704 : vector<16xi32>
    %and3A_1706 = arith.constant 511 : i32
    %and3A_1707 = vector.broadcast %and3A_1706 : i32 to vector<16xi32>
    %and3A_1708 = arith.andi %get3A_1702, %and3A_1707 : vector<16xi32>
    %shift_left3A_1709 = arith.constant 9 : i32
    %shift_left3A_1710 = vector.broadcast %shift_left3A_1709 : i32 to vector<16xi32>
    %shift_left3A_1711 = arith.shli %shift_right_logical3A_1705, %shift_left3A_1710 : vector<16xi32>
    %or3A_1712 = arith.ori %shift_left3A_1711, %and3A_1708 : vector<16xi32>
    %swap3A_1713 = arith.constant 2 : i32
    %swap3A_1714 = arith.index_cast %swap3A_1713 : i32 to index
    %swap3A_1715 = arith.constant 16 : index
    %swap3A_1716 = tpu.vector_load %arg13[%swap3A_1714, %swap3A_1715] {strides = array<i32>} : memref<4x128xi32, #tpu.memory_space<vmem>>, vector<1x16xi32>,
    %swap3A_1717 = vector.shape_cast %swap3A_1716 : vector<1x16xi32> to vector<16xi32>
    %swap3A_1718 = vector.shape_cast %or3A_1712 : vector<16xi32> to vector<1x16xi32>
    tpu.vector_store %arg13[%swap3A_1714, %swap3A_1715], %swap3A_1718 {strides = array<i32>} : memref<4x128xi32, #tpu.memory_space<vmem>>, vector<1x16xi32>,
    %get3A_1719 = arith.constant 2 : i32
    %get3A_1720 = arith.index_cast %get3A_1719 : i32 to index
    %get3A_1721 = arith.constant 32 : index
    %get3A_1722 = tpu.vector_load %arg13[%get3A_1720, %get3A_1721] {strides = array<i32>} : memref<4x128xi32, #tpu.memory_space<vmem>>, vector<1x16xi32>,
    %get3A_1723 = vector.shape_cast %get3A_1722 : vector<1x16xi32> to vector<16xi32>
    %shift_right_logical3A_1724 = arith.constant 11 : i32
    %shift_right_logical3A_1725 = vector.broadcast %shift_right_logical3A_1724 : i32 to vector<16xi32>
    %shift_right_logical3A_1726 = arith.shrui %get3A_1723, %shift_right_logical3A_1725 : vector<16xi32>
    %and3A_1727 = arith.constant 511 : i32
    %and3A_1728 = vector.broadcast %and3A_1727 : i32 to vector<16xi32>
    %and3A_1729 = arith.andi %get3A_1723, %and3A_1728 : vector<16xi32>
    %shift_left3A_1730 = arith.constant 9 : i32
    %shift_left3A_1731 = vector.broadcast %shift_left3A_1730 : i32 to vector<16xi32>
    %shift_left3A_1732 = arith.shli %shift_right_logical3A_1726, %shift_left3A_1731 : vector<16xi32>
    %or3A_1733 = arith.ori %shift_left3A_1732, %and3A_1729 : vector<16xi32>
    %swap3A_1734 = arith.constant 2 : i32
    %swap3A_1735 = arith.index_cast %swap3A_1734 : i32 to index
    %swap3A_1736 = arith.constant 32 : index
    %swap3A_1737 = tpu.vector_load %arg13[%swap3A_1735, %swap3A_1736] {strides = array<i32>} : memref<4x128xi32, #tpu.memory_space<vmem>>, vector<1x16xi32>,
    %swap3A_1738 = vector.shape_cast %swap3A_1737 : vector<1x16xi32> to vector<16xi32>
    %swap3A_1739 = vector.shape_cast %or3A_1733 : vector<16xi32> to vector<1x16xi32>
    tpu.vector_store %arg13[%swap3A_1735, %swap3A_1736], %swap3A_1739 {strides = array<i32>} : memref<4x128xi32, #tpu.memory_space<vmem>>, vector<1x16xi32>,
    %get3A_1740 = arith.constant 2 : i32
    %get3A_1741 = arith.index_cast %get3A_1740 : i32 to index
    %get3A_1742 = arith.constant 48 : index
    %get3A_1743 = tpu.vector_load %arg13[%get3A_1741, %get3A_1742] {strides = array<i32>} : memref<4x128xi32, #tpu.memory_space<vmem>>, vector<1x16xi32>,
    %get3A_1744 = vector.shape_cast %get3A_1743 : vector<1x16xi32> to vector<16xi32>
    %shift_right_logical3A_1745 = arith.constant 11 : i32
    %shift_right_logical3A_1746 = vector.broadcast %shift_right_logical3A_1745 : i32 to vector<16xi32>
    %shift_right_logical3A_1747 = arith.shrui %get3A_1744, %shift_right_logical3A_1746 : vector<16xi32>
    %and3A_1748 = arith.constant 511 : i32
    %and3A_1749 = vector.broadcast %and3A_1748 : i32 to vector<16xi32>
    %and3A_1750 = arith.andi %get3A_1744, %and3A_1749 : vector<16xi32>
    %shift_left3A_1751 = arith.constant 9 : i32
    %shift_left3A_1752 = vector.broadcast %shift_left3A_1751 : i32 to vector<16xi32>
    %shift_left3A_1753 = arith.shli %shift_right_logical3A_1747, %shift_left3A_1752 : vector<16xi32>
    %or3A_1754 = arith.ori %shift_left3A_1753, %and3A_1750 : vector<16xi32>
    %swap3A_1755 = arith.constant 2 : i32
    %swap3A_1756 = arith.index_cast %swap3A_1755 : i32 to index
    %swap3A_1757 = arith.constant 48 : index
    %swap3A_1758 = tpu.vector_load %arg13[%swap3A_1756, %swap3A_1757] {strides = array<i32>} : memref<4x128xi32, #tpu.memory_space<vmem>>, vector<1x16xi32>,
    %swap3A_1759 = vector.shape_cast %swap3A_1758 : vector<1x16xi32> to vector<16xi32>
    %swap3A_1760 = vector.shape_cast %or3A_1754 : vector<16xi32> to vector<1x16xi32>
    tpu.vector_store %arg13[%swap3A_1756, %swap3A_1757], %swap3A_1760 {strides = array<i32>} : memref<4x128xi32, #tpu.memory_space<vmem>>, vector<1x16xi32>,
    %get3A_1761 = arith.constant 2 : i32
    %get3A_1762 = arith.index_cast %get3A_1761 : i32 to index
    %get3A_1763 = arith.constant 64 : index
    %get3A_1764 = tpu.vector_load %arg13[%get3A_1762, %get3A_1763] {strides = array<i32>} : memref<4x128xi32, #tpu.memory_space<vmem>>, vector<1x16xi32>,
    %get3A_1765 = vector.shape_cast %get3A_1764 : vector<1x16xi32> to vector<16xi32>
    %shift_right_logical3A_1766 = arith.constant 11 : i32
    %shift_right_logical3A_1767 = vector.broadcast %shift_right_logical3A_1766 : i32 to vector<16xi32>
    %shift_right_logical3A_1768 = arith.shrui %get3A_1765, %shift_right_logical3A_1767 : vector<16xi32>
    %and3A_1769 = arith.constant 511 : i32
    %and3A_1770 = vector.broadcast %and3A_1769 : i32 to vector<16xi32>
    %and3A_1771 = arith.andi %get3A_1765, %and3A_1770 : vector<16xi32>
    %shift_left3A_1772 = arith.constant 9 : i32
    %shift_left3A_1773 = vector.broadcast %shift_left3A_1772 : i32 to vector<16xi32>
    %shift_left3A_1774 = arith.shli %shift_right_logical3A_1768, %shift_left3A_1773 : vector<16xi32>
    %or3A_1775 = arith.ori %shift_left3A_1774, %and3A_1771 : vector<16xi32>
    %swap3A_1776 = arith.constant 2 : i32
    %swap3A_1777 = arith.index_cast %swap3A_1776 : i32 to index
    %swap3A_1778 = arith.constant 64 : index
    %swap3A_1779 = tpu.vector_load %arg13[%swap3A_1777, %swap3A_1778] {strides = array<i32>} : memref<4x128xi32, #tpu.memory_space<vmem>>, vector<1x16xi32>,
    %swap3A_1780 = vector.shape_cast %swap3A_1779 : vector<1x16xi32> to vector<16xi32>
    %swap3A_1781 = vector.shape_cast %or3A_1775 : vector<16xi32> to vector<1x16xi32>
    tpu.vector_store %arg13[%swap3A_1777, %swap3A_1778], %swap3A_1781 {strides = array<i32>} : memref<4x128xi32, #tpu.memory_space<vmem>>, vector<1x16xi32>,
    %get3A_1782 = arith.constant 2 : i32
    %get3A_1783 = arith.index_cast %get3A_1782 : i32 to index
    %get3A_1784 = arith.constant 80 : index
    %get3A_1785 = tpu.vector_load %arg13[%get3A_1783, %get3A_1784] {strides = array<i32>} : memref<4x128xi32, #tpu.memory_space<vmem>>, vector<1x16xi32>,
    %get3A_1786 = vector.shape_cast %get3A_1785 : vector<1x16xi32> to vector<16xi32>
    %shift_right_logical3A_1787 = arith.constant 11 : i32
    %shift_right_logical3A_1788 = vector.broadcast %shift_right_logical3A_1787 : i32 to vector<16xi32>
    %shift_right_logical3A_1789 = arith.shrui %get3A_1786, %shift_right_logical3A_1788 : vector<16xi32>
    %and3A_1790 = arith.constant 511 : i32
    %and3A_1791 = vector.broadcast %and3A_1790 : i32 to vector<16xi32>
    %and3A_1792 = arith.andi %get3A_1786, %and3A_1791 : vector<16xi32>
    %shift_left3A_1793 = arith.constant 9 : i32
    %shift_left3A_1794 = vector.broadcast %shift_left3A_1793 : i32 to vector<16xi32>
    %shift_left3A_1795 = arith.shli %shift_right_logical3A_1789, %shift_left3A_1794 : vector<16xi32>
    %or3A_1796 = arith.ori %shift_left3A_1795, %and3A_1792 : vector<16xi32>
    %swap3A_1797 = arith.constant 2 : i32
    %swap3A_1798 = arith.index_cast %swap3A_1797 : i32 to index
    %swap3A_1799 = arith.constant 80 : index
    %swap3A_1800 = tpu.vector_load %arg13[%swap3A_1798, %swap3A_1799] {strides = array<i32>} : memref<4x128xi32, #tpu.memory_space<vmem>>, vector<1x16xi32>,
    %swap3A_1801 = vector.shape_cast %swap3A_1800 : vector<1x16xi32> to vector<16xi32>
    %swap3A_1802 = vector.shape_cast %or3A_1796 : vector<16xi32> to vector<1x16xi32>
    tpu.vector_store %arg13[%swap3A_1798, %swap3A_1799], %swap3A_1802 {strides = array<i32>} : memref<4x128xi32, #tpu.memory_space<vmem>>, vector<1x16xi32>,
    %get3A_1803 = arith.constant 2 : i32
    %get3A_1804 = arith.index_cast %get3A_1803 : i32 to index
    %get3A_1805 = arith.constant 96 : index
    %get3A_1806 = tpu.vector_load %arg13[%get3A_1804, %get3A_1805] {strides = array<i32>} : memref<4x128xi32, #tpu.memory_space<vmem>>, vector<1x16xi32>,
    %get3A_1807 = vector.shape_cast %get3A_1806 : vector<1x16xi32> to vector<16xi32>
    %shift_right_logical3A_1808 = arith.constant 11 : i32
    %shift_right_logical3A_1809 = vector.broadcast %shift_right_logical3A_1808 : i32 to vector<16xi32>
    %shift_right_logical3A_1810 = arith.shrui %get3A_1807, %shift_right_logical3A_1809 : vector<16xi32>
    %and3A_1811 = arith.constant 511 : i32
    %and3A_1812 = vector.broadcast %and3A_1811 : i32 to vector<16xi32>
    %and3A_1813 = arith.andi %get3A_1807, %and3A_1812 : vector<16xi32>
    %shift_left3A_1814 = arith.constant 9 : i32
    %shift_left3A_1815 = vector.broadcast %shift_left3A_1814 : i32 to vector<16xi32>
    %shift_left3A_1816 = arith.shli %shift_right_logical3A_1810, %shift_left3A_1815 : vector<16xi32>
    %or3A_1817 = arith.ori %shift_left3A_1816, %and3A_1813 : vector<16xi32>
    %swap3A_1818 = arith.constant 2 : i32
    %swap3A_1819 = arith.index_cast %swap3A_1818 : i32 to index
    %swap3A_1820 = arith.constant 96 : index
    %swap3A_1821 = tpu.vector_load %arg13[%swap3A_1819, %swap3A_1820] {strides = array<i32>} : memref<4x128xi32, #tpu.memory_space<vmem>>, vector<1x16xi32>,
    %swap3A_1822 = vector.shape_cast %swap3A_1821 : vector<1x16xi32> to vector<16xi32>
    %swap3A_1823 = vector.shape_cast %or3A_1817 : vector<16xi32> to vector<1x16xi32>
    tpu.vector_store %arg13[%swap3A_1819, %swap3A_1820], %swap3A_1823 {strides = array<i32>} : memref<4x128xi32, #tpu.memory_space<vmem>>, vector<1x16xi32>,
    %get3A_1824 = arith.constant 2 : i32
    %get3A_1825 = arith.index_cast %get3A_1824 : i32 to index
    %get3A_1826 = arith.constant 112 : index
    %get3A_1827 = tpu.vector_load %arg13[%get3A_1825, %get3A_1826] {strides = array<i32>} : memref<4x128xi32, #tpu.memory_space<vmem>>, vector<1x16xi32>,
    %get3A_1828 = vector.shape_cast %get3A_1827 : vector<1x16xi32> to vector<16xi32>
    %shift_right_logical3A_1829 = arith.constant 11 : i32
    %shift_right_logical3A_1830 = vector.broadcast %shift_right_logical3A_1829 : i32 to vector<16xi32>
    %shift_right_logical3A_1831 = arith.shrui %get3A_1828, %shift_right_logical3A_1830 : vector<16xi32>
    %and3A_1832 = arith.constant 511 : i32
    %and3A_1833 = vector.broadcast %and3A_1832 : i32 to vector<16xi32>
    %and3A_1834 = arith.andi %get3A_1828, %and3A_1833 : vector<16xi32>
    %shift_left3A_1835 = arith.constant 9 : i32
    %shift_left3A_1836 = vector.broadcast %shift_left3A_1835 : i32 to vector<16xi32>
    %shift_left3A_1837 = arith.shli %shift_right_logical3A_1831, %shift_left3A_1836 : vector<16xi32>
    %or3A_1838 = arith.ori %shift_left3A_1837, %and3A_1834 : vector<16xi32>
    %swap3A_1839 = arith.constant 2 : i32
    %swap3A_1840 = arith.index_cast %swap3A_1839 : i32 to index
    %swap3A_1841 = arith.constant 112 : index
    %swap3A_1842 = tpu.vector_load %arg13[%swap3A_1840, %swap3A_1841] {strides = array<i32>} : memref<4x128xi32, #tpu.memory_space<vmem>>, vector<1x16xi32>,
    %swap3A_1843 = vector.shape_cast %swap3A_1842 : vector<1x16xi32> to vector<16xi32>
    %swap3A_1844 = vector.shape_cast %or3A_1838 : vector<16xi32> to vector<1x16xi32>
    tpu.vector_store %arg13[%swap3A_1840, %swap3A_1841], %swap3A_1844 {strides = array<i32>} : memref<4x128xi32, #tpu.memory_space<vmem>>, vector<1x16xi32>,
    %get3A_1845 = arith.constant 3 : i32
    %get3A_1846 = arith.index_cast %get3A_1845 : i32 to index
    %get3A_1847 = arith.constant 0 : index
    %get3A_1848 = tpu.vector_load %arg13[%get3A_1846, %get3A_1847] {strides = array<i32>} : memref<4x128xi32, #tpu.memory_space<vmem>>, vector<1x16xi32>,
    %get3A_1849 = vector.shape_cast %get3A_1848 : vector<1x16xi32> to vector<16xi32>
    %shift_right_logical3A_1850 = arith.constant 11 : i32
    %shift_right_logical3A_1851 = vector.broadcast %shift_right_logical3A_1850 : i32 to vector<16xi32>
    %shift_right_logical3A_1852 = arith.shrui %get3A_1849, %shift_right_logical3A_1851 : vector<16xi32>
    %and3A_1853 = arith.constant 511 : i32
    %and3A_1854 = vector.broadcast %and3A_1853 : i32 to vector<16xi32>
    %and3A_1855 = arith.andi %get3A_1849, %and3A_1854 : vector<16xi32>
    %shift_left3A_1856 = arith.constant 9 : i32
    %shift_left3A_1857 = vector.broadcast %shift_left3A_1856 : i32 to vector<16xi32>
    %shift_left3A_1858 = arith.shli %shift_right_logical3A_1852, %shift_left3A_1857 : vector<16xi32>
    %or3A_1859 = arith.ori %shift_left3A_1858, %and3A_1855 : vector<16xi32>
    %swap3A_1860 = arith.constant 3 : i32
    %swap3A_1861 = arith.index_cast %swap3A_1860 : i32 to index
    %swap3A_1862 = arith.constant 0 : index
    %swap3A_1863 = tpu.vector_load %arg13[%swap3A_1861, %swap3A_1862] {strides = array<i32>} : memref<4x128xi32, #tpu.memory_space<vmem>>, vector<1x16xi32>,
    %swap3A_1864 = vector.shape_cast %swap3A_1863 : vector<1x16xi32> to vector<16xi32>
    %swap3A_1865 = vector.shape_cast %or3A_1859 : vector<16xi32> to vector<1x16xi32>
    tpu.vector_store %arg13[%swap3A_1861, %swap3A_1862], %swap3A_1865 {strides = array<i32>} : memref<4x128xi32, #tpu.memory_space<vmem>>, vector<1x16xi32>,
    %get3A_1866 = arith.constant 3 : i32
    %get3A_1867 = arith.index_cast %get3A_1866 : i32 to index
    %get3A_1868 = arith.constant 16 : index
    %get3A_1869 = tpu.vector_load %arg13[%get3A_1867, %get3A_1868] {strides = array<i32>} : memref<4x128xi32, #tpu.memory_space<vmem>>, vector<1x16xi32>,
    %get3A_1870 = vector.shape_cast %get3A_1869 : vector<1x16xi32> to vector<16xi32>
    %shift_right_logical3A_1871 = arith.constant 11 : i32
    %shift_right_logical3A_1872 = vector.broadcast %shift_right_logical3A_1871 : i32 to vector<16xi32>
    %shift_right_logical3A_1873 = arith.shrui %get3A_1870, %shift_right_logical3A_1872 : vector<16xi32>
    %and3A_1874 = arith.constant 511 : i32
    %and3A_1875 = vector.broadcast %and3A_1874 : i32 to vector<16xi32>
    %and3A_1876 = arith.andi %get3A_1870, %and3A_1875 : vector<16xi32>
    %shift_left3A_1877 = arith.constant 9 : i32
    %shift_left3A_1878 = vector.broadcast %shift_left3A_1877 : i32 to vector<16xi32>
    %shift_left3A_1879 = arith.shli %shift_right_logical3A_1873, %shift_left3A_1878 : vector<16xi32>
    %or3A_1880 = arith.ori %shift_left3A_1879, %and3A_1876 : vector<16xi32>
    %swap3A_1881 = arith.constant 3 : i32
    %swap3A_1882 = arith.index_cast %swap3A_1881 : i32 to index
    %swap3A_1883 = arith.constant 16 : index
    %swap3A_1884 = tpu.vector_load %arg13[%swap3A_1882, %swap3A_1883] {strides = array<i32>} : memref<4x128xi32, #tpu.memory_space<vmem>>, vector<1x16xi32>,
    %swap3A_1885 = vector.shape_cast %swap3A_1884 : vector<1x16xi32> to vector<16xi32>
    %swap3A_1886 = vector.shape_cast %or3A_1880 : vector<16xi32> to vector<1x16xi32>
    tpu.vector_store %arg13[%swap3A_1882, %swap3A_1883], %swap3A_1886 {strides = array<i32>} : memref<4x128xi32, #tpu.memory_space<vmem>>, vector<1x16xi32>,
    %get3A_1887 = arith.constant 3 : i32
    %get3A_1888 = arith.index_cast %get3A_1887 : i32 to index
    %get3A_1889 = arith.constant 32 : index
    %get3A_1890 = tpu.vector_load %arg13[%get3A_1888, %get3A_1889] {strides = array<i32>} : memref<4x128xi32, #tpu.memory_space<vmem>>, vector<1x16xi32>,
    %get3A_1891 = vector.shape_cast %get3A_1890 : vector<1x16xi32> to vector<16xi32>
    %shift_right_logical3A_1892 = arith.constant 11 : i32
    %shift_right_logical3A_1893 = vector.broadcast %shift_right_logical3A_1892 : i32 to vector<16xi32>
    %shift_right_logical3A_1894 = arith.shrui %get3A_1891, %shift_right_logical3A_1893 : vector<16xi32>
    %and3A_1895 = arith.constant 511 : i32
    %and3A_1896 = vector.broadcast %and3A_1895 : i32 to vector<16xi32>
    %and3A_1897 = arith.andi %get3A_1891, %and3A_1896 : vector<16xi32>
    %shift_left3A_1898 = arith.constant 9 : i32
    %shift_left3A_1899 = vector.broadcast %shift_left3A_1898 : i32 to vector<16xi32>
    %shift_left3A_1900 = arith.shli %shift_right_logical3A_1894, %shift_left3A_1899 : vector<16xi32>
    %or3A_1901 = arith.ori %shift_left3A_1900, %and3A_1897 : vector<16xi32>
    %swap3A_1902 = arith.constant 3 : i32
    %swap3A_1903 = arith.index_cast %swap3A_1902 : i32 to index
    %swap3A_1904 = arith.constant 32 : index
    %swap3A_1905 = tpu.vector_load %arg13[%swap3A_1903, %swap3A_1904] {strides = array<i32>} : memref<4x128xi32, #tpu.memory_space<vmem>>, vector<1x16xi32>,
    %swap3A_1906 = vector.shape_cast %swap3A_1905 : vector<1x16xi32> to vector<16xi32>
    %swap3A_1907 = vector.shape_cast %or3A_1901 : vector<16xi32> to vector<1x16xi32>
    tpu.vector_store %arg13[%swap3A_1903, %swap3A_1904], %swap3A_1907 {strides = array<i32>} : memref<4x128xi32, #tpu.memory_space<vmem>>, vector<1x16xi32>,
    %get3A_1908 = arith.constant 3 : i32
    %get3A_1909 = arith.index_cast %get3A_1908 : i32 to index
    %get3A_1910 = arith.constant 48 : index
    %get3A_1911 = tpu.vector_load %arg13[%get3A_1909, %get3A_1910] {strides = array<i32>} : memref<4x128xi32, #tpu.memory_space<vmem>>, vector<1x16xi32>,
    %get3A_1912 = vector.shape_cast %get3A_1911 : vector<1x16xi32> to vector<16xi32>
    %shift_right_logical3A_1913 = arith.constant 11 : i32
    %shift_right_logical3A_1914 = vector.broadcast %shift_right_logical3A_1913 : i32 to vector<16xi32>
    %shift_right_logical3A_1915 = arith.shrui %get3A_1912, %shift_right_logical3A_1914 : vector<16xi32>
    %and3A_1916 = arith.constant 511 : i32
    %and3A_1917 = vector.broadcast %and3A_1916 : i32 to vector<16xi32>
    %and3A_1918 = arith.andi %get3A_1912, %and3A_1917 : vector<16xi32>
    %shift_left3A_1919 = arith.constant 9 : i32
    %shift_left3A_1920 = vector.broadcast %shift_left3A_1919 : i32 to vector<16xi32>
    %shift_left3A_1921 = arith.shli %shift_right_logical3A_1915, %shift_left3A_1920 : vector<16xi32>
    %or3A_1922 = arith.ori %shift_left3A_1921, %and3A_1918 : vector<16xi32>
    %swap3A_1923 = arith.constant 3 : i32
    %swap3A_1924 = arith.index_cast %swap3A_1923 : i32 to index
    %swap3A_1925 = arith.constant 48 : index
    %swap3A_1926 = tpu.vector_load %arg13[%swap3A_1924, %swap3A_1925] {strides = array<i32>} : memref<4x128xi32, #tpu.memory_space<vmem>>, vector<1x16xi32>,
    %swap3A_1927 = vector.shape_cast %swap3A_1926 : vector<1x16xi32> to vector<16xi32>
    %swap3A_1928 = vector.shape_cast %or3A_1922 : vector<16xi32> to vector<1x16xi32>
    tpu.vector_store %arg13[%swap3A_1924, %swap3A_1925], %swap3A_1928 {strides = array<i32>} : memref<4x128xi32, #tpu.memory_space<vmem>>, vector<1x16xi32>,
    %get3A_1929 = arith.constant 3 : i32
    %get3A_1930 = arith.index_cast %get3A_1929 : i32 to index
    %get3A_1931 = arith.constant 64 : index
    %get3A_1932 = tpu.vector_load %arg13[%get3A_1930, %get3A_1931] {strides = array<i32>} : memref<4x128xi32, #tpu.memory_space<vmem>>, vector<1x16xi32>,
    %get3A_1933 = vector.shape_cast %get3A_1932 : vector<1x16xi32> to vector<16xi32>
    %shift_right_logical3A_1934 = arith.constant 11 : i32
    %shift_right_logical3A_1935 = vector.broadcast %shift_right_logical3A_1934 : i32 to vector<16xi32>
    %shift_right_logical3A_1936 = arith.shrui %get3A_1933, %shift_right_logical3A_1935 : vector<16xi32>
    %and3A_1937 = arith.constant 511 : i32
    %and3A_1938 = vector.broadcast %and3A_1937 : i32 to vector<16xi32>
    %and3A_1939 = arith.andi %get3A_1933, %and3A_1938 : vector<16xi32>
    %shift_left3A_1940 = arith.constant 9 : i32
    %shift_left3A_1941 = vector.broadcast %shift_left3A_1940 : i32 to vector<16xi32>
    %shift_left3A_1942 = arith.shli %shift_right_logical3A_1936, %shift_left3A_1941 : vector<16xi32>
    %or3A_1943 = arith.ori %shift_left3A_1942, %and3A_1939 : vector<16xi32>
    %swap3A_1944 = arith.constant 3 : i32
    %swap3A_1945 = arith.index_cast %swap3A_1944 : i32 to index
    %swap3A_1946 = arith.constant 64 : index
    %swap3A_1947 = tpu.vector_load %arg13[%swap3A_1945, %swap3A_1946] {strides = array<i32>} : memref<4x128xi32, #tpu.memory_space<vmem>>, vector<1x16xi32>,
    %swap3A_1948 = vector.shape_cast %swap3A_1947 : vector<1x16xi32> to vector<16xi32>
    %swap3A_1949 = vector.shape_cast %or3A_1943 : vector<16xi32> to vector<1x16xi32>
    tpu.vector_store %arg13[%swap3A_1945, %swap3A_1946], %swap3A_1949 {strides = array<i32>} : memref<4x128xi32, #tpu.memory_space<vmem>>, vector<1x16xi32>,
    %get3A_1950 = arith.constant 3 : i32
    %get3A_1951 = arith.index_cast %get3A_1950 : i32 to index
    %get3A_1952 = arith.constant 80 : index
    %get3A_1953 = tpu.vector_load %arg13[%get3A_1951, %get3A_1952] {strides = array<i32>} : memref<4x128xi32, #tpu.memory_space<vmem>>, vector<1x16xi32>,
    %get3A_1954 = vector.shape_cast %get3A_1953 : vector<1x16xi32> to vector<16xi32>
    %shift_right_logical3A_1955 = arith.constant 11 : i32
    %shift_right_logical3A_1956 = vector.broadcast %shift_right_logical3A_1955 : i32 to vector<16xi32>
    %shift_right_logical3A_1957 = arith.shrui %get3A_1954, %shift_right_logical3A_1956 : vector<16xi32>
    %and3A_1958 = arith.constant 511 : i32
    %and3A_1959 = vector.broadcast %and3A_1958 : i32 to vector<16xi32>
    %and3A_1960 = arith.andi %get3A_1954, %and3A_1959 : vector<16xi32>
    %shift_left3A_1961 = arith.constant 9 : i32
    %shift_left3A_1962 = vector.broadcast %shift_left3A_1961 : i32 to vector<16xi32>
    %shift_left3A_1963 = arith.shli %shift_right_logical3A_1957, %shift_left3A_1962 : vector<16xi32>
    %or3A_1964 = arith.ori %shift_left3A_1963, %and3A_1960 : vector<16xi32>
    %swap3A_1965 = arith.constant 3 : i32
    %swap3A_1966 = arith.index_cast %swap3A_1965 : i32 to index
    %swap3A_1967 = arith.constant 80 : index
    %swap3A_1968 = tpu.vector_load %arg13[%swap3A_1966, %swap3A_1967] {strides = array<i32>} : memref<4x128xi32, #tpu.memory_space<vmem>>, vector<1x16xi32>,
    %swap3A_1969 = vector.shape_cast %swap3A_1968 : vector<1x16xi32> to vector<16xi32>
    %swap3A_1970 = vector.shape_cast %or3A_1964 : vector<16xi32> to vector<1x16xi32>
    tpu.vector_store %arg13[%swap3A_1966, %swap3A_1967], %swap3A_1970 {strides = array<i32>} : memref<4x128xi32, #tpu.memory_space<vmem>>, vector<1x16xi32>,
    %get3A_1971 = arith.constant 3 : i32
    %get3A_1972 = arith.index_cast %get3A_1971 : i32 to index
    %get3A_1973 = arith.constant 96 : index
    %get3A_1974 = tpu.vector_load %arg13[%get3A_1972, %get3A_1973] {strides = array<i32>} : memref<4x128xi32, #tpu.memory_space<vmem>>, vector<1x16xi32>,
    %get3A_1975 = vector.shape_cast %get3A_1974 : vector<1x16xi32> to vector<16xi32>
    %shift_right_logical3A_1976 = arith.constant 11 : i32
    %shift_right_logical3A_1977 = vector.broadcast %shift_right_logical3A_1976 : i32 to vector<16xi32>
    %shift_right_logical3A_1978 = arith.shrui %get3A_1975, %shift_right_logical3A_1977 : vector<16xi32>
    %and3A_1979 = arith.constant 511 : i32
    %and3A_1980 = vector.broadcast %and3A_1979 : i32 to vector<16xi32>
    %and3A_1981 = arith.andi %get3A_1975, %and3A_1980 : vector<16xi32>
    %shift_left3A_1982 = arith.constant 9 : i32
    %shift_left3A_1983 = vector.broadcast %shift_left3A_1982 : i32 to vector<16xi32>
    %shift_left3A_1984 = arith.shli %shift_right_logical3A_1978, %shift_left3A_1983 : vector<16xi32>
    %or3A_1985 = arith.ori %shift_left3A_1984, %and3A_1981 : vector<16xi32>
    %swap3A_1986 = arith.constant 3 : i32
    %swap3A_1987 = arith.index_cast %swap3A_1986 : i32 to index
    %swap3A_1988 = arith.constant 96 : index
    %swap3A_1989 = tpu.vector_load %arg13[%swap3A_1987, %swap3A_1988] {strides = array<i32>} : memref<4x128xi32, #tpu.memory_space<vmem>>, vector<1x16xi32>,
    %swap3A_1990 = vector.shape_cast %swap3A_1989 : vector<1x16xi32> to vector<16xi32>
    %swap3A_1991 = vector.shape_cast %or3A_1985 : vector<16xi32> to vector<1x16xi32>
    tpu.vector_store %arg13[%swap3A_1987, %swap3A_1988], %swap3A_1991 {strides = array<i32>} : memref<4x128xi32, #tpu.memory_space<vmem>>, vector<1x16xi32>,
    %get3A_1992 = arith.constant 3 : i32
    %get3A_1993 = arith.index_cast %get3A_1992 : i32 to index
    %get3A_1994 = arith.constant 112 : index
    %get3A_1995 = tpu.vector_load %arg13[%get3A_1993, %get3A_1994] {strides = array<i32>} : memref<4x128xi32, #tpu.memory_space<vmem>>, vector<1x16xi32>,
    %get3A_1996 = vector.shape_cast %get3A_1995 : vector<1x16xi32> to vector<16xi32>
    %shift_right_logical3A_1997 = arith.constant 11 : i32
    %shift_right_logical3A_1998 = vector.broadcast %shift_right_logical3A_1997 : i32 to vector<16xi32>
    %shift_right_logical3A_1999 = arith.shrui %get3A_1996, %shift_right_logical3A_1998 : vector<16xi32>
    %and3A_2000 = arith.constant 511 : i32
    %and3A_2001 = vector.broadcast %and3A_2000 : i32 to vector<16xi32>
    %and3A_2002 = arith.andi %get3A_1996, %and3A_2001 : vector<16xi32>
    %shift_left3A_2003 = arith.constant 9 : i32
    %shift_left3A_2004 = vector.broadcast %shift_left3A_2003 : i32 to vector<16xi32>
    %shift_left3A_2005 = arith.shli %shift_right_logical3A_1999, %shift_left3A_2004 : vector<16xi32>
    %or3A_2006 = arith.ori %shift_left3A_2005, %and3A_2002 : vector<16xi32>
    %swap3A_2007 = arith.constant 3 : i32
    %swap3A_2008 = arith.index_cast %swap3A_2007 : i32 to index
    %swap3A_2009 = arith.constant 112 : index
    %swap3A_2010 = tpu.vector_load %arg13[%swap3A_2008, %swap3A_2009] {strides = array<i32>} : memref<4x128xi32, #tpu.memory_space<vmem>>, vector<1x16xi32>,
    %swap3A_2011 = vector.shape_cast %swap3A_2010 : vector<1x16xi32> to vector<16xi32>
    %swap3A_2012 = vector.shape_cast %or3A_2006 : vector<16xi32> to vector<1x16xi32>
    tpu.vector_store %arg13[%swap3A_2008, %swap3A_2009], %swap3A_2012 {strides = array<i32>} : memref<4x128xi32, #tpu.memory_space<vmem>>, vector<1x16xi32>,
    %mul3A_2013 = arith.constant 512 : i32
    %mul3A_2014 = arith.muli %add3A, %mul3A_2013 : i32
    %dma_start3A = arith.constant 0 : i32
    %dma_start3A_2015 = arith.constant 0 : i32
    %dma_start3A_2016 = arith.constant 0 : i32
    %dma_start3A_2017 = tpu.memref_slice %arg14[%dma_start3A_2015, %dma_start3A_2016] : memref<512x128xf32, #tpu.memory_space<vmem>> -> memref<128x128xf32, #tpu.memory_space<vmem>>
    %dma_start3A_2018 = arith.constant 0 : i32
    %dma_start3A_2019 = tpu.memref_slice %arg11[%dma_start3A, %dma_start3A_2018] : memref<4x128xi32, #tpu.memory_space<vmem>> -> memref<1x128xi32, #tpu.memory_space<vmem>>
    %dma_start3A_2020 = tpu.memref_squeeze %dma_start3A_2019 : memref<1x128xi32, #tpu.memory_space<vmem>> -> memref<128xi32, #tpu.memory_space<vmem>>
    %dma_start3A_2021 = arith.constant 0 : i32
    %dma_start3A_2022 = arith.constant 0 : i32
    %dma_start3A_2023 = tpu.memref_slice %arg5[%dma_start3A_2021, %dma_start3A_2022] : memref<253952x128xf32, #tpu.memory_space<hbm>> -> memref<253952x128xf32, #tpu.memory_space<hbm>>
    tpu.enqueue_indirect_dma source(%dma_start3A_2023 : memref<253952x128xf32, #tpu.memory_space<hbm>>) target(%dma_start3A_2017 : memref<128x128xf32, #tpu.memory_space<vmem>>) offsets(%dma_start3A_2020 : memref<128xi32, #tpu.memory_space<vmem>>) semaphore(%arg15 : memref<!tpu.dma_semaphore, #tpu.memory_space<semaphore_mem>>)
    %dma_start3A_2024 = arith.constant 1 : i32
    %dma_start3A_2025 = arith.constant 128 : i32
    %dma_start3A_2026 = arith.constant 0 : i32
    %dma_start3A_2027 = tpu.memref_slice %arg14[%dma_start3A_2025, %dma_start3A_2026] : memref<512x128xf32, #tpu.memory_space<vmem>> -> memref<128x128xf32, #tpu.memory_space<vmem>>
    %dma_start3A_2028 = arith.constant 0 : i32
    %dma_start3A_2029 = tpu.memref_slice %arg11[%dma_start3A_2024, %dma_start3A_2028] : memref<4x128xi32, #tpu.memory_space<vmem>> -> memref<1x128xi32, #tpu.memory_space<vmem>>
    %dma_start3A_2030 = tpu.memref_squeeze %dma_start3A_2029 : memref<1x128xi32, #tpu.memory_space<vmem>> -> memref<128xi32, #tpu.memory_space<vmem>>
    %dma_start3A_2031 = arith.constant 0 : i32
    %dma_start3A_2032 = arith.constant 0 : i32
    %dma_start3A_2033 = tpu.memref_slice %arg5[%dma_start3A_2031, %dma_start3A_2032] : memref<253952x128xf32, #tpu.memory_space<hbm>> -> memref<253952x128xf32, #tpu.memory_space<hbm>>
    tpu.enqueue_indirect_dma source(%dma_start3A_2033 : memref<253952x128xf32, #tpu.memory_space<hbm>>) target(%dma_start3A_2027 : memref<128x128xf32, #tpu.memory_space<vmem>>) offsets(%dma_start3A_2030 : memref<128xi32, #tpu.memory_space<vmem>>) semaphore(%arg15 : memref<!tpu.dma_semaphore, #tpu.memory_space<semaphore_mem>>)
    %dma_start3A_2034 = arith.constant 2 : i32
    %dma_start3A_2035 = arith.constant 256 : i32
    %dma_start3A_2036 = arith.constant 0 : i32
    %dma_start3A_2037 = tpu.memref_slice %arg14[%dma_start3A_2035, %dma_start3A_2036] : memref<512x128xf32, #tpu.memory_space<vmem>> -> memref<128x128xf32, #tpu.memory_space<vmem>>
    %dma_start3A_2038 = arith.constant 0 : i32
    %dma_start3A_2039 = tpu.memref_slice %arg11[%dma_start3A_2034, %dma_start3A_2038] : memref<4x128xi32, #tpu.memory_space<vmem>> -> memref<1x128xi32, #tpu.memory_space<vmem>>
    %dma_start3A_2040 = tpu.memref_squeeze %dma_start3A_2039 : memref<1x128xi32, #tpu.memory_space<vmem>> -> memref<128xi32, #tpu.memory_space<vmem>>
    %dma_start3A_2041 = arith.constant 0 : i32
    %dma_start3A_2042 = arith.constant 0 : i32
    %dma_start3A_2043 = tpu.memref_slice %arg5[%dma_start3A_2041, %dma_start3A_2042] : memref<253952x128xf32, #tpu.memory_space<hbm>> -> memref<253952x128xf32, #tpu.memory_space<hbm>>
    tpu.enqueue_indirect_dma source(%dma_start3A_2043 : memref<253952x128xf32, #tpu.memory_space<hbm>>) target(%dma_start3A_2037 : memref<128x128xf32, #tpu.memory_space<vmem>>) offsets(%dma_start3A_2040 : memref<128xi32, #tpu.memory_space<vmem>>) semaphore(%arg15 : memref<!tpu.dma_semaphore, #tpu.memory_space<semaphore_mem>>)
    %dma_start3A_2044 = arith.constant 3 : i32
    %dma_start3A_2045 = arith.constant 384 : i32
    %dma_start3A_2046 = arith.constant 0 : i32
    %dma_start3A_2047 = tpu.memref_slice %arg14[%dma_start3A_2045, %dma_start3A_2046] : memref<512x128xf32, #tpu.memory_space<vmem>> -> memref<128x128xf32, #tpu.memory_space<vmem>>
    %dma_start3A_2048 = arith.constant 0 : i32
    %dma_start3A_2049 = tpu.memref_slice %arg11[%dma_start3A_2044, %dma_start3A_2048] : memref<4x128xi32, #tpu.memory_space<vmem>> -> memref<1x128xi32, #tpu.memory_space<vmem>>
    %dma_start3A_2050 = tpu.memref_squeeze %dma_start3A_2049 : memref<1x128xi32, #tpu.memory_space<vmem>> -> memref<128xi32, #tpu.memory_space<vmem>>
    %dma_start3A_2051 = arith.constant 0 : i32
    %dma_start3A_2052 = arith.constant 0 : i32
    %dma_start3A_2053 = tpu.memref_slice %arg5[%dma_start3A_2051, %dma_start3A_2052] : memref<253952x128xf32, #tpu.memory_space<hbm>> -> memref<253952x128xf32, #tpu.memory_space<hbm>>
    tpu.enqueue_indirect_dma source(%dma_start3A_2053 : memref<253952x128xf32, #tpu.memory_space<hbm>>) target(%dma_start3A_2047 : memref<128x128xf32, #tpu.memory_space<vmem>>) offsets(%dma_start3A_2050 : memref<128xi32, #tpu.memory_space<vmem>>) semaphore(%arg15 : memref<!tpu.dma_semaphore, #tpu.memory_space<semaphore_mem>>)
    %dma_wait3A = arith.constant 0 : i32
    %dma_wait3A_2054 = arith.constant 0 : i32
    %dma_wait3A_2055 = arith.constant 0 : i32
    %dma_wait3A_2056 = tpu.memref_slice %arg14[%dma_wait3A_2054, %dma_wait3A_2055] : memref<512x128xf32, #tpu.memory_space<vmem>> -> memref<128x128xf32, #tpu.memory_space<vmem>>
    %dma_wait3A_2057 = arith.constant 0 : i32
    %dma_wait3A_2058 = tpu.memref_slice %arg11[%dma_wait3A, %dma_wait3A_2057] : memref<4x128xi32, #tpu.memory_space<vmem>> -> memref<1x128xi32, #tpu.memory_space<vmem>>
    %dma_wait3A_2059 = tpu.memref_squeeze %dma_wait3A_2058 : memref<1x128xi32, #tpu.memory_space<vmem>> -> memref<128xi32, #tpu.memory_space<vmem>>
    %dma_wait3A_2060 = arith.constant 0 : i32
    %dma_wait3A_2061 = arith.constant 0 : i32
    %dma_wait3A_2062 = tpu.memref_slice %arg5[%dma_wait3A_2060, %dma_wait3A_2061] : memref<253952x128xf32, #tpu.memory_space<hbm>> -> memref<253952x128xf32, #tpu.memory_space<hbm>>
    tpu.wait_indirect_dma semaphore(%arg15 : memref<!tpu.dma_semaphore, #tpu.memory_space<semaphore_mem>>) src(%dma_wait3A_2062 : memref<253952x128xf32, #tpu.memory_space<hbm>>) dst(%dma_wait3A_2056 : memref<128x128xf32, #tpu.memory_space<vmem>>)
    %dma_wait3A_2063 = arith.constant 1 : i32
    %dma_wait3A_2064 = arith.constant 128 : i32
    %dma_wait3A_2065 = arith.constant 0 : i32
    %dma_wait3A_2066 = tpu.memref_slice %arg14[%dma_wait3A_2064, %dma_wait3A_2065] : memref<512x128xf32, #tpu.memory_space<vmem>> -> memref<128x128xf32, #tpu.memory_space<vmem>>
    %dma_wait3A_2067 = arith.constant 0 : i32
    %dma_wait3A_2068 = tpu.memref_slice %arg11[%dma_wait3A_2063, %dma_wait3A_2067] : memref<4x128xi32, #tpu.memory_space<vmem>> -> memref<1x128xi32, #tpu.memory_space<vmem>>
    %dma_wait3A_2069 = tpu.memref_squeeze %dma_wait3A_2068 : memref<1x128xi32, #tpu.memory_space<vmem>> -> memref<128xi32, #tpu.memory_space<vmem>>
    %dma_wait3A_2070 = arith.constant 0 : i32
    %dma_wait3A_2071 = arith.constant 0 : i32
    %dma_wait3A_2072 = tpu.memref_slice %arg5[%dma_wait3A_2070, %dma_wait3A_2071] : memref<253952x128xf32, #tpu.memory_space<hbm>> -> memref<253952x128xf32, #tpu.memory_space<hbm>>
    tpu.wait_indirect_dma semaphore(%arg15 : memref<!tpu.dma_semaphore, #tpu.memory_space<semaphore_mem>>) src(%dma_wait3A_2072 : memref<253952x128xf32, #tpu.memory_space<hbm>>) dst(%dma_wait3A_2066 : memref<128x128xf32, #tpu.memory_space<vmem>>)
    %dma_wait3A_2073 = arith.constant 2 : i32
    %dma_wait3A_2074 = arith.constant 256 : i32
    %dma_wait3A_2075 = arith.constant 0 : i32
    %dma_wait3A_2076 = tpu.memref_slice %arg14[%dma_wait3A_2074, %dma_wait3A_2075] : memref<512x128xf32, #tpu.memory_space<vmem>> -> memref<128x128xf32, #tpu.memory_space<vmem>>
    %dma_wait3A_2077 = arith.constant 0 : i32
    %dma_wait3A_2078 = tpu.memref_slice %arg11[%dma_wait3A_2073, %dma_wait3A_2077] : memref<4x128xi32, #tpu.memory_space<vmem>> -> memref<1x128xi32, #tpu.memory_space<vmem>>
    %dma_wait3A_2079 = tpu.memref_squeeze %dma_wait3A_2078 : memref<1x128xi32, #tpu.memory_space<vmem>> -> memref<128xi32, #tpu.memory_space<vmem>>
    %dma_wait3A_2080 = arith.constant 0 : i32
    %dma_wait3A_2081 = arith.constant 0 : i32
    %dma_wait3A_2082 = tpu.memref_slice %arg5[%dma_wait3A_2080, %dma_wait3A_2081] : memref<253952x128xf32, #tpu.memory_space<hbm>> -> memref<253952x128xf32, #tpu.memory_space<hbm>>
    tpu.wait_indirect_dma semaphore(%arg15 : memref<!tpu.dma_semaphore, #tpu.memory_space<semaphore_mem>>) src(%dma_wait3A_2082 : memref<253952x128xf32, #tpu.memory_space<hbm>>) dst(%dma_wait3A_2076 : memref<128x128xf32, #tpu.memory_space<vmem>>)
    %dma_wait3A_2083 = arith.constant 3 : i32
    %dma_wait3A_2084 = arith.constant 384 : i32
    %dma_wait3A_2085 = arith.constant 0 : i32
    %dma_wait3A_2086 = tpu.memref_slice %arg14[%dma_wait3A_2084, %dma_wait3A_2085] : memref<512x128xf32, #tpu.memory_space<vmem>> -> memref<128x128xf32, #tpu.memory_space<vmem>>
    %dma_wait3A_2087 = arith.constant 0 : i32
    %dma_wait3A_2088 = tpu.memref_slice %arg11[%dma_wait3A_2083, %dma_wait3A_2087] : memref<4x128xi32, #tpu.memory_space<vmem>> -> memref<1x128xi32, #tpu.memory_space<vmem>>
    %dma_wait3A_2089 = tpu.memref_squeeze %dma_wait3A_2088 : memref<1x128xi32, #tpu.memory_space<vmem>> -> memref<128xi32, #tpu.memory_space<vmem>>
    %dma_wait3A_2090 = arith.constant 0 : i32
    %dma_wait3A_2091 = arith.constant 0 : i32
    %dma_wait3A_2092 = tpu.memref_slice %arg5[%dma_wait3A_2090, %dma_wait3A_2091] : memref<253952x128xf32, #tpu.memory_space<hbm>> -> memref<253952x128xf32, #tpu.memory_space<hbm>>
    tpu.wait_indirect_dma semaphore(%arg15 : memref<!tpu.dma_semaphore, #tpu.memory_space<semaphore_mem>>) src(%dma_wait3A_2092 : memref<253952x128xf32, #tpu.memory_space<hbm>>) dst(%dma_wait3A_2086 : memref<128x128xf32, #tpu.memory_space<vmem>>)
    "tpu.region"() ({
      %run_scoped3A = tpu.sem_alloc : memref<!tpu.dma_semaphore, #tpu.memory_space<semaphore_mem>>
      %dma_start3A_2253 = arith.constant 0 : i32
      %dma_start3A_2254 = tpu.memref_slice %arg8[%mul3A_2014, %dma_start3A_2253] : memref<16384x128xf32, #tpu.memory_space<hbm>> -> memref<512x128xf32, #tpu.memory_space<hbm>>
      %dma_start3A_2255 = arith.constant 0 : i32
      %dma_start3A_2256 = tpu.memref_slice %arg8[%mul3A_2014, %dma_start3A_2255] : memref<16384x128xf32, #tpu.memory_space<hbm>> -> memref<512x128xf32, #tpu.memory_space<hbm>>
      tpu.enqueue_dma source(%arg14 : memref<512x128xf32, #tpu.memory_space<vmem>>) target(%dma_start3A_2256 : memref<512x128xf32, #tpu.memory_space<hbm>>) target_semaphore(%run_scoped3A : memref<!tpu.dma_semaphore, #tpu.memory_space<semaphore_mem>>)
      %dma_wait3A_2257 = arith.constant 0 : i32
      %dma_wait3A_2258 = tpu.memref_slice %arg8[%mul3A_2014, %dma_wait3A_2257] : memref<16384x128xf32, #tpu.memory_space<hbm>> -> memref<512x128xf32, #tpu.memory_space<hbm>>
      %dma_wait3A_2259 = arith.constant 0 : i32
      %dma_wait3A_2260 = tpu.memref_slice %arg8[%mul3A_2014, %dma_wait3A_2259] : memref<16384x128xf32, #tpu.memory_space<hbm>> -> memref<512x128xf32, #tpu.memory_space<hbm>>
      tpu.wait_dma2 semaphore(%run_scoped3A : memref<!tpu.dma_semaphore, #tpu.memory_space<semaphore_mem>>) src(%arg14 : memref<512x128xf32, #tpu.memory_space<vmem>>) dst(%dma_wait3A_2260 : memref<512x128xf32, #tpu.memory_space<hbm>>)
      tpu.yield
    }) : () -> ()
    %dma_start3A_2093 = arith.constant 0 : i32
    %dma_start3A_2094 = arith.constant 0 : i32
    %dma_start3A_2095 = arith.constant 0 : i32
    %dma_start3A_2096 = tpu.memref_slice %arg14[%dma_start3A_2094, %dma_start3A_2095] : memref<512x128xf32, #tpu.memory_space<vmem>> -> memref<128x128xf32, #tpu.memory_space<vmem>>
    %dma_start3A_2097 = arith.constant 0 : i32
    %dma_start3A_2098 = tpu.memref_slice %arg12[%dma_start3A_2093, %dma_start3A_2097] : memref<4x128xi32, #tpu.memory_space<vmem>> -> memref<1x128xi32, #tpu.memory_space<vmem>>
    %dma_start3A_2099 = tpu.memref_squeeze %dma_start3A_2098 : memref<1x128xi32, #tpu.memory_space<vmem>> -> memref<128xi32, #tpu.memory_space<vmem>>
    %dma_start3A_2100 = arith.constant 0 : i32
    %dma_start3A_2101 = arith.constant 0 : i32
    %dma_start3A_2102 = tpu.memref_slice %arg6[%dma_start3A_2100, %dma_start3A_2101] : memref<28672x128xf32, #tpu.memory_space<hbm>> -> memref<28672x128xf32, #tpu.memory_space<hbm>>
    tpu.enqueue_indirect_dma source(%dma_start3A_2102 : memref<28672x128xf32, #tpu.memory_space<hbm>>) target(%dma_start3A_2096 : memref<128x128xf32, #tpu.memory_space<vmem>>) offsets(%dma_start3A_2099 : memref<128xi32, #tpu.memory_space<vmem>>) semaphore(%arg15 : memref<!tpu.dma_semaphore, #tpu.memory_space<semaphore_mem>>)
    %dma_start3A_2103 = arith.constant 1 : i32
    %dma_start3A_2104 = arith.constant 128 : i32
    %dma_start3A_2105 = arith.constant 0 : i32
    %dma_start3A_2106 = tpu.memref_slice %arg14[%dma_start3A_2104, %dma_start3A_2105] : memref<512x128xf32, #tpu.memory_space<vmem>> -> memref<128x128xf32, #tpu.memory_space<vmem>>
    %dma_start3A_2107 = arith.constant 0 : i32
    %dma_start3A_2108 = tpu.memref_slice %arg12[%dma_start3A_2103, %dma_start3A_2107] : memref<4x128xi32, #tpu.memory_space<vmem>> -> memref<1x128xi32, #tpu.memory_space<vmem>>
    %dma_start3A_2109 = tpu.memref_squeeze %dma_start3A_2108 : memref<1x128xi32, #tpu.memory_space<vmem>> -> memref<128xi32, #tpu.memory_space<vmem>>
    %dma_start3A_2110 = arith.constant 0 : i32
    %dma_start3A_2111 = arith.constant 0 : i32
    %dma_start3A_2112 = tpu.memref_slice %arg6[%dma_start3A_2110, %dma_start3A_2111] : memref<28672x128xf32, #tpu.memory_space<hbm>> -> memref<28672x128xf32, #tpu.memory_space<hbm>>
    tpu.enqueue_indirect_dma source(%dma_start3A_2112 : memref<28672x128xf32, #tpu.memory_space<hbm>>) target(%dma_start3A_2106 : memref<128x128xf32, #tpu.memory_space<vmem>>) offsets(%dma_start3A_2109 : memref<128xi32, #tpu.memory_space<vmem>>) semaphore(%arg15 : memref<!tpu.dma_semaphore, #tpu.memory_space<semaphore_mem>>)
    %dma_start3A_2113 = arith.constant 2 : i32
    %dma_start3A_2114 = arith.constant 256 : i32
    %dma_start3A_2115 = arith.constant 0 : i32
    %dma_start3A_2116 = tpu.memref_slice %arg14[%dma_start3A_2114, %dma_start3A_2115] : memref<512x128xf32, #tpu.memory_space<vmem>> -> memref<128x128xf32, #tpu.memory_space<vmem>>
    %dma_start3A_2117 = arith.constant 0 : i32
    %dma_start3A_2118 = tpu.memref_slice %arg12[%dma_start3A_2113, %dma_start3A_2117] : memref<4x128xi32, #tpu.memory_space<vmem>> -> memref<1x128xi32, #tpu.memory_space<vmem>>
    %dma_start3A_2119 = tpu.memref_squeeze %dma_start3A_2118 : memref<1x128xi32, #tpu.memory_space<vmem>> -> memref<128xi32, #tpu.memory_space<vmem>>
    %dma_start3A_2120 = arith.constant 0 : i32
    %dma_start3A_2121 = arith.constant 0 : i32
    %dma_start3A_2122 = tpu.memref_slice %arg6[%dma_start3A_2120, %dma_start3A_2121] : memref<28672x128xf32, #tpu.memory_space<hbm>> -> memref<28672x128xf32, #tpu.memory_space<hbm>>
    tpu.enqueue_indirect_dma source(%dma_start3A_2122 : memref<28672x128xf32, #tpu.memory_space<hbm>>) target(%dma_start3A_2116 : memref<128x128xf32, #tpu.memory_space<vmem>>) offsets(%dma_start3A_2119 : memref<128xi32, #tpu.memory_space<vmem>>) semaphore(%arg15 : memref<!tpu.dma_semaphore, #tpu.memory_space<semaphore_mem>>)
    %dma_start3A_2123 = arith.constant 3 : i32
    %dma_start3A_2124 = arith.constant 384 : i32
    %dma_start3A_2125 = arith.constant 0 : i32
    %dma_start3A_2126 = tpu.memref_slice %arg14[%dma_start3A_2124, %dma_start3A_2125] : memref<512x128xf32, #tpu.memory_space<vmem>> -> memref<128x128xf32, #tpu.memory_space<vmem>>
    %dma_start3A_2127 = arith.constant 0 : i32
    %dma_start3A_2128 = tpu.memref_slice %arg12[%dma_start3A_2123, %dma_start3A_2127] : memref<4x128xi32, #tpu.memory_space<vmem>> -> memref<1x128xi32, #tpu.memory_space<vmem>>
    %dma_start3A_2129 = tpu.memref_squeeze %dma_start3A_2128 : memref<1x128xi32, #tpu.memory_space<vmem>> -> memref<128xi32, #tpu.memory_space<vmem>>
    %dma_start3A_2130 = arith.constant 0 : i32
    %dma_start3A_2131 = arith.constant 0 : i32
    %dma_start3A_2132 = tpu.memref_slice %arg6[%dma_start3A_2130, %dma_start3A_2131] : memref<28672x128xf32, #tpu.memory_space<hbm>> -> memref<28672x128xf32, #tpu.memory_space<hbm>>
    tpu.enqueue_indirect_dma source(%dma_start3A_2132 : memref<28672x128xf32, #tpu.memory_space<hbm>>) target(%dma_start3A_2126 : memref<128x128xf32, #tpu.memory_space<vmem>>) offsets(%dma_start3A_2129 : memref<128xi32, #tpu.memory_space<vmem>>) semaphore(%arg15 : memref<!tpu.dma_semaphore, #tpu.memory_space<semaphore_mem>>)
    %dma_wait3A_2133 = arith.constant 0 : i32
    %dma_wait3A_2134 = arith.constant 0 : i32
    %dma_wait3A_2135 = arith.constant 0 : i32
    %dma_wait3A_2136 = tpu.memref_slice %arg14[%dma_wait3A_2134, %dma_wait3A_2135] : memref<512x128xf32, #tpu.memory_space<vmem>> -> memref<128x128xf32, #tpu.memory_space<vmem>>
    %dma_wait3A_2137 = arith.constant 0 : i32
    %dma_wait3A_2138 = tpu.memref_slice %arg12[%dma_wait3A_2133, %dma_wait3A_2137] : memref<4x128xi32, #tpu.memory_space<vmem>> -> memref<1x128xi32, #tpu.memory_space<vmem>>
    %dma_wait3A_2139 = tpu.memref_squeeze %dma_wait3A_2138 : memref<1x128xi32, #tpu.memory_space<vmem>> -> memref<128xi32, #tpu.memory_space<vmem>>
    %dma_wait3A_2140 = arith.constant 0 : i32
    %dma_wait3A_2141 = arith.constant 0 : i32
    %dma_wait3A_2142 = tpu.memref_slice %arg6[%dma_wait3A_2140, %dma_wait3A_2141] : memref<28672x128xf32, #tpu.memory_space<hbm>> -> memref<28672x128xf32, #tpu.memory_space<hbm>>
    tpu.wait_indirect_dma semaphore(%arg15 : memref<!tpu.dma_semaphore, #tpu.memory_space<semaphore_mem>>) src(%dma_wait3A_2142 : memref<28672x128xf32, #tpu.memory_space<hbm>>) dst(%dma_wait3A_2136 : memref<128x128xf32, #tpu.memory_space<vmem>>)
    %dma_wait3A_2143 = arith.constant 1 : i32
    %dma_wait3A_2144 = arith.constant 128 : i32
    %dma_wait3A_2145 = arith.constant 0 : i32
    %dma_wait3A_2146 = tpu.memref_slice %arg14[%dma_wait3A_2144, %dma_wait3A_2145] : memref<512x128xf32, #tpu.memory_space<vmem>> -> memref<128x128xf32, #tpu.memory_space<vmem>>
    %dma_wait3A_2147 = arith.constant 0 : i32
    %dma_wait3A_2148 = tpu.memref_slice %arg12[%dma_wait3A_2143, %dma_wait3A_2147] : memref<4x128xi32, #tpu.memory_space<vmem>> -> memref<1x128xi32, #tpu.memory_space<vmem>>
    %dma_wait3A_2149 = tpu.memref_squeeze %dma_wait3A_2148 : memref<1x128xi32, #tpu.memory_space<vmem>> -> memref<128xi32, #tpu.memory_space<vmem>>
    %dma_wait3A_2150 = arith.constant 0 : i32
    %dma_wait3A_2151 = arith.constant 0 : i32
    %dma_wait3A_2152 = tpu.memref_slice %arg6[%dma_wait3A_2150, %dma_wait3A_2151] : memref<28672x128xf32, #tpu.memory_space<hbm>> -> memref<28672x128xf32, #tpu.memory_space<hbm>>
    tpu.wait_indirect_dma semaphore(%arg15 : memref<!tpu.dma_semaphore, #tpu.memory_space<semaphore_mem>>) src(%dma_wait3A_2152 : memref<28672x128xf32, #tpu.memory_space<hbm>>) dst(%dma_wait3A_2146 : memref<128x128xf32, #tpu.memory_space<vmem>>)
    %dma_wait3A_2153 = arith.constant 2 : i32
    %dma_wait3A_2154 = arith.constant 256 : i32
    %dma_wait3A_2155 = arith.constant 0 : i32
    %dma_wait3A_2156 = tpu.memref_slice %arg14[%dma_wait3A_2154, %dma_wait3A_2155] : memref<512x128xf32, #tpu.memory_space<vmem>> -> memref<128x128xf32, #tpu.memory_space<vmem>>
    %dma_wait3A_2157 = arith.constant 0 : i32
    %dma_wait3A_2158 = tpu.memref_slice %arg12[%dma_wait3A_2153, %dma_wait3A_2157] : memref<4x128xi32, #tpu.memory_space<vmem>> -> memref<1x128xi32, #tpu.memory_space<vmem>>
    %dma_wait3A_2159 = tpu.memref_squeeze %dma_wait3A_2158 : memref<1x128xi32, #tpu.memory_space<vmem>> -> memref<128xi32, #tpu.memory_space<vmem>>
    %dma_wait3A_2160 = arith.constant 0 : i32
    %dma_wait3A_2161 = arith.constant 0 : i32
    %dma_wait3A_2162 = tpu.memref_slice %arg6[%dma_wait3A_2160, %dma_wait3A_2161] : memref<28672x128xf32, #tpu.memory_space<hbm>> -> memref<28672x128xf32, #tpu.memory_space<hbm>>
    tpu.wait_indirect_dma semaphore(%arg15 : memref<!tpu.dma_semaphore, #tpu.memory_space<semaphore_mem>>) src(%dma_wait3A_2162 : memref<28672x128xf32, #tpu.memory_space<hbm>>) dst(%dma_wait3A_2156 : memref<128x128xf32, #tpu.memory_space<vmem>>)
    %dma_wait3A_2163 = arith.constant 3 : i32
    %dma_wait3A_2164 = arith.constant 384 : i32
    %dma_wait3A_2165 = arith.constant 0 : i32
    %dma_wait3A_2166 = tpu.memref_slice %arg14[%dma_wait3A_2164, %dma_wait3A_2165] : memref<512x128xf32, #tpu.memory_space<vmem>> -> memref<128x128xf32, #tpu.memory_space<vmem>>
    %dma_wait3A_2167 = arith.constant 0 : i32
    %dma_wait3A_2168 = tpu.memref_slice %arg12[%dma_wait3A_2163, %dma_wait3A_2167] : memref<4x128xi32, #tpu.memory_space<vmem>> -> memref<1x128xi32, #tpu.memory_space<vmem>>
    %dma_wait3A_2169 = tpu.memref_squeeze %dma_wait3A_2168 : memref<1x128xi32, #tpu.memory_space<vmem>> -> memref<128xi32, #tpu.memory_space<vmem>>
    %dma_wait3A_2170 = arith.constant 0 : i32
    %dma_wait3A_2171 = arith.constant 0 : i32
    %dma_wait3A_2172 = tpu.memref_slice %arg6[%dma_wait3A_2170, %dma_wait3A_2171] : memref<28672x128xf32, #tpu.memory_space<hbm>> -> memref<28672x128xf32, #tpu.memory_space<hbm>>
    tpu.wait_indirect_dma semaphore(%arg15 : memref<!tpu.dma_semaphore, #tpu.memory_space<semaphore_mem>>) src(%dma_wait3A_2172 : memref<28672x128xf32, #tpu.memory_space<hbm>>) dst(%dma_wait3A_2166 : memref<128x128xf32, #tpu.memory_space<vmem>>)
    "tpu.region"() ({
      %run_scoped3A = tpu.sem_alloc : memref<!tpu.dma_semaphore, #tpu.memory_space<semaphore_mem>>
      %dma_start3A_2253 = arith.constant 0 : i32
      %dma_start3A_2254 = tpu.memref_slice %arg9[%mul3A_2014, %dma_start3A_2253] : memref<16384x128xf32, #tpu.memory_space<hbm>> -> memref<512x128xf32, #tpu.memory_space<hbm>>
      %dma_start3A_2255 = arith.constant 0 : i32
      %dma_start3A_2256 = tpu.memref_slice %arg9[%mul3A_2014, %dma_start3A_2255] : memref<16384x128xf32, #tpu.memory_space<hbm>> -> memref<512x128xf32, #tpu.memory_space<hbm>>
      tpu.enqueue_dma source(%arg14 : memref<512x128xf32, #tpu.memory_space<vmem>>) target(%dma_start3A_2256 : memref<512x128xf32, #tpu.memory_space<hbm>>) target_semaphore(%run_scoped3A : memref<!tpu.dma_semaphore, #tpu.memory_space<semaphore_mem>>)
      %dma_wait3A_2257 = arith.constant 0 : i32
      %dma_wait3A_2258 = tpu.memref_slice %arg9[%mul3A_2014, %dma_wait3A_2257] : memref<16384x128xf32, #tpu.memory_space<hbm>> -> memref<512x128xf32, #tpu.memory_space<hbm>>
      %dma_wait3A_2259 = arith.constant 0 : i32
      %dma_wait3A_2260 = tpu.memref_slice %arg9[%mul3A_2014, %dma_wait3A_2259] : memref<16384x128xf32, #tpu.memory_space<hbm>> -> memref<512x128xf32, #tpu.memory_space<hbm>>
      tpu.wait_dma2 semaphore(%run_scoped3A : memref<!tpu.dma_semaphore, #tpu.memory_space<semaphore_mem>>) src(%arg14 : memref<512x128xf32, #tpu.memory_space<vmem>>) dst(%dma_wait3A_2260 : memref<512x128xf32, #tpu.memory_space<hbm>>)
      tpu.yield
    }) : () -> ()
    %dma_start3A_2173 = arith.constant 0 : i32
    %dma_start3A_2174 = arith.constant 0 : i32
    %dma_start3A_2175 = arith.constant 0 : i32
    %dma_start3A_2176 = tpu.memref_slice %arg14[%dma_start3A_2174, %dma_start3A_2175] : memref<512x128xf32, #tpu.memory_space<vmem>> -> memref<128x128xf32, #tpu.memory_space<vmem>>
    %dma_start3A_2177 = arith.constant 0 : i32
    %dma_start3A_2178 = tpu.memref_slice %arg13[%dma_start3A_2173, %dma_start3A_2177] : memref<4x128xi32, #tpu.memory_space<vmem>> -> memref<1x128xi32, #tpu.memory_space<vmem>>
    %dma_start3A_2179 = tpu.memref_squeeze %dma_start3A_2178 : memref<1x128xi32, #tpu.memory_space<vmem>> -> memref<128xi32, #tpu.memory_space<vmem>>
    %dma_start3A_2180 = arith.constant 0 : i32
    %dma_start3A_2181 = arith.constant 0 : i32
    %dma_start3A_2182 = tpu.memref_slice %arg7[%dma_start3A_2180, %dma_start3A_2181] : memref<1024x128xf32, #tpu.memory_space<hbm>> -> memref<1024x128xf32, #tpu.memory_space<hbm>>
    tpu.enqueue_indirect_dma source(%dma_start3A_2182 : memref<1024x128xf32, #tpu.memory_space<hbm>>) target(%dma_start3A_2176 : memref<128x128xf32, #tpu.memory_space<vmem>>) offsets(%dma_start3A_2179 : memref<128xi32, #tpu.memory_space<vmem>>) semaphore(%arg15 : memref<!tpu.dma_semaphore, #tpu.memory_space<semaphore_mem>>)
    %dma_start3A_2183 = arith.constant 1 : i32
    %dma_start3A_2184 = arith.constant 128 : i32
    %dma_start3A_2185 = arith.constant 0 : i32
    %dma_start3A_2186 = tpu.memref_slice %arg14[%dma_start3A_2184, %dma_start3A_2185] : memref<512x128xf32, #tpu.memory_space<vmem>> -> memref<128x128xf32, #tpu.memory_space<vmem>>
    %dma_start3A_2187 = arith.constant 0 : i32
    %dma_start3A_2188 = tpu.memref_slice %arg13[%dma_start3A_2183, %dma_start3A_2187] : memref<4x128xi32, #tpu.memory_space<vmem>> -> memref<1x128xi32, #tpu.memory_space<vmem>>
    %dma_start3A_2189 = tpu.memref_squeeze %dma_start3A_2188 : memref<1x128xi32, #tpu.memory_space<vmem>> -> memref<128xi32, #tpu.memory_space<vmem>>
    %dma_start3A_2190 = arith.constant 0 : i32
    %dma_start3A_2191 = arith.constant 0 : i32
    %dma_start3A_2192 = tpu.memref_slice %arg7[%dma_start3A_2190, %dma_start3A_2191] : memref<1024x128xf32, #tpu.memory_space<hbm>> -> memref<1024x128xf32, #tpu.memory_space<hbm>>
    tpu.enqueue_indirect_dma source(%dma_start3A_2192 : memref<1024x128xf32, #tpu.memory_space<hbm>>) target(%dma_start3A_2186 : memref<128x128xf32, #tpu.memory_space<vmem>>) offsets(%dma_start3A_2189 : memref<128xi32, #tpu.memory_space<vmem>>) semaphore(%arg15 : memref<!tpu.dma_semaphore, #tpu.memory_space<semaphore_mem>>)
    %dma_start3A_2193 = arith.constant 2 : i32
    %dma_start3A_2194 = arith.constant 256 : i32
    %dma_start3A_2195 = arith.constant 0 : i32
    %dma_start3A_2196 = tpu.memref_slice %arg14[%dma_start3A_2194, %dma_start3A_2195] : memref<512x128xf32, #tpu.memory_space<vmem>> -> memref<128x128xf32, #tpu.memory_space<vmem>>
    %dma_start3A_2197 = arith.constant 0 : i32
    %dma_start3A_2198 = tpu.memref_slice %arg13[%dma_start3A_2193, %dma_start3A_2197] : memref<4x128xi32, #tpu.memory_space<vmem>> -> memref<1x128xi32, #tpu.memory_space<vmem>>
    %dma_start3A_2199 = tpu.memref_squeeze %dma_start3A_2198 : memref<1x128xi32, #tpu.memory_space<vmem>> -> memref<128xi32, #tpu.memory_space<vmem>>
    %dma_start3A_2200 = arith.constant 0 : i32
    %dma_start3A_2201 = arith.constant 0 : i32
    %dma_start3A_2202 = tpu.memref_slice %arg7[%dma_start3A_2200, %dma_start3A_2201] : memref<1024x128xf32, #tpu.memory_space<hbm>> -> memref<1024x128xf32, #tpu.memory_space<hbm>>
    tpu.enqueue_indirect_dma source(%dma_start3A_2202 : memref<1024x128xf32, #tpu.memory_space<hbm>>) target(%dma_start3A_2196 : memref<128x128xf32, #tpu.memory_space<vmem>>) offsets(%dma_start3A_2199 : memref<128xi32, #tpu.memory_space<vmem>>) semaphore(%arg15 : memref<!tpu.dma_semaphore, #tpu.memory_space<semaphore_mem>>)
    %dma_start3A_2203 = arith.constant 3 : i32
    %dma_start3A_2204 = arith.constant 384 : i32
    %dma_start3A_2205 = arith.constant 0 : i32
    %dma_start3A_2206 = tpu.memref_slice %arg14[%dma_start3A_2204, %dma_start3A_2205] : memref<512x128xf32, #tpu.memory_space<vmem>> -> memref<128x128xf32, #tpu.memory_space<vmem>>
    %dma_start3A_2207 = arith.constant 0 : i32
    %dma_start3A_2208 = tpu.memref_slice %arg13[%dma_start3A_2203, %dma_start3A_2207] : memref<4x128xi32, #tpu.memory_space<vmem>> -> memref<1x128xi32, #tpu.memory_space<vmem>>
    %dma_start3A_2209 = tpu.memref_squeeze %dma_start3A_2208 : memref<1x128xi32, #tpu.memory_space<vmem>> -> memref<128xi32, #tpu.memory_space<vmem>>
    %dma_start3A_2210 = arith.constant 0 : i32
    %dma_start3A_2211 = arith.constant 0 : i32
    %dma_start3A_2212 = tpu.memref_slice %arg7[%dma_start3A_2210, %dma_start3A_2211] : memref<1024x128xf32, #tpu.memory_space<hbm>> -> memref<1024x128xf32, #tpu.memory_space<hbm>>
    tpu.enqueue_indirect_dma source(%dma_start3A_2212 : memref<1024x128xf32, #tpu.memory_space<hbm>>) target(%dma_start3A_2206 : memref<128x128xf32, #tpu.memory_space<vmem>>) offsets(%dma_start3A_2209 : memref<128xi32, #tpu.memory_space<vmem>>) semaphore(%arg15 : memref<!tpu.dma_semaphore, #tpu.memory_space<semaphore_mem>>)
    %dma_wait3A_2213 = arith.constant 0 : i32
    %dma_wait3A_2214 = arith.constant 0 : i32
    %dma_wait3A_2215 = arith.constant 0 : i32
    %dma_wait3A_2216 = tpu.memref_slice %arg14[%dma_wait3A_2214, %dma_wait3A_2215] : memref<512x128xf32, #tpu.memory_space<vmem>> -> memref<128x128xf32, #tpu.memory_space<vmem>>
    %dma_wait3A_2217 = arith.constant 0 : i32
    %dma_wait3A_2218 = tpu.memref_slice %arg13[%dma_wait3A_2213, %dma_wait3A_2217] : memref<4x128xi32, #tpu.memory_space<vmem>> -> memref<1x128xi32, #tpu.memory_space<vmem>>
    %dma_wait3A_2219 = tpu.memref_squeeze %dma_wait3A_2218 : memref<1x128xi32, #tpu.memory_space<vmem>> -> memref<128xi32, #tpu.memory_space<vmem>>
    %dma_wait3A_2220 = arith.constant 0 : i32
    %dma_wait3A_2221 = arith.constant 0 : i32
    %dma_wait3A_2222 = tpu.memref_slice %arg7[%dma_wait3A_2220, %dma_wait3A_2221] : memref<1024x128xf32, #tpu.memory_space<hbm>> -> memref<1024x128xf32, #tpu.memory_space<hbm>>
    tpu.wait_indirect_dma semaphore(%arg15 : memref<!tpu.dma_semaphore, #tpu.memory_space<semaphore_mem>>) src(%dma_wait3A_2222 : memref<1024x128xf32, #tpu.memory_space<hbm>>) dst(%dma_wait3A_2216 : memref<128x128xf32, #tpu.memory_space<vmem>>)
    %dma_wait3A_2223 = arith.constant 1 : i32
    %dma_wait3A_2224 = arith.constant 128 : i32
    %dma_wait3A_2225 = arith.constant 0 : i32
    %dma_wait3A_2226 = tpu.memref_slice %arg14[%dma_wait3A_2224, %dma_wait3A_2225] : memref<512x128xf32, #tpu.memory_space<vmem>> -> memref<128x128xf32, #tpu.memory_space<vmem>>
    %dma_wait3A_2227 = arith.constant 0 : i32
    %dma_wait3A_2228 = tpu.memref_slice %arg13[%dma_wait3A_2223, %dma_wait3A_2227] : memref<4x128xi32, #tpu.memory_space<vmem>> -> memref<1x128xi32, #tpu.memory_space<vmem>>
    %dma_wait3A_2229 = tpu.memref_squeeze %dma_wait3A_2228 : memref<1x128xi32, #tpu.memory_space<vmem>> -> memref<128xi32, #tpu.memory_space<vmem>>
    %dma_wait3A_2230 = arith.constant 0 : i32
    %dma_wait3A_2231 = arith.constant 0 : i32
    %dma_wait3A_2232 = tpu.memref_slice %arg7[%dma_wait3A_2230, %dma_wait3A_2231] : memref<1024x128xf32, #tpu.memory_space<hbm>> -> memref<1024x128xf32, #tpu.memory_space<hbm>>
    tpu.wait_indirect_dma semaphore(%arg15 : memref<!tpu.dma_semaphore, #tpu.memory_space<semaphore_mem>>) src(%dma_wait3A_2232 : memref<1024x128xf32, #tpu.memory_space<hbm>>) dst(%dma_wait3A_2226 : memref<128x128xf32, #tpu.memory_space<vmem>>)
    %dma_wait3A_2233 = arith.constant 2 : i32
    %dma_wait3A_2234 = arith.constant 256 : i32
    %dma_wait3A_2235 = arith.constant 0 : i32
    %dma_wait3A_2236 = tpu.memref_slice %arg14[%dma_wait3A_2234, %dma_wait3A_2235] : memref<512x128xf32, #tpu.memory_space<vmem>> -> memref<128x128xf32, #tpu.memory_space<vmem>>
    %dma_wait3A_2237 = arith.constant 0 : i32
    %dma_wait3A_2238 = tpu.memref_slice %arg13[%dma_wait3A_2233, %dma_wait3A_2237] : memref<4x128xi32, #tpu.memory_space<vmem>> -> memref<1x128xi32, #tpu.memory_space<vmem>>
    %dma_wait3A_2239 = tpu.memref_squeeze %dma_wait3A_2238 : memref<1x128xi32, #tpu.memory_space<vmem>> -> memref<128xi32, #tpu.memory_space<vmem>>
    %dma_wait3A_2240 = arith.constant 0 : i32
    %dma_wait3A_2241 = arith.constant 0 : i32
    %dma_wait3A_2242 = tpu.memref_slice %arg7[%dma_wait3A_2240, %dma_wait3A_2241] : memref<1024x128xf32, #tpu.memory_space<hbm>> -> memref<1024x128xf32, #tpu.memory_space<hbm>>
    tpu.wait_indirect_dma semaphore(%arg15 : memref<!tpu.dma_semaphore, #tpu.memory_space<semaphore_mem>>) src(%dma_wait3A_2242 : memref<1024x128xf32, #tpu.memory_space<hbm>>) dst(%dma_wait3A_2236 : memref<128x128xf32, #tpu.memory_space<vmem>>)
    %dma_wait3A_2243 = arith.constant 3 : i32
    %dma_wait3A_2244 = arith.constant 384 : i32
    %dma_wait3A_2245 = arith.constant 0 : i32
    %dma_wait3A_2246 = tpu.memref_slice %arg14[%dma_wait3A_2244, %dma_wait3A_2245] : memref<512x128xf32, #tpu.memory_space<vmem>> -> memref<128x128xf32, #tpu.memory_space<vmem>>
    %dma_wait3A_2247 = arith.constant 0 : i32
    %dma_wait3A_2248 = tpu.memref_slice %arg13[%dma_wait3A_2243, %dma_wait3A_2247] : memref<4x128xi32, #tpu.memory_space<vmem>> -> memref<1x128xi32, #tpu.memory_space<vmem>>
    %dma_wait3A_2249 = tpu.memref_squeeze %dma_wait3A_2248 : memref<1x128xi32, #tpu.memory_space<vmem>> -> memref<128xi32, #tpu.memory_space<vmem>>
    %dma_wait3A_2250 = arith.constant 0 : i32
    %dma_wait3A_2251 = arith.constant 0 : i32
    %dma_wait3A_2252 = tpu.memref_slice %arg7[%dma_wait3A_2250, %dma_wait3A_2251] : memref<1024x128xf32, #tpu.memory_space<hbm>> -> memref<1024x128xf32, #tpu.memory_space<hbm>>
    tpu.wait_indirect_dma semaphore(%arg15 : memref<!tpu.dma_semaphore, #tpu.memory_space<semaphore_mem>>) src(%dma_wait3A_2252 : memref<1024x128xf32, #tpu.memory_space<hbm>>) dst(%dma_wait3A_2246 : memref<128x128xf32, #tpu.memory_space<vmem>>)
    "tpu.region"() ({
      %run_scoped3A = tpu.sem_alloc : memref<!tpu.dma_semaphore, #tpu.memory_space<semaphore_mem>>
      %dma_start3A_2253 = arith.constant 0 : i32
      %dma_start3A_2254 = tpu.memref_slice %arg10[%mul3A_2014, %dma_start3A_2253] : memref<16384x128xf32, #tpu.memory_space<hbm>> -> memref<512x128xf32, #tpu.memory_space<hbm>>
      %dma_start3A_2255 = arith.constant 0 : i32
      %dma_start3A_2256 = tpu.memref_slice %arg10[%mul3A_2014, %dma_start3A_2255] : memref<16384x128xf32, #tpu.memory_space<hbm>> -> memref<512x128xf32, #tpu.memory_space<hbm>>
      tpu.enqueue_dma source(%arg14 : memref<512x128xf32, #tpu.memory_space<vmem>>) target(%dma_start3A_2256 : memref<512x128xf32, #tpu.memory_space<hbm>>) target_semaphore(%run_scoped3A : memref<!tpu.dma_semaphore, #tpu.memory_space<semaphore_mem>>)
      %dma_wait3A_2257 = arith.constant 0 : i32
      %dma_wait3A_2258 = tpu.memref_slice %arg10[%mul3A_2014, %dma_wait3A_2257] : memref<16384x128xf32, #tpu.memory_space<hbm>> -> memref<512x128xf32, #tpu.memory_space<hbm>>
      %dma_wait3A_2259 = arith.constant 0 : i32
      %dma_wait3A_2260 = tpu.memref_slice %arg10[%mul3A_2014, %dma_wait3A_2259] : memref<16384x128xf32, #tpu.memory_space<hbm>> -> memref<512x128xf32, #tpu.memory_space<hbm>>
      tpu.wait_dma2 semaphore(%run_scoped3A : memref<!tpu.dma_semaphore, #tpu.memory_space<semaphore_mem>>) src(%arg14 : memref<512x128xf32, #tpu.memory_space<vmem>>) dst(%dma_wait3A_2260 : memref<512x128xf32, #tpu.memory_space<hbm>>)
      tpu.yield
    }) : () -> ()
    return
  }
}

module attributes {stable_mosaic.version = 14 : i64} {
  func.func @_pack_body(%arg0: i32, %arg1: memref<64x2048xf32, #tpu.memory_space<vmem>>, %arg2: memref<64x2048xf32, #tpu.memory_space<vmem>>, %arg3: memref<64x2048xf32, #tpu.memory_space<vmem>>, %arg4: memref<64x2048xf32, #tpu.memory_space<vmem>>, %arg5: memref<64x2048xf32, #tpu.memory_space<vmem>>, %arg6: memref<64x2048xf32, #tpu.memory_space<vmem>>, %arg7: memref<64x2048xf32, #tpu.memory_space<vmem>>, %arg8: memref<64x2048xf32, #tpu.memory_space<vmem>>, %arg9: memref<4096x128xf32, #tpu.memory_space<vmem>>) attributes {dimension_semantics = [#tpu.dimension_semantics<arbitrary>], iteration_bounds = array<i64: 7>, scalar_prefetch = 0 : i64, scratch_operands = 0 : i64, tpu.core_type = #tpu.core_type<tc>, window_params = [{transform_indices = @transform_0, window_bounds = array<i64: 64, 2048>}, {transform_indices = @transform_1, window_bounds = array<i64: 64, 2048>}, {transform_indices = @transform_2, window_bounds = array<i64: 64, 2048>}, {transform_indices = @transform_3, window_bounds = array<i64: 64, 2048>}, {transform_indices = @transform_4, window_bounds = array<i64: 64, 2048>}, {transform_indices = @transform_5, window_bounds = array<i64: 64, 2048>}, {transform_indices = @transform_6, window_bounds = array<i64: 64, 2048>}, {transform_indices = @transform_7, window_bounds = array<i64: 64, 2048>}, {transform_indices = @transform_8, window_bounds = array<i64: 4096, 128>}]} {
    %iota3A = tpu.iota {dimensions = array<i32: 0>} : vector<64x64xi32>
    %iota3A_0 = tpu.iota {dimensions = array<i32: 1>} : vector<64x64xi32>
    %eq3A = arith.cmpi eq, %iota3A, %iota3A_0 : vector<64x64xi32>
    %convert_element_type3A = arith.extui %eq3A : vector<64x64xi1> to vector<64x64xi32>
    %convert_element_type3A_1 = arith.sitofp %convert_element_type3A : vector<64x64xi32> to vector<64x64xf32>
    %get3A = arith.constant 0 : index
    %get3A_2 = arith.constant 0 : index
    %get3A_3 = vector.load %arg1[%get3A, %get3A_2] : memref<64x2048xf32, #tpu.memory_space<vmem>>, vector<64x2048xf32>
    %dot_general3A = arith.constant dense<0.000000e+00> : vector<2048x64xf32>
    %dot_general3A_4 = tpu.matmul %get3A_3, %convert_element_type3A_1, %dot_general3A {dimension_numbers = #tpu.dot_dimension_numbers<[0], [0], [1], [1], [0, 1, 1, 1], [], []>, transpose_lhs_hint = false} : vector<64x2048xf32>, vector<64x64xf32>, vector<2048x64xf32> -> vector<2048x64xf32>
    %get3A_5 = arith.constant 0 : index
    %get3A_6 = arith.constant 0 : index
    %get3A_7 = vector.load %arg2[%get3A_5, %get3A_6] : memref<64x2048xf32, #tpu.memory_space<vmem>>, vector<64x2048xf32>
    %dot_general3A_8 = arith.constant dense<0.000000e+00> : vector<2048x64xf32>
    %dot_general3A_9 = tpu.matmul %get3A_7, %convert_element_type3A_1, %dot_general3A_8 {dimension_numbers = #tpu.dot_dimension_numbers<[0], [0], [1], [1], [0, 1, 1, 1], [], []>, transpose_lhs_hint = false} : vector<64x2048xf32>, vector<64x64xf32>, vector<2048x64xf32> -> vector<2048x64xf32>
    %bitcast_convert_type3A = tpu.bitcast %dot_general3A_4 : vector<2048x64xf32> -> vector<2048x64xi32>
    %and3A = arith.constant -65536 : i32
    %and3A_10 = vector.broadcast %and3A : i32 to vector<2048x64xi32>
    %and3A_11 = arith.andi %bitcast_convert_type3A, %and3A_10 : vector<2048x64xi32>
    %bitcast_convert_type3A_12 = tpu.bitcast %dot_general3A_9 : vector<2048x64xf32> -> vector<2048x64xi32>
    %and3A_13 = arith.constant -65536 : i32
    %and3A_14 = vector.broadcast %and3A_13 : i32 to vector<2048x64xi32>
    %and3A_15 = arith.andi %bitcast_convert_type3A_12, %and3A_14 : vector<2048x64xi32>
    %shift_right_logical3A = arith.constant 16 : i32
    %shift_right_logical3A_16 = vector.broadcast %shift_right_logical3A : i32 to vector<2048x64xi32>
    %shift_right_logical3A_17 = arith.shrui %and3A_15, %shift_right_logical3A_16 : vector<2048x64xi32>
    %or3A = arith.ori %and3A_11, %shift_right_logical3A_17 : vector<2048x64xi32>
    %bitcast_convert_type3A_18 = tpu.bitcast %or3A : vector<2048x64xi32> -> vector<2048x64xf32>
    %swap3A = arith.constant 0 : index
    %swap3A_19 = arith.constant 0 : index
    %swap3A_20 = vector.load %arg9[%swap3A, %swap3A_19] : memref<4096x128xf32, #tpu.memory_space<vmem>>, vector<2048x64xf32>
    tpu.vector_store %arg9[%swap3A, %swap3A_19], %bitcast_convert_type3A_18 {strides = array<i32>} : memref<4096x128xf32, #tpu.memory_space<vmem>>, vector<2048x64xf32>,
    %get3A_21 = arith.constant 0 : index
    %get3A_22 = arith.constant 0 : index
    %get3A_23 = vector.load %arg3[%get3A_21, %get3A_22] : memref<64x2048xf32, #tpu.memory_space<vmem>>, vector<64x2048xf32>
    %dot_general3A_24 = arith.constant dense<0.000000e+00> : vector<2048x64xf32>
    %dot_general3A_25 = tpu.matmul %get3A_23, %convert_element_type3A_1, %dot_general3A_24 {dimension_numbers = #tpu.dot_dimension_numbers<[0], [0], [1], [1], [0, 1, 1, 1], [], []>, transpose_lhs_hint = false} : vector<64x2048xf32>, vector<64x64xf32>, vector<2048x64xf32> -> vector<2048x64xf32>
    %get3A_26 = arith.constant 0 : index
    %get3A_27 = arith.constant 0 : index
    %get3A_28 = vector.load %arg4[%get3A_26, %get3A_27] : memref<64x2048xf32, #tpu.memory_space<vmem>>, vector<64x2048xf32>
    %dot_general3A_29 = arith.constant dense<0.000000e+00> : vector<2048x64xf32>
    %dot_general3A_30 = tpu.matmul %get3A_28, %convert_element_type3A_1, %dot_general3A_29 {dimension_numbers = #tpu.dot_dimension_numbers<[0], [0], [1], [1], [0, 1, 1, 1], [], []>, transpose_lhs_hint = false} : vector<64x2048xf32>, vector<64x64xf32>, vector<2048x64xf32> -> vector<2048x64xf32>
    %bitcast_convert_type3A_31 = tpu.bitcast %dot_general3A_25 : vector<2048x64xf32> -> vector<2048x64xi32>
    %and3A_32 = arith.constant -65536 : i32
    %and3A_33 = vector.broadcast %and3A_32 : i32 to vector<2048x64xi32>
    %and3A_34 = arith.andi %bitcast_convert_type3A_31, %and3A_33 : vector<2048x64xi32>
    %bitcast_convert_type3A_35 = tpu.bitcast %dot_general3A_30 : vector<2048x64xf32> -> vector<2048x64xi32>
    %and3A_36 = arith.constant -65536 : i32
    %and3A_37 = vector.broadcast %and3A_36 : i32 to vector<2048x64xi32>
    %and3A_38 = arith.andi %bitcast_convert_type3A_35, %and3A_37 : vector<2048x64xi32>
    %shift_right_logical3A_39 = arith.constant 16 : i32
    %shift_right_logical3A_40 = vector.broadcast %shift_right_logical3A_39 : i32 to vector<2048x64xi32>
    %shift_right_logical3A_41 = arith.shrui %and3A_38, %shift_right_logical3A_40 : vector<2048x64xi32>
    %or3A_42 = arith.ori %and3A_34, %shift_right_logical3A_41 : vector<2048x64xi32>
    %bitcast_convert_type3A_43 = tpu.bitcast %or3A_42 : vector<2048x64xi32> -> vector<2048x64xf32>
    %swap3A_44 = arith.constant 0 : index
    %swap3A_45 = arith.constant 64 : index
    %swap3A_46 = vector.load %arg9[%swap3A_44, %swap3A_45] : memref<4096x128xf32, #tpu.memory_space<vmem>>, vector<2048x64xf32>
    tpu.vector_store %arg9[%swap3A_44, %swap3A_45], %bitcast_convert_type3A_43 {strides = array<i32>} : memref<4096x128xf32, #tpu.memory_space<vmem>>, vector<2048x64xf32>,
    %get3A_47 = arith.constant 0 : index
    %get3A_48 = arith.constant 0 : index
    %get3A_49 = vector.load %arg5[%get3A_47, %get3A_48] : memref<64x2048xf32, #tpu.memory_space<vmem>>, vector<64x2048xf32>
    %dot_general3A_50 = arith.constant dense<0.000000e+00> : vector<2048x64xf32>
    %dot_general3A_51 = tpu.matmul %get3A_49, %convert_element_type3A_1, %dot_general3A_50 {dimension_numbers = #tpu.dot_dimension_numbers<[0], [0], [1], [1], [0, 1, 1, 1], [], []>, transpose_lhs_hint = false} : vector<64x2048xf32>, vector<64x64xf32>, vector<2048x64xf32> -> vector<2048x64xf32>
    %get3A_52 = arith.constant 0 : index
    %get3A_53 = arith.constant 0 : index
    %get3A_54 = vector.load %arg6[%get3A_52, %get3A_53] : memref<64x2048xf32, #tpu.memory_space<vmem>>, vector<64x2048xf32>
    %dot_general3A_55 = arith.constant dense<0.000000e+00> : vector<2048x64xf32>
    %dot_general3A_56 = tpu.matmul %get3A_54, %convert_element_type3A_1, %dot_general3A_55 {dimension_numbers = #tpu.dot_dimension_numbers<[0], [0], [1], [1], [0, 1, 1, 1], [], []>, transpose_lhs_hint = false} : vector<64x2048xf32>, vector<64x64xf32>, vector<2048x64xf32> -> vector<2048x64xf32>
    %bitcast_convert_type3A_57 = tpu.bitcast %dot_general3A_51 : vector<2048x64xf32> -> vector<2048x64xi32>
    %and3A_58 = arith.constant -65536 : i32
    %and3A_59 = vector.broadcast %and3A_58 : i32 to vector<2048x64xi32>
    %and3A_60 = arith.andi %bitcast_convert_type3A_57, %and3A_59 : vector<2048x64xi32>
    %bitcast_convert_type3A_61 = tpu.bitcast %dot_general3A_56 : vector<2048x64xf32> -> vector<2048x64xi32>
    %and3A_62 = arith.constant -65536 : i32
    %and3A_63 = vector.broadcast %and3A_62 : i32 to vector<2048x64xi32>
    %and3A_64 = arith.andi %bitcast_convert_type3A_61, %and3A_63 : vector<2048x64xi32>
    %shift_right_logical3A_65 = arith.constant 16 : i32
    %shift_right_logical3A_66 = vector.broadcast %shift_right_logical3A_65 : i32 to vector<2048x64xi32>
    %shift_right_logical3A_67 = arith.shrui %and3A_64, %shift_right_logical3A_66 : vector<2048x64xi32>
    %or3A_68 = arith.ori %and3A_60, %shift_right_logical3A_67 : vector<2048x64xi32>
    %bitcast_convert_type3A_69 = tpu.bitcast %or3A_68 : vector<2048x64xi32> -> vector<2048x64xf32>
    %swap3A_70 = arith.constant 2048 : index
    %swap3A_71 = arith.constant 0 : index
    %swap3A_72 = vector.load %arg9[%swap3A_70, %swap3A_71] : memref<4096x128xf32, #tpu.memory_space<vmem>>, vector<2048x64xf32>
    tpu.vector_store %arg9[%swap3A_70, %swap3A_71], %bitcast_convert_type3A_69 {strides = array<i32>} : memref<4096x128xf32, #tpu.memory_space<vmem>>, vector<2048x64xf32>,
    %get3A_73 = arith.constant 0 : index
    %get3A_74 = arith.constant 0 : index
    %get3A_75 = vector.load %arg7[%get3A_73, %get3A_74] : memref<64x2048xf32, #tpu.memory_space<vmem>>, vector<64x2048xf32>
    %dot_general3A_76 = arith.constant dense<0.000000e+00> : vector<2048x64xf32>
    %dot_general3A_77 = tpu.matmul %get3A_75, %convert_element_type3A_1, %dot_general3A_76 {dimension_numbers = #tpu.dot_dimension_numbers<[0], [0], [1], [1], [0, 1, 1, 1], [], []>, transpose_lhs_hint = false} : vector<64x2048xf32>, vector<64x64xf32>, vector<2048x64xf32> -> vector<2048x64xf32>
    %get3A_78 = arith.constant 0 : index
    %get3A_79 = arith.constant 0 : index
    %get3A_80 = vector.load %arg8[%get3A_78, %get3A_79] : memref<64x2048xf32, #tpu.memory_space<vmem>>, vector<64x2048xf32>
    %dot_general3A_81 = arith.constant dense<0.000000e+00> : vector<2048x64xf32>
    %dot_general3A_82 = tpu.matmul %get3A_80, %convert_element_type3A_1, %dot_general3A_81 {dimension_numbers = #tpu.dot_dimension_numbers<[0], [0], [1], [1], [0, 1, 1, 1], [], []>, transpose_lhs_hint = false} : vector<64x2048xf32>, vector<64x64xf32>, vector<2048x64xf32> -> vector<2048x64xf32>
    %bitcast_convert_type3A_83 = tpu.bitcast %dot_general3A_77 : vector<2048x64xf32> -> vector<2048x64xi32>
    %and3A_84 = arith.constant -65536 : i32
    %and3A_85 = vector.broadcast %and3A_84 : i32 to vector<2048x64xi32>
    %and3A_86 = arith.andi %bitcast_convert_type3A_83, %and3A_85 : vector<2048x64xi32>
    %bitcast_convert_type3A_87 = tpu.bitcast %dot_general3A_82 : vector<2048x64xf32> -> vector<2048x64xi32>
    %and3A_88 = arith.constant -65536 : i32
    %and3A_89 = vector.broadcast %and3A_88 : i32 to vector<2048x64xi32>
    %and3A_90 = arith.andi %bitcast_convert_type3A_87, %and3A_89 : vector<2048x64xi32>
    %shift_right_logical3A_91 = arith.constant 16 : i32
    %shift_right_logical3A_92 = vector.broadcast %shift_right_logical3A_91 : i32 to vector<2048x64xi32>
    %shift_right_logical3A_93 = arith.shrui %and3A_90, %shift_right_logical3A_92 : vector<2048x64xi32>
    %or3A_94 = arith.ori %and3A_86, %shift_right_logical3A_93 : vector<2048x64xi32>
    %bitcast_convert_type3A_95 = tpu.bitcast %or3A_94 : vector<2048x64xi32> -> vector<2048x64xf32>
    %swap3A_96 = arith.constant 2048 : index
    %swap3A_97 = arith.constant 64 : index
    %swap3A_98 = vector.load %arg9[%swap3A_96, %swap3A_97] : memref<4096x128xf32, #tpu.memory_space<vmem>>, vector<2048x64xf32>
    tpu.vector_store %arg9[%swap3A_96, %swap3A_97], %bitcast_convert_type3A_95 {strides = array<i32>} : memref<4096x128xf32, #tpu.memory_space<vmem>>, vector<2048x64xf32>,
    return
  }
  func.func @transform_0(%arg0: i32) -> (i32, i32) {
    %mul3A = arith.constant 8 : i32
    %mul3A_0 = arith.muli %mul3A, %arg0 : i32
    %add3A = arith.constant 0 : i32
    %add3A_1 = arith.addi %mul3A_0, %add3A : i32
    %min3A = arith.constant 48 : i32
    %min3A_2 = arith.minsi %add3A_1, %min3A : i32
    %c0_i32 = arith.constant 0 : i32
    %c0_i32_3 = arith.constant 0 : i32
    return %c0_i32, %min3A_2 : i32, i32
  }
  func.func @transform_1(%arg0: i32) -> (i32, i32) {
    %mul3A = arith.constant 8 : i32
    %mul3A_0 = arith.muli %mul3A, %arg0 : i32
    %add3A = arith.constant 1 : i32
    %add3A_1 = arith.addi %mul3A_0, %add3A : i32
    %min3A = arith.constant 48 : i32
    %min3A_2 = arith.minsi %add3A_1, %min3A : i32
    %c0_i32 = arith.constant 0 : i32
    %c0_i32_3 = arith.constant 0 : i32
    return %c0_i32, %min3A_2 : i32, i32
  }
  func.func @transform_2(%arg0: i32) -> (i32, i32) {
    %mul3A = arith.constant 8 : i32
    %mul3A_0 = arith.muli %mul3A, %arg0 : i32
    %add3A = arith.constant 2 : i32
    %add3A_1 = arith.addi %mul3A_0, %add3A : i32
    %min3A = arith.constant 48 : i32
    %min3A_2 = arith.minsi %add3A_1, %min3A : i32
    %c0_i32 = arith.constant 0 : i32
    %c0_i32_3 = arith.constant 0 : i32
    return %c0_i32, %min3A_2 : i32, i32
  }
  func.func @transform_3(%arg0: i32) -> (i32, i32) {
    %mul3A = arith.constant 8 : i32
    %mul3A_0 = arith.muli %mul3A, %arg0 : i32
    %add3A = arith.constant 3 : i32
    %add3A_1 = arith.addi %mul3A_0, %add3A : i32
    %min3A = arith.constant 48 : i32
    %min3A_2 = arith.minsi %add3A_1, %min3A : i32
    %c0_i32 = arith.constant 0 : i32
    %c0_i32_3 = arith.constant 0 : i32
    return %c0_i32, %min3A_2 : i32, i32
  }
  func.func @transform_4(%arg0: i32) -> (i32, i32) {
    %mul3A = arith.constant 8 : i32
    %mul3A_0 = arith.muli %mul3A, %arg0 : i32
    %add3A = arith.constant 4 : i32
    %add3A_1 = arith.addi %mul3A_0, %add3A : i32
    %min3A = arith.constant 48 : i32
    %min3A_2 = arith.minsi %add3A_1, %min3A : i32
    %c0_i32 = arith.constant 0 : i32
    %c0_i32_3 = arith.constant 0 : i32
    return %c0_i32, %min3A_2 : i32, i32
  }
  func.func @transform_5(%arg0: i32) -> (i32, i32) {
    %mul3A = arith.constant 8 : i32
    %mul3A_0 = arith.muli %mul3A, %arg0 : i32
    %add3A = arith.constant 5 : i32
    %add3A_1 = arith.addi %mul3A_0, %add3A : i32
    %min3A = arith.constant 48 : i32
    %min3A_2 = arith.minsi %add3A_1, %min3A : i32
    %c0_i32 = arith.constant 0 : i32
    %c0_i32_3 = arith.constant 0 : i32
    return %c0_i32, %min3A_2 : i32, i32
  }
  func.func @transform_6(%arg0: i32) -> (i32, i32) {
    %mul3A = arith.constant 8 : i32
    %mul3A_0 = arith.muli %mul3A, %arg0 : i32
    %add3A = arith.constant 6 : i32
    %add3A_1 = arith.addi %mul3A_0, %add3A : i32
    %min3A = arith.constant 48 : i32
    %min3A_2 = arith.minsi %add3A_1, %min3A : i32
    %c0_i32 = arith.constant 0 : i32
    %c0_i32_3 = arith.constant 0 : i32
    return %c0_i32, %min3A_2 : i32, i32
  }
  func.func @transform_7(%arg0: i32) -> (i32, i32) {
    %mul3A = arith.constant 8 : i32
    %mul3A_0 = arith.muli %mul3A, %arg0 : i32
    %add3A = arith.constant 7 : i32
    %add3A_1 = arith.addi %mul3A_0, %add3A : i32
    %min3A = arith.constant 48 : i32
    %min3A_2 = arith.minsi %add3A_1, %min3A : i32
    %c0_i32 = arith.constant 0 : i32
    %c0_i32_3 = arith.constant 0 : i32
    return %c0_i32, %min3A_2 : i32, i32
  }
  func.func @transform_8(%arg0: i32) -> (i32, i32) {
    %c0_i32 = arith.constant 0 : i32
    %c0_i32_0 = arith.constant 0 : i32
    return %arg0, %c0_i32 : i32, i32
  }
}

module attributes {stable_mosaic.version = 14 : i64} {
  func.func @_pack_body(%arg0: i32, %arg1: memref<64x512xf32, #tpu.memory_space<vmem>>, %arg2: memref<64x512xf32, #tpu.memory_space<vmem>>, %arg3: memref<64x512xf32, #tpu.memory_space<vmem>>, %arg4: memref<64x512xf32, #tpu.memory_space<vmem>>, %arg5: memref<64x512xf32, #tpu.memory_space<vmem>>, %arg6: memref<64x512xf32, #tpu.memory_space<vmem>>, %arg7: memref<64x512xf32, #tpu.memory_space<vmem>>, %arg8: memref<64x512xf32, #tpu.memory_space<vmem>>, %arg9: memref<1024x128xf32, #tpu.memory_space<vmem>>) attributes {dimension_semantics = [#tpu.dimension_semantics<arbitrary>], iteration_bounds = array<i64: 1>, scalar_prefetch = 0 : i64, scratch_operands = 0 : i64, tpu.core_type = #tpu.core_type<tc>, window_params = [{transform_indices = @transform_0, window_bounds = array<i64: 64, 512>}, {transform_indices = @transform_1, window_bounds = array<i64: 64, 512>}, {transform_indices = @transform_2, window_bounds = array<i64: 64, 512>}, {transform_indices = @transform_3, window_bounds = array<i64: 64, 512>}, {transform_indices = @transform_4, window_bounds = array<i64: 64, 512>}, {transform_indices = @transform_5, window_bounds = array<i64: 64, 512>}, {transform_indices = @transform_6, window_bounds = array<i64: 64, 512>}, {transform_indices = @transform_7, window_bounds = array<i64: 64, 512>}, {transform_indices = @transform_8, window_bounds = array<i64: 1024, 128>}]} {
    %iota3A = tpu.iota {dimensions = array<i32: 0>} : vector<64x64xi32>
    %iota3A_0 = tpu.iota {dimensions = array<i32: 1>} : vector<64x64xi32>
    %eq3A = arith.cmpi eq, %iota3A, %iota3A_0 : vector<64x64xi32>
    %convert_element_type3A = arith.extui %eq3A : vector<64x64xi1> to vector<64x64xi32>
    %convert_element_type3A_1 = arith.sitofp %convert_element_type3A : vector<64x64xi32> to vector<64x64xf32>
    %get3A = arith.constant 0 : index
    %get3A_2 = arith.constant 0 : index
    %get3A_3 = vector.load %arg1[%get3A, %get3A_2] : memref<64x512xf32, #tpu.memory_space<vmem>>, vector<64x512xf32>
    %dot_general3A = arith.constant dense<0.000000e+00> : vector<512x64xf32>
    %dot_general3A_4 = tpu.matmul %get3A_3, %convert_element_type3A_1, %dot_general3A {dimension_numbers = #tpu.dot_dimension_numbers<[0], [0], [1], [1], [0, 1, 1, 1], [], []>, transpose_lhs_hint = false} : vector<64x512xf32>, vector<64x64xf32>, vector<512x64xf32> -> vector<512x64xf32>
    %get3A_5 = arith.constant 0 : index
    %get3A_6 = arith.constant 0 : index
    %get3A_7 = vector.load %arg2[%get3A_5, %get3A_6] : memref<64x512xf32, #tpu.memory_space<vmem>>, vector<64x512xf32>
    %dot_general3A_8 = arith.constant dense<0.000000e+00> : vector<512x64xf32>
    %dot_general3A_9 = tpu.matmul %get3A_7, %convert_element_type3A_1, %dot_general3A_8 {dimension_numbers = #tpu.dot_dimension_numbers<[0], [0], [1], [1], [0, 1, 1, 1], [], []>, transpose_lhs_hint = false} : vector<64x512xf32>, vector<64x64xf32>, vector<512x64xf32> -> vector<512x64xf32>
    %bitcast_convert_type3A = tpu.bitcast %dot_general3A_4 : vector<512x64xf32> -> vector<512x64xi32>
    %and3A = arith.constant -65536 : i32
    %and3A_10 = vector.broadcast %and3A : i32 to vector<512x64xi32>
    %and3A_11 = arith.andi %bitcast_convert_type3A, %and3A_10 : vector<512x64xi32>
    %bitcast_convert_type3A_12 = tpu.bitcast %dot_general3A_9 : vector<512x64xf32> -> vector<512x64xi32>
    %and3A_13 = arith.constant -65536 : i32
    %and3A_14 = vector.broadcast %and3A_13 : i32 to vector<512x64xi32>
    %and3A_15 = arith.andi %bitcast_convert_type3A_12, %and3A_14 : vector<512x64xi32>
    %shift_right_logical3A = arith.constant 16 : i32
    %shift_right_logical3A_16 = vector.broadcast %shift_right_logical3A : i32 to vector<512x64xi32>
    %shift_right_logical3A_17 = arith.shrui %and3A_15, %shift_right_logical3A_16 : vector<512x64xi32>
    %or3A = arith.ori %and3A_11, %shift_right_logical3A_17 : vector<512x64xi32>
    %bitcast_convert_type3A_18 = tpu.bitcast %or3A : vector<512x64xi32> -> vector<512x64xf32>
    %swap3A = arith.constant 0 : index
    %swap3A_19 = arith.constant 0 : index
    %swap3A_20 = vector.load %arg9[%swap3A, %swap3A_19] : memref<1024x128xf32, #tpu.memory_space<vmem>>, vector<512x64xf32>
    tpu.vector_store %arg9[%swap3A, %swap3A_19], %bitcast_convert_type3A_18 {strides = array<i32>} : memref<1024x128xf32, #tpu.memory_space<vmem>>, vector<512x64xf32>,
    %get3A_21 = arith.constant 0 : index
    %get3A_22 = arith.constant 0 : index
    %get3A_23 = vector.load %arg3[%get3A_21, %get3A_22] : memref<64x512xf32, #tpu.memory_space<vmem>>, vector<64x512xf32>
    %dot_general3A_24 = arith.constant dense<0.000000e+00> : vector<512x64xf32>
    %dot_general3A_25 = tpu.matmul %get3A_23, %convert_element_type3A_1, %dot_general3A_24 {dimension_numbers = #tpu.dot_dimension_numbers<[0], [0], [1], [1], [0, 1, 1, 1], [], []>, transpose_lhs_hint = false} : vector<64x512xf32>, vector<64x64xf32>, vector<512x64xf32> -> vector<512x64xf32>
    %get3A_26 = arith.constant 0 : index
    %get3A_27 = arith.constant 0 : index
    %get3A_28 = vector.load %arg4[%get3A_26, %get3A_27] : memref<64x512xf32, #tpu.memory_space<vmem>>, vector<64x512xf32>
    %dot_general3A_29 = arith.constant dense<0.000000e+00> : vector<512x64xf32>
    %dot_general3A_30 = tpu.matmul %get3A_28, %convert_element_type3A_1, %dot_general3A_29 {dimension_numbers = #tpu.dot_dimension_numbers<[0], [0], [1], [1], [0, 1, 1, 1], [], []>, transpose_lhs_hint = false} : vector<64x512xf32>, vector<64x64xf32>, vector<512x64xf32> -> vector<512x64xf32>
    %bitcast_convert_type3A_31 = tpu.bitcast %dot_general3A_25 : vector<512x64xf32> -> vector<512x64xi32>
    %and3A_32 = arith.constant -65536 : i32
    %and3A_33 = vector.broadcast %and3A_32 : i32 to vector<512x64xi32>
    %and3A_34 = arith.andi %bitcast_convert_type3A_31, %and3A_33 : vector<512x64xi32>
    %bitcast_convert_type3A_35 = tpu.bitcast %dot_general3A_30 : vector<512x64xf32> -> vector<512x64xi32>
    %and3A_36 = arith.constant -65536 : i32
    %and3A_37 = vector.broadcast %and3A_36 : i32 to vector<512x64xi32>
    %and3A_38 = arith.andi %bitcast_convert_type3A_35, %and3A_37 : vector<512x64xi32>
    %shift_right_logical3A_39 = arith.constant 16 : i32
    %shift_right_logical3A_40 = vector.broadcast %shift_right_logical3A_39 : i32 to vector<512x64xi32>
    %shift_right_logical3A_41 = arith.shrui %and3A_38, %shift_right_logical3A_40 : vector<512x64xi32>
    %or3A_42 = arith.ori %and3A_34, %shift_right_logical3A_41 : vector<512x64xi32>
    %bitcast_convert_type3A_43 = tpu.bitcast %or3A_42 : vector<512x64xi32> -> vector<512x64xf32>
    %swap3A_44 = arith.constant 0 : index
    %swap3A_45 = arith.constant 64 : index
    %swap3A_46 = vector.load %arg9[%swap3A_44, %swap3A_45] : memref<1024x128xf32, #tpu.memory_space<vmem>>, vector<512x64xf32>
    tpu.vector_store %arg9[%swap3A_44, %swap3A_45], %bitcast_convert_type3A_43 {strides = array<i32>} : memref<1024x128xf32, #tpu.memory_space<vmem>>, vector<512x64xf32>,
    %get3A_47 = arith.constant 0 : index
    %get3A_48 = arith.constant 0 : index
    %get3A_49 = vector.load %arg5[%get3A_47, %get3A_48] : memref<64x512xf32, #tpu.memory_space<vmem>>, vector<64x512xf32>
    %dot_general3A_50 = arith.constant dense<0.000000e+00> : vector<512x64xf32>
    %dot_general3A_51 = tpu.matmul %get3A_49, %convert_element_type3A_1, %dot_general3A_50 {dimension_numbers = #tpu.dot_dimension_numbers<[0], [0], [1], [1], [0, 1, 1, 1], [], []>, transpose_lhs_hint = false} : vector<64x512xf32>, vector<64x64xf32>, vector<512x64xf32> -> vector<512x64xf32>
    %get3A_52 = arith.constant 0 : index
    %get3A_53 = arith.constant 0 : index
    %get3A_54 = vector.load %arg6[%get3A_52, %get3A_53] : memref<64x512xf32, #tpu.memory_space<vmem>>, vector<64x512xf32>
    %dot_general3A_55 = arith.constant dense<0.000000e+00> : vector<512x64xf32>
    %dot_general3A_56 = tpu.matmul %get3A_54, %convert_element_type3A_1, %dot_general3A_55 {dimension_numbers = #tpu.dot_dimension_numbers<[0], [0], [1], [1], [0, 1, 1, 1], [], []>, transpose_lhs_hint = false} : vector<64x512xf32>, vector<64x64xf32>, vector<512x64xf32> -> vector<512x64xf32>
    %bitcast_convert_type3A_57 = tpu.bitcast %dot_general3A_51 : vector<512x64xf32> -> vector<512x64xi32>
    %and3A_58 = arith.constant -65536 : i32
    %and3A_59 = vector.broadcast %and3A_58 : i32 to vector<512x64xi32>
    %and3A_60 = arith.andi %bitcast_convert_type3A_57, %and3A_59 : vector<512x64xi32>
    %bitcast_convert_type3A_61 = tpu.bitcast %dot_general3A_56 : vector<512x64xf32> -> vector<512x64xi32>
    %and3A_62 = arith.constant -65536 : i32
    %and3A_63 = vector.broadcast %and3A_62 : i32 to vector<512x64xi32>
    %and3A_64 = arith.andi %bitcast_convert_type3A_61, %and3A_63 : vector<512x64xi32>
    %shift_right_logical3A_65 = arith.constant 16 : i32
    %shift_right_logical3A_66 = vector.broadcast %shift_right_logical3A_65 : i32 to vector<512x64xi32>
    %shift_right_logical3A_67 = arith.shrui %and3A_64, %shift_right_logical3A_66 : vector<512x64xi32>
    %or3A_68 = arith.ori %and3A_60, %shift_right_logical3A_67 : vector<512x64xi32>
    %bitcast_convert_type3A_69 = tpu.bitcast %or3A_68 : vector<512x64xi32> -> vector<512x64xf32>
    %swap3A_70 = arith.constant 512 : index
    %swap3A_71 = arith.constant 0 : index
    %swap3A_72 = vector.load %arg9[%swap3A_70, %swap3A_71] : memref<1024x128xf32, #tpu.memory_space<vmem>>, vector<512x64xf32>
    tpu.vector_store %arg9[%swap3A_70, %swap3A_71], %bitcast_convert_type3A_69 {strides = array<i32>} : memref<1024x128xf32, #tpu.memory_space<vmem>>, vector<512x64xf32>,
    %get3A_73 = arith.constant 0 : index
    %get3A_74 = arith.constant 0 : index
    %get3A_75 = vector.load %arg7[%get3A_73, %get3A_74] : memref<64x512xf32, #tpu.memory_space<vmem>>, vector<64x512xf32>
    %dot_general3A_76 = arith.constant dense<0.000000e+00> : vector<512x64xf32>
    %dot_general3A_77 = tpu.matmul %get3A_75, %convert_element_type3A_1, %dot_general3A_76 {dimension_numbers = #tpu.dot_dimension_numbers<[0], [0], [1], [1], [0, 1, 1, 1], [], []>, transpose_lhs_hint = false} : vector<64x512xf32>, vector<64x64xf32>, vector<512x64xf32> -> vector<512x64xf32>
    %get3A_78 = arith.constant 0 : index
    %get3A_79 = arith.constant 0 : index
    %get3A_80 = vector.load %arg8[%get3A_78, %get3A_79] : memref<64x512xf32, #tpu.memory_space<vmem>>, vector<64x512xf32>
    %dot_general3A_81 = arith.constant dense<0.000000e+00> : vector<512x64xf32>
    %dot_general3A_82 = tpu.matmul %get3A_80, %convert_element_type3A_1, %dot_general3A_81 {dimension_numbers = #tpu.dot_dimension_numbers<[0], [0], [1], [1], [0, 1, 1, 1], [], []>, transpose_lhs_hint = false} : vector<64x512xf32>, vector<64x64xf32>, vector<512x64xf32> -> vector<512x64xf32>
    %bitcast_convert_type3A_83 = tpu.bitcast %dot_general3A_77 : vector<512x64xf32> -> vector<512x64xi32>
    %and3A_84 = arith.constant -65536 : i32
    %and3A_85 = vector.broadcast %and3A_84 : i32 to vector<512x64xi32>
    %and3A_86 = arith.andi %bitcast_convert_type3A_83, %and3A_85 : vector<512x64xi32>
    %bitcast_convert_type3A_87 = tpu.bitcast %dot_general3A_82 : vector<512x64xf32> -> vector<512x64xi32>
    %and3A_88 = arith.constant -65536 : i32
    %and3A_89 = vector.broadcast %and3A_88 : i32 to vector<512x64xi32>
    %and3A_90 = arith.andi %bitcast_convert_type3A_87, %and3A_89 : vector<512x64xi32>
    %shift_right_logical3A_91 = arith.constant 16 : i32
    %shift_right_logical3A_92 = vector.broadcast %shift_right_logical3A_91 : i32 to vector<512x64xi32>
    %shift_right_logical3A_93 = arith.shrui %and3A_90, %shift_right_logical3A_92 : vector<512x64xi32>
    %or3A_94 = arith.ori %and3A_86, %shift_right_logical3A_93 : vector<512x64xi32>
    %bitcast_convert_type3A_95 = tpu.bitcast %or3A_94 : vector<512x64xi32> -> vector<512x64xf32>
    %swap3A_96 = arith.constant 512 : index
    %swap3A_97 = arith.constant 64 : index
    %swap3A_98 = vector.load %arg9[%swap3A_96, %swap3A_97] : memref<1024x128xf32, #tpu.memory_space<vmem>>, vector<512x64xf32>
    tpu.vector_store %arg9[%swap3A_96, %swap3A_97], %bitcast_convert_type3A_95 {strides = array<i32>} : memref<1024x128xf32, #tpu.memory_space<vmem>>, vector<512x64xf32>,
    return
  }
  func.func @transform_0(%arg0: i32) -> (i32, i32) {
    %mul3A = arith.constant 8 : i32
    %mul3A_0 = arith.muli %mul3A, %arg0 : i32
    %add3A = arith.constant 0 : i32
    %add3A_1 = arith.addi %mul3A_0, %add3A : i32
    %min3A = arith.constant 1 : i32
    %min3A_2 = arith.minsi %add3A_1, %min3A : i32
    %c0_i32 = arith.constant 0 : i32
    %c0_i32_3 = arith.constant 0 : i32
    return %c0_i32, %min3A_2 : i32, i32
  }
  func.func @transform_1(%arg0: i32) -> (i32, i32) {
    %mul3A = arith.constant 8 : i32
    %mul3A_0 = arith.muli %mul3A, %arg0 : i32
    %add3A = arith.constant 1 : i32
    %add3A_1 = arith.addi %mul3A_0, %add3A : i32
    %min3A = arith.constant 1 : i32
    %min3A_2 = arith.minsi %add3A_1, %min3A : i32
    %c0_i32 = arith.constant 0 : i32
    %c0_i32_3 = arith.constant 0 : i32
    return %c0_i32, %min3A_2 : i32, i32
  }
  func.func @transform_2(%arg0: i32) -> (i32, i32) {
    %mul3A = arith.constant 8 : i32
    %mul3A_0 = arith.muli %mul3A, %arg0 : i32
    %add3A = arith.constant 2 : i32
    %add3A_1 = arith.addi %mul3A_0, %add3A : i32
    %min3A = arith.constant 1 : i32
    %min3A_2 = arith.minsi %add3A_1, %min3A : i32
    %c0_i32 = arith.constant 0 : i32
    %c0_i32_3 = arith.constant 0 : i32
    return %c0_i32, %min3A_2 : i32, i32
  }
  func.func @transform_3(%arg0: i32) -> (i32, i32) {
    %mul3A = arith.constant 8 : i32
    %mul3A_0 = arith.muli %mul3A, %arg0 : i32
    %add3A = arith.constant 3 : i32
    %add3A_1 = arith.addi %mul3A_0, %add3A : i32
    %min3A = arith.constant 1 : i32
    %min3A_2 = arith.minsi %add3A_1, %min3A : i32
    %c0_i32 = arith.constant 0 : i32
    %c0_i32_3 = arith.constant 0 : i32
    return %c0_i32, %min3A_2 : i32, i32
  }
  func.func @transform_4(%arg0: i32) -> (i32, i32) {
    %mul3A = arith.constant 8 : i32
    %mul3A_0 = arith.muli %mul3A, %arg0 : i32
    %add3A = arith.constant 4 : i32
    %add3A_1 = arith.addi %mul3A_0, %add3A : i32
    %min3A = arith.constant 1 : i32
    %min3A_2 = arith.minsi %add3A_1, %min3A : i32
    %c0_i32 = arith.constant 0 : i32
    %c0_i32_3 = arith.constant 0 : i32
    return %c0_i32, %min3A_2 : i32, i32
  }
  func.func @transform_5(%arg0: i32) -> (i32, i32) {
    %mul3A = arith.constant 8 : i32
    %mul3A_0 = arith.muli %mul3A, %arg0 : i32
    %add3A = arith.constant 5 : i32
    %add3A_1 = arith.addi %mul3A_0, %add3A : i32
    %min3A = arith.constant 1 : i32
    %min3A_2 = arith.minsi %add3A_1, %min3A : i32
    %c0_i32 = arith.constant 0 : i32
    %c0_i32_3 = arith.constant 0 : i32
    return %c0_i32, %min3A_2 : i32, i32
  }
  func.func @transform_6(%arg0: i32) -> (i32, i32) {
    %mul3A = arith.constant 8 : i32
    %mul3A_0 = arith.muli %mul3A, %arg0 : i32
    %add3A = arith.constant 6 : i32
    %add3A_1 = arith.addi %mul3A_0, %add3A : i32
    %min3A = arith.constant 1 : i32
    %min3A_2 = arith.minsi %add3A_1, %min3A : i32
    %c0_i32 = arith.constant 0 : i32
    %c0_i32_3 = arith.constant 0 : i32
    return %c0_i32, %min3A_2 : i32, i32
  }
  func.func @transform_7(%arg0: i32) -> (i32, i32) {
    %mul3A = arith.constant 8 : i32
    %mul3A_0 = arith.muli %mul3A, %arg0 : i32
    %add3A = arith.constant 7 : i32
    %add3A_1 = arith.addi %mul3A_0, %add3A : i32
    %min3A = arith.constant 1 : i32
    %min3A_2 = arith.minsi %add3A_1, %min3A : i32
    %c0_i32 = arith.constant 0 : i32
    %c0_i32_3 = arith.constant 0 : i32
    return %c0_i32, %min3A_2 : i32, i32
  }
  func.func @transform_8(%arg0: i32) -> (i32, i32) {
    %c0_i32 = arith.constant 0 : i32
    %c0_i32_0 = arith.constant 0 : i32
    return %arg0, %c0_i32 : i32, i32
  }
}

module attributes {stable_mosaic.version = 14 : i64} {
  func.func @_pack_body(%arg0: i32, %arg1: memref<64x2048xf32, #tpu.memory_space<vmem>>, %arg2: memref<64x2048xf32, #tpu.memory_space<vmem>>, %arg3: memref<64x2048xf32, #tpu.memory_space<vmem>>, %arg4: memref<64x2048xf32, #tpu.memory_space<vmem>>, %arg5: memref<64x2048xf32, #tpu.memory_space<vmem>>, %arg6: memref<64x2048xf32, #tpu.memory_space<vmem>>, %arg7: memref<64x2048xf32, #tpu.memory_space<vmem>>, %arg8: memref<64x2048xf32, #tpu.memory_space<vmem>>, %arg9: memref<4096x128xf32, #tpu.memory_space<vmem>>) attributes {dimension_semantics = [#tpu.dimension_semantics<arbitrary>], iteration_bounds = array<i64: 62>, scalar_prefetch = 0 : i64, scratch_operands = 0 : i64, tpu.core_type = #tpu.core_type<tc>, window_params = [{transform_indices = @transform_0, window_bounds = array<i64: 64, 2048>}, {transform_indices = @transform_1, window_bounds = array<i64: 64, 2048>}, {transform_indices = @transform_2, window_bounds = array<i64: 64, 2048>}, {transform_indices = @transform_3, window_bounds = array<i64: 64, 2048>}, {transform_indices = @transform_4, window_bounds = array<i64: 64, 2048>}, {transform_indices = @transform_5, window_bounds = array<i64: 64, 2048>}, {transform_indices = @transform_6, window_bounds = array<i64: 64, 2048>}, {transform_indices = @transform_7, window_bounds = array<i64: 64, 2048>}, {transform_indices = @transform_8, window_bounds = array<i64: 4096, 128>}]} {
    %iota3A = tpu.iota {dimensions = array<i32: 0>} : vector<64x64xi32>
    %iota3A_0 = tpu.iota {dimensions = array<i32: 1>} : vector<64x64xi32>
    %eq3A = arith.cmpi eq, %iota3A, %iota3A_0 : vector<64x64xi32>
    %convert_element_type3A = arith.extui %eq3A : vector<64x64xi1> to vector<64x64xi32>
    %convert_element_type3A_1 = arith.sitofp %convert_element_type3A : vector<64x64xi32> to vector<64x64xf32>
    %get3A = arith.constant 0 : index
    %get3A_2 = arith.constant 0 : index
    %get3A_3 = vector.load %arg1[%get3A, %get3A_2] : memref<64x2048xf32, #tpu.memory_space<vmem>>, vector<64x2048xf32>
    %dot_general3A = arith.constant dense<0.000000e+00> : vector<2048x64xf32>
    %dot_general3A_4 = tpu.matmul %get3A_3, %convert_element_type3A_1, %dot_general3A {dimension_numbers = #tpu.dot_dimension_numbers<[0], [0], [1], [1], [0, 1, 1, 1], [], []>, transpose_lhs_hint = false} : vector<64x2048xf32>, vector<64x64xf32>, vector<2048x64xf32> -> vector<2048x64xf32>
    %get3A_5 = arith.constant 0 : index
    %get3A_6 = arith.constant 0 : index
    %get3A_7 = vector.load %arg2[%get3A_5, %get3A_6] : memref<64x2048xf32, #tpu.memory_space<vmem>>, vector<64x2048xf32>
    %dot_general3A_8 = arith.constant dense<0.000000e+00> : vector<2048x64xf32>
    %dot_general3A_9 = tpu.matmul %get3A_7, %convert_element_type3A_1, %dot_general3A_8 {dimension_numbers = #tpu.dot_dimension_numbers<[0], [0], [1], [1], [0, 1, 1, 1], [], []>, transpose_lhs_hint = false} : vector<64x2048xf32>, vector<64x64xf32>, vector<2048x64xf32> -> vector<2048x64xf32>
    %bitcast_convert_type3A = tpu.bitcast %dot_general3A_4 : vector<2048x64xf32> -> vector<2048x64xi32>
    %and3A = arith.constant -65536 : i32
    %and3A_10 = vector.broadcast %and3A : i32 to vector<2048x64xi32>
    %and3A_11 = arith.andi %bitcast_convert_type3A, %and3A_10 : vector<2048x64xi32>
    %bitcast_convert_type3A_12 = tpu.bitcast %dot_general3A_9 : vector<2048x64xf32> -> vector<2048x64xi32>
    %and3A_13 = arith.constant -65536 : i32
    %and3A_14 = vector.broadcast %and3A_13 : i32 to vector<2048x64xi32>
    %and3A_15 = arith.andi %bitcast_convert_type3A_12, %and3A_14 : vector<2048x64xi32>
    %shift_right_logical3A = arith.constant 16 : i32
    %shift_right_logical3A_16 = vector.broadcast %shift_right_logical3A : i32 to vector<2048x64xi32>
    %shift_right_logical3A_17 = arith.shrui %and3A_15, %shift_right_logical3A_16 : vector<2048x64xi32>
    %or3A = arith.ori %and3A_11, %shift_right_logical3A_17 : vector<2048x64xi32>
    %bitcast_convert_type3A_18 = tpu.bitcast %or3A : vector<2048x64xi32> -> vector<2048x64xf32>
    %swap3A = arith.constant 0 : index
    %swap3A_19 = arith.constant 0 : index
    %swap3A_20 = vector.load %arg9[%swap3A, %swap3A_19] : memref<4096x128xf32, #tpu.memory_space<vmem>>, vector<2048x64xf32>
    tpu.vector_store %arg9[%swap3A, %swap3A_19], %bitcast_convert_type3A_18 {strides = array<i32>} : memref<4096x128xf32, #tpu.memory_space<vmem>>, vector<2048x64xf32>,
    %get3A_21 = arith.constant 0 : index
    %get3A_22 = arith.constant 0 : index
    %get3A_23 = vector.load %arg3[%get3A_21, %get3A_22] : memref<64x2048xf32, #tpu.memory_space<vmem>>, vector<64x2048xf32>
    %dot_general3A_24 = arith.constant dense<0.000000e+00> : vector<2048x64xf32>
    %dot_general3A_25 = tpu.matmul %get3A_23, %convert_element_type3A_1, %dot_general3A_24 {dimension_numbers = #tpu.dot_dimension_numbers<[0], [0], [1], [1], [0, 1, 1, 1], [], []>, transpose_lhs_hint = false} : vector<64x2048xf32>, vector<64x64xf32>, vector<2048x64xf32> -> vector<2048x64xf32>
    %get3A_26 = arith.constant 0 : index
    %get3A_27 = arith.constant 0 : index
    %get3A_28 = vector.load %arg4[%get3A_26, %get3A_27] : memref<64x2048xf32, #tpu.memory_space<vmem>>, vector<64x2048xf32>
    %dot_general3A_29 = arith.constant dense<0.000000e+00> : vector<2048x64xf32>
    %dot_general3A_30 = tpu.matmul %get3A_28, %convert_element_type3A_1, %dot_general3A_29 {dimension_numbers = #tpu.dot_dimension_numbers<[0], [0], [1], [1], [0, 1, 1, 1], [], []>, transpose_lhs_hint = false} : vector<64x2048xf32>, vector<64x64xf32>, vector<2048x64xf32> -> vector<2048x64xf32>
    %bitcast_convert_type3A_31 = tpu.bitcast %dot_general3A_25 : vector<2048x64xf32> -> vector<2048x64xi32>
    %and3A_32 = arith.constant -65536 : i32
    %and3A_33 = vector.broadcast %and3A_32 : i32 to vector<2048x64xi32>
    %and3A_34 = arith.andi %bitcast_convert_type3A_31, %and3A_33 : vector<2048x64xi32>
    %bitcast_convert_type3A_35 = tpu.bitcast %dot_general3A_30 : vector<2048x64xf32> -> vector<2048x64xi32>
    %and3A_36 = arith.constant -65536 : i32
    %and3A_37 = vector.broadcast %and3A_36 : i32 to vector<2048x64xi32>
    %and3A_38 = arith.andi %bitcast_convert_type3A_35, %and3A_37 : vector<2048x64xi32>
    %shift_right_logical3A_39 = arith.constant 16 : i32
    %shift_right_logical3A_40 = vector.broadcast %shift_right_logical3A_39 : i32 to vector<2048x64xi32>
    %shift_right_logical3A_41 = arith.shrui %and3A_38, %shift_right_logical3A_40 : vector<2048x64xi32>
    %or3A_42 = arith.ori %and3A_34, %shift_right_logical3A_41 : vector<2048x64xi32>
    %bitcast_convert_type3A_43 = tpu.bitcast %or3A_42 : vector<2048x64xi32> -> vector<2048x64xf32>
    %swap3A_44 = arith.constant 0 : index
    %swap3A_45 = arith.constant 64 : index
    %swap3A_46 = vector.load %arg9[%swap3A_44, %swap3A_45] : memref<4096x128xf32, #tpu.memory_space<vmem>>, vector<2048x64xf32>
    tpu.vector_store %arg9[%swap3A_44, %swap3A_45], %bitcast_convert_type3A_43 {strides = array<i32>} : memref<4096x128xf32, #tpu.memory_space<vmem>>, vector<2048x64xf32>,
    %get3A_47 = arith.constant 0 : index
    %get3A_48 = arith.constant 0 : index
    %get3A_49 = vector.load %arg5[%get3A_47, %get3A_48] : memref<64x2048xf32, #tpu.memory_space<vmem>>, vector<64x2048xf32>
    %dot_general3A_50 = arith.constant dense<0.000000e+00> : vector<2048x64xf32>
    %dot_general3A_51 = tpu.matmul %get3A_49, %convert_element_type3A_1, %dot_general3A_50 {dimension_numbers = #tpu.dot_dimension_numbers<[0], [0], [1], [1], [0, 1, 1, 1], [], []>, transpose_lhs_hint = false} : vector<64x2048xf32>, vector<64x64xf32>, vector<2048x64xf32> -> vector<2048x64xf32>
    %get3A_52 = arith.constant 0 : index
    %get3A_53 = arith.constant 0 : index
    %get3A_54 = vector.load %arg6[%get3A_52, %get3A_53] : memref<64x2048xf32, #tpu.memory_space<vmem>>, vector<64x2048xf32>
    %dot_general3A_55 = arith.constant dense<0.000000e+00> : vector<2048x64xf32>
    %dot_general3A_56 = tpu.matmul %get3A_54, %convert_element_type3A_1, %dot_general3A_55 {dimension_numbers = #tpu.dot_dimension_numbers<[0], [0], [1], [1], [0, 1, 1, 1], [], []>, transpose_lhs_hint = false} : vector<64x2048xf32>, vector<64x64xf32>, vector<2048x64xf32> -> vector<2048x64xf32>
    %bitcast_convert_type3A_57 = tpu.bitcast %dot_general3A_51 : vector<2048x64xf32> -> vector<2048x64xi32>
    %and3A_58 = arith.constant -65536 : i32
    %and3A_59 = vector.broadcast %and3A_58 : i32 to vector<2048x64xi32>
    %and3A_60 = arith.andi %bitcast_convert_type3A_57, %and3A_59 : vector<2048x64xi32>
    %bitcast_convert_type3A_61 = tpu.bitcast %dot_general3A_56 : vector<2048x64xf32> -> vector<2048x64xi32>
    %and3A_62 = arith.constant -65536 : i32
    %and3A_63 = vector.broadcast %and3A_62 : i32 to vector<2048x64xi32>
    %and3A_64 = arith.andi %bitcast_convert_type3A_61, %and3A_63 : vector<2048x64xi32>
    %shift_right_logical3A_65 = arith.constant 16 : i32
    %shift_right_logical3A_66 = vector.broadcast %shift_right_logical3A_65 : i32 to vector<2048x64xi32>
    %shift_right_logical3A_67 = arith.shrui %and3A_64, %shift_right_logical3A_66 : vector<2048x64xi32>
    %or3A_68 = arith.ori %and3A_60, %shift_right_logical3A_67 : vector<2048x64xi32>
    %bitcast_convert_type3A_69 = tpu.bitcast %or3A_68 : vector<2048x64xi32> -> vector<2048x64xf32>
    %swap3A_70 = arith.constant 2048 : index
    %swap3A_71 = arith.constant 0 : index
    %swap3A_72 = vector.load %arg9[%swap3A_70, %swap3A_71] : memref<4096x128xf32, #tpu.memory_space<vmem>>, vector<2048x64xf32>
    tpu.vector_store %arg9[%swap3A_70, %swap3A_71], %bitcast_convert_type3A_69 {strides = array<i32>} : memref<4096x128xf32, #tpu.memory_space<vmem>>, vector<2048x64xf32>,
    %get3A_73 = arith.constant 0 : index
    %get3A_74 = arith.constant 0 : index
    %get3A_75 = vector.load %arg7[%get3A_73, %get3A_74] : memref<64x2048xf32, #tpu.memory_space<vmem>>, vector<64x2048xf32>
    %dot_general3A_76 = arith.constant dense<0.000000e+00> : vector<2048x64xf32>
    %dot_general3A_77 = tpu.matmul %get3A_75, %convert_element_type3A_1, %dot_general3A_76 {dimension_numbers = #tpu.dot_dimension_numbers<[0], [0], [1], [1], [0, 1, 1, 1], [], []>, transpose_lhs_hint = false} : vector<64x2048xf32>, vector<64x64xf32>, vector<2048x64xf32> -> vector<2048x64xf32>
    %get3A_78 = arith.constant 0 : index
    %get3A_79 = arith.constant 0 : index
    %get3A_80 = vector.load %arg8[%get3A_78, %get3A_79] : memref<64x2048xf32, #tpu.memory_space<vmem>>, vector<64x2048xf32>
    %dot_general3A_81 = arith.constant dense<0.000000e+00> : vector<2048x64xf32>
    %dot_general3A_82 = tpu.matmul %get3A_80, %convert_element_type3A_1, %dot_general3A_81 {dimension_numbers = #tpu.dot_dimension_numbers<[0], [0], [1], [1], [0, 1, 1, 1], [], []>, transpose_lhs_hint = false} : vector<64x2048xf32>, vector<64x64xf32>, vector<2048x64xf32> -> vector<2048x64xf32>
    %bitcast_convert_type3A_83 = tpu.bitcast %dot_general3A_77 : vector<2048x64xf32> -> vector<2048x64xi32>
    %and3A_84 = arith.constant -65536 : i32
    %and3A_85 = vector.broadcast %and3A_84 : i32 to vector<2048x64xi32>
    %and3A_86 = arith.andi %bitcast_convert_type3A_83, %and3A_85 : vector<2048x64xi32>
    %bitcast_convert_type3A_87 = tpu.bitcast %dot_general3A_82 : vector<2048x64xf32> -> vector<2048x64xi32>
    %and3A_88 = arith.constant -65536 : i32
    %and3A_89 = vector.broadcast %and3A_88 : i32 to vector<2048x64xi32>
    %and3A_90 = arith.andi %bitcast_convert_type3A_87, %and3A_89 : vector<2048x64xi32>
    %shift_right_logical3A_91 = arith.constant 16 : i32
    %shift_right_logical3A_92 = vector.broadcast %shift_right_logical3A_91 : i32 to vector<2048x64xi32>
    %shift_right_logical3A_93 = arith.shrui %and3A_90, %shift_right_logical3A_92 : vector<2048x64xi32>
    %or3A_94 = arith.ori %and3A_86, %shift_right_logical3A_93 : vector<2048x64xi32>
    %bitcast_convert_type3A_95 = tpu.bitcast %or3A_94 : vector<2048x64xi32> -> vector<2048x64xf32>
    %swap3A_96 = arith.constant 2048 : index
    %swap3A_97 = arith.constant 64 : index
    %swap3A_98 = vector.load %arg9[%swap3A_96, %swap3A_97] : memref<4096x128xf32, #tpu.memory_space<vmem>>, vector<2048x64xf32>
    tpu.vector_store %arg9[%swap3A_96, %swap3A_97], %bitcast_convert_type3A_95 {strides = array<i32>} : memref<4096x128xf32, #tpu.memory_space<vmem>>, vector<2048x64xf32>,
    return
  }
  func.func @transform_0(%arg0: i32) -> (i32, i32) {
    %mul3A = arith.constant 8 : i32
    %mul3A_0 = arith.muli %mul3A, %arg0 : i32
    %add3A = arith.constant 0 : i32
    %add3A_1 = arith.addi %mul3A_0, %add3A : i32
    %min3A = arith.constant 488 : i32
    %min3A_2 = arith.minsi %add3A_1, %min3A : i32
    %c0_i32 = arith.constant 0 : i32
    %c0_i32_3 = arith.constant 0 : i32
    return %c0_i32, %min3A_2 : i32, i32
  }
  func.func @transform_1(%arg0: i32) -> (i32, i32) {
    %mul3A = arith.constant 8 : i32
    %mul3A_0 = arith.muli %mul3A, %arg0 : i32
    %add3A = arith.constant 1 : i32
    %add3A_1 = arith.addi %mul3A_0, %add3A : i32
    %min3A = arith.constant 488 : i32
    %min3A_2 = arith.minsi %add3A_1, %min3A : i32
    %c0_i32 = arith.constant 0 : i32
    %c0_i32_3 = arith.constant 0 : i32
    return %c0_i32, %min3A_2 : i32, i32
  }
  func.func @transform_2(%arg0: i32) -> (i32, i32) {
    %mul3A = arith.constant 8 : i32
    %mul3A_0 = arith.muli %mul3A, %arg0 : i32
    %add3A = arith.constant 2 : i32
    %add3A_1 = arith.addi %mul3A_0, %add3A : i32
    %min3A = arith.constant 488 : i32
    %min3A_2 = arith.minsi %add3A_1, %min3A : i32
    %c0_i32 = arith.constant 0 : i32
    %c0_i32_3 = arith.constant 0 : i32
    return %c0_i32, %min3A_2 : i32, i32
  }
  func.func @transform_3(%arg0: i32) -> (i32, i32) {
    %mul3A = arith.constant 8 : i32
    %mul3A_0 = arith.muli %mul3A, %arg0 : i32
    %add3A = arith.constant 3 : i32
    %add3A_1 = arith.addi %mul3A_0, %add3A : i32
    %min3A = arith.constant 488 : i32
    %min3A_2 = arith.minsi %add3A_1, %min3A : i32
    %c0_i32 = arith.constant 0 : i32
    %c0_i32_3 = arith.constant 0 : i32
    return %c0_i32, %min3A_2 : i32, i32
  }
  func.func @transform_4(%arg0: i32) -> (i32, i32) {
    %mul3A = arith.constant 8 : i32
    %mul3A_0 = arith.muli %mul3A, %arg0 : i32
    %add3A = arith.constant 4 : i32
    %add3A_1 = arith.addi %mul3A_0, %add3A : i32
    %min3A = arith.constant 488 : i32
    %min3A_2 = arith.minsi %add3A_1, %min3A : i32
    %c0_i32 = arith.constant 0 : i32
    %c0_i32_3 = arith.constant 0 : i32
    return %c0_i32, %min3A_2 : i32, i32
  }
  func.func @transform_5(%arg0: i32) -> (i32, i32) {
    %mul3A = arith.constant 8 : i32
    %mul3A_0 = arith.muli %mul3A, %arg0 : i32
    %add3A = arith.constant 5 : i32
    %add3A_1 = arith.addi %mul3A_0, %add3A : i32
    %min3A = arith.constant 488 : i32
    %min3A_2 = arith.minsi %add3A_1, %min3A : i32
    %c0_i32 = arith.constant 0 : i32
    %c0_i32_3 = arith.constant 0 : i32
    return %c0_i32, %min3A_2 : i32, i32
  }
  func.func @transform_6(%arg0: i32) -> (i32, i32) {
    %mul3A = arith.constant 8 : i32
    %mul3A_0 = arith.muli %mul3A, %arg0 : i32
    %add3A = arith.constant 6 : i32
    %add3A_1 = arith.addi %mul3A_0, %add3A : i32
    %min3A = arith.constant 488 : i32
    %min3A_2 = arith.minsi %add3A_1, %min3A : i32
    %c0_i32 = arith.constant 0 : i32
    %c0_i32_3 = arith.constant 0 : i32
    return %c0_i32, %min3A_2 : i32, i32
  }
  func.func @transform_7(%arg0: i32) -> (i32, i32) {
    %mul3A = arith.constant 8 : i32
    %mul3A_0 = arith.muli %mul3A, %arg0 : i32
    %add3A = arith.constant 7 : i32
    %add3A_1 = arith.addi %mul3A_0, %add3A : i32
    %min3A = arith.constant 488 : i32
    %min3A_2 = arith.minsi %add3A_1, %min3A : i32
    %c0_i32 = arith.constant 0 : i32
    %c0_i32_3 = arith.constant 0 : i32
    return %c0_i32, %min3A_2 : i32, i32
  }
  func.func @transform_8(%arg0: i32) -> (i32, i32) {
    %c0_i32 = arith.constant 0 : i32
    %c0_i32_0 = arith.constant 0 : i32
    return %arg0, %c0_i32 : i32, i32
  }
}

module attributes {stable_mosaic.version = 14 : i64} {
  func.func @_mlp_body(%arg0: i32, %arg1: memref<2048x128xf32, #tpu.memory_space<vmem>>, %arg2: memref<2048x128xf32, #tpu.memory_space<vmem>>, %arg3: memref<2048x128xf32, #tpu.memory_space<vmem>>, %arg4: memref<2048x1xi32, #tpu.memory_space<vmem>>, %arg5: memref<192x128xf32, #tpu.memory_space<vmem>>, %arg6: memref<1x128xf32, #tpu.memory_space<vmem>>, %arg7: memref<128x64xf32, #tpu.memory_space<vmem>>, %arg8: memref<1x64xf32, #tpu.memory_space<vmem>>, %arg9: memref<64x1xf32, #tpu.memory_space<vmem>>, %arg10: memref<1x1xf32, #tpu.memory_space<vmem>>, %arg11: memref<2048x1xf32, #tpu.memory_space<vmem>>) attributes {dimension_semantics = [#tpu.dimension_semantics<arbitrary>], iteration_bounds = array<i64: 8>, scalar_prefetch = 0 : i64, scratch_operands = 0 : i64, tpu.core_type = #tpu.core_type<tc>, window_params = [{transform_indices = @transform_0, window_bounds = array<i64: 2048, 128>}, {transform_indices = @transform_1, window_bounds = array<i64: 2048, 128>}, {transform_indices = @transform_2, window_bounds = array<i64: 2048, 128>}, {transform_indices = @transform_3, window_bounds = array<i64: 2048, 1>}, {pipeline_mode = #tpu.pipeline_mode<synchronous>, transform_indices = @transform_4, window_bounds = array<i64: 192, 128>}, {pipeline_mode = #tpu.pipeline_mode<synchronous>, transform_indices = @transform_5, window_bounds = array<i64: 1, 128>}, {pipeline_mode = #tpu.pipeline_mode<synchronous>, transform_indices = @transform_6, window_bounds = array<i64: 128, 64>}, {pipeline_mode = #tpu.pipeline_mode<synchronous>, transform_indices = @transform_7, window_bounds = array<i64: 1, 64>}, {pipeline_mode = #tpu.pipeline_mode<synchronous>, transform_indices = @transform_8, window_bounds = array<i64: 64, 1>}, {pipeline_mode = #tpu.pipeline_mode<synchronous>, transform_indices = @transform_9, window_bounds = array<i64: 1, 1>}, {transform_indices = @transform_10, window_bounds = array<i64: 2048, 1>}]} {
    %get3A = arith.constant 0 : index
    %get3A_0 = arith.constant 0 : index
    %get3A_1 = vector.load %arg4[%get3A, %get3A_0] : memref<2048x1xi32, #tpu.memory_space<vmem>>, vector<2048x1xi32>
    %and3A = arith.constant 1 : i32
    %and3A_2 = vector.broadcast %and3A : i32 to vector<2048x1xi32>
    %and3A_3 = arith.andi %get3A_1, %and3A_2 : vector<2048x1xi32>
    %gt3A = arith.constant 0 : i32
    %gt3A_4 = vector.broadcast %gt3A : i32 to vector<2048x1xi32>
    %gt3A_5 = arith.cmpi sgt, %and3A_3, %gt3A_4 : vector<2048x1xi32>
    %and3A_6 = arith.constant 2 : i32
    %and3A_7 = vector.broadcast %and3A_6 : i32 to vector<2048x1xi32>
    %and3A_8 = arith.andi %get3A_1, %and3A_7 : vector<2048x1xi32>
    %gt3A_9 = arith.constant 0 : i32
    %gt3A_10 = vector.broadcast %gt3A_9 : i32 to vector<2048x1xi32>
    %gt3A_11 = arith.cmpi sgt, %and3A_8, %gt3A_10 : vector<2048x1xi32>
    %get3A_12 = arith.constant 0 : index
    %get3A_13 = arith.constant 64 : index
    %get3A_14 = vector.load %arg1[%get3A_12, %get3A_13] : memref<2048x128xf32, #tpu.memory_space<vmem>>, vector<2048x64xf32>
    %get3A_15 = arith.constant 0 : index
    %get3A_16 = arith.constant 0 : index
    %get3A_17 = vector.load %arg1[%get3A_15, %get3A_16] : memref<2048x128xf32, #tpu.memory_space<vmem>>, vector<2048x64xf32>
    %broadcast_in_dim3A = vector.shape_cast %gt3A_5 : vector<2048x1xi1> to vector<2048x1xi1>
    %broadcast_in_dim3A_18 = vector.broadcast %broadcast_in_dim3A : vector<2048x1xi1> to vector<2048x64xi1>
    %select_n3A = arith.select %broadcast_in_dim3A_18, %get3A_14, %get3A_17 : vector<2048x64xi1>, vector<2048x64xf32>
    %bitcast_convert_type3A = tpu.bitcast %select_n3A : vector<2048x64xf32> -> vector<2048x64xi32>
    %shift_left3A = arith.constant 16 : i32
    %shift_left3A_19 = vector.broadcast %shift_left3A : i32 to vector<2048x64xi32>
    %shift_left3A_20 = arith.shli %bitcast_convert_type3A, %shift_left3A_19 : vector<2048x64xi32>
    %and3A_21 = arith.constant -65536 : i32
    %and3A_22 = vector.broadcast %and3A_21 : i32 to vector<2048x64xi32>
    %and3A_23 = arith.andi %bitcast_convert_type3A, %and3A_22 : vector<2048x64xi32>
    %broadcast_in_dim3A_24 = vector.shape_cast %gt3A_11 : vector<2048x1xi1> to vector<2048x1xi1>
    %broadcast_in_dim3A_25 = vector.broadcast %broadcast_in_dim3A_24 : vector<2048x1xi1> to vector<2048x64xi1>
    %select_n3A_26 = arith.select %broadcast_in_dim3A_25, %shift_left3A_20, %and3A_23 : vector<2048x64xi1>, vector<2048x64xi32>
    %bitcast_convert_type3A_27 = tpu.bitcast %select_n3A_26 : vector<2048x64xi32> -> vector<2048x64xf32>
    %and3A_28 = arith.constant 4 : i32
    %and3A_29 = vector.broadcast %and3A_28 : i32 to vector<2048x1xi32>
    %and3A_30 = arith.andi %get3A_1, %and3A_29 : vector<2048x1xi32>
    %gt3A_31 = arith.constant 0 : i32
    %gt3A_32 = vector.broadcast %gt3A_31 : i32 to vector<2048x1xi32>
    %gt3A_33 = arith.cmpi sgt, %and3A_30, %gt3A_32 : vector<2048x1xi32>
    %and3A_34 = arith.constant 8 : i32
    %and3A_35 = vector.broadcast %and3A_34 : i32 to vector<2048x1xi32>
    %and3A_36 = arith.andi %get3A_1, %and3A_35 : vector<2048x1xi32>
    %gt3A_37 = arith.constant 0 : i32
    %gt3A_38 = vector.broadcast %gt3A_37 : i32 to vector<2048x1xi32>
    %gt3A_39 = arith.cmpi sgt, %and3A_36, %gt3A_38 : vector<2048x1xi32>
    %get3A_40 = arith.constant 0 : index
    %get3A_41 = arith.constant 64 : index
    %get3A_42 = vector.load %arg2[%get3A_40, %get3A_41] : memref<2048x128xf32, #tpu.memory_space<vmem>>, vector<2048x64xf32>
    %get3A_43 = arith.constant 0 : index
    %get3A_44 = arith.constant 0 : index
    %get3A_45 = vector.load %arg2[%get3A_43, %get3A_44] : memref<2048x128xf32, #tpu.memory_space<vmem>>, vector<2048x64xf32>
    %broadcast_in_dim3A_46 = vector.shape_cast %gt3A_33 : vector<2048x1xi1> to vector<2048x1xi1>
    %broadcast_in_dim3A_47 = vector.broadcast %broadcast_in_dim3A_46 : vector<2048x1xi1> to vector<2048x64xi1>
    %select_n3A_48 = arith.select %broadcast_in_dim3A_47, %get3A_42, %get3A_45 : vector<2048x64xi1>, vector<2048x64xf32>
    %bitcast_convert_type3A_49 = tpu.bitcast %select_n3A_48 : vector<2048x64xf32> -> vector<2048x64xi32>
    %shift_left3A_50 = arith.constant 16 : i32
    %shift_left3A_51 = vector.broadcast %shift_left3A_50 : i32 to vector<2048x64xi32>
    %shift_left3A_52 = arith.shli %bitcast_convert_type3A_49, %shift_left3A_51 : vector<2048x64xi32>
    %and3A_53 = arith.constant -65536 : i32
    %and3A_54 = vector.broadcast %and3A_53 : i32 to vector<2048x64xi32>
    %and3A_55 = arith.andi %bitcast_convert_type3A_49, %and3A_54 : vector<2048x64xi32>
    %broadcast_in_dim3A_56 = vector.shape_cast %gt3A_39 : vector<2048x1xi1> to vector<2048x1xi1>
    %broadcast_in_dim3A_57 = vector.broadcast %broadcast_in_dim3A_56 : vector<2048x1xi1> to vector<2048x64xi1>
    %select_n3A_58 = arith.select %broadcast_in_dim3A_57, %shift_left3A_52, %and3A_55 : vector<2048x64xi1>, vector<2048x64xi32>
    %bitcast_convert_type3A_59 = tpu.bitcast %select_n3A_58 : vector<2048x64xi32> -> vector<2048x64xf32>
    %and3A_60 = arith.constant 16 : i32
    %and3A_61 = vector.broadcast %and3A_60 : i32 to vector<2048x1xi32>
    %and3A_62 = arith.andi %get3A_1, %and3A_61 : vector<2048x1xi32>
    %gt3A_63 = arith.constant 0 : i32
    %gt3A_64 = vector.broadcast %gt3A_63 : i32 to vector<2048x1xi32>
    %gt3A_65 = arith.cmpi sgt, %and3A_62, %gt3A_64 : vector<2048x1xi32>
    %and3A_66 = arith.constant 32 : i32
    %and3A_67 = vector.broadcast %and3A_66 : i32 to vector<2048x1xi32>
    %and3A_68 = arith.andi %get3A_1, %and3A_67 : vector<2048x1xi32>
    %gt3A_69 = arith.constant 0 : i32
    %gt3A_70 = vector.broadcast %gt3A_69 : i32 to vector<2048x1xi32>
    %gt3A_71 = arith.cmpi sgt, %and3A_68, %gt3A_70 : vector<2048x1xi32>
    %get3A_72 = arith.constant 0 : index
    %get3A_73 = arith.constant 64 : index
    %get3A_74 = vector.load %arg3[%get3A_72, %get3A_73] : memref<2048x128xf32, #tpu.memory_space<vmem>>, vector<2048x64xf32>
    %get3A_75 = arith.constant 0 : index
    %get3A_76 = arith.constant 0 : index
    %get3A_77 = vector.load %arg3[%get3A_75, %get3A_76] : memref<2048x128xf32, #tpu.memory_space<vmem>>, vector<2048x64xf32>
    %broadcast_in_dim3A_78 = vector.shape_cast %gt3A_65 : vector<2048x1xi1> to vector<2048x1xi1>
    %broadcast_in_dim3A_79 = vector.broadcast %broadcast_in_dim3A_78 : vector<2048x1xi1> to vector<2048x64xi1>
    %select_n3A_80 = arith.select %broadcast_in_dim3A_79, %get3A_74, %get3A_77 : vector<2048x64xi1>, vector<2048x64xf32>
    %bitcast_convert_type3A_81 = tpu.bitcast %select_n3A_80 : vector<2048x64xf32> -> vector<2048x64xi32>
    %shift_left3A_82 = arith.constant 16 : i32
    %shift_left3A_83 = vector.broadcast %shift_left3A_82 : i32 to vector<2048x64xi32>
    %shift_left3A_84 = arith.shli %bitcast_convert_type3A_81, %shift_left3A_83 : vector<2048x64xi32>
    %and3A_85 = arith.constant -65536 : i32
    %and3A_86 = vector.broadcast %and3A_85 : i32 to vector<2048x64xi32>
    %and3A_87 = arith.andi %bitcast_convert_type3A_81, %and3A_86 : vector<2048x64xi32>
    %broadcast_in_dim3A_88 = vector.shape_cast %gt3A_71 : vector<2048x1xi1> to vector<2048x1xi1>
    %broadcast_in_dim3A_89 = vector.broadcast %broadcast_in_dim3A_88 : vector<2048x1xi1> to vector<2048x64xi1>
    %select_n3A_90 = arith.select %broadcast_in_dim3A_89, %shift_left3A_84, %and3A_87 : vector<2048x64xi1>, vector<2048x64xi32>
    %bitcast_convert_type3A_91 = tpu.bitcast %select_n3A_90 : vector<2048x64xi32> -> vector<2048x64xf32>
    %get3A_92 = arith.constant 0 : index
    %get3A_93 = arith.constant 0 : index
    %get3A_94 = vector.load %arg5[%get3A_92, %get3A_93] : memref<192x128xf32, #tpu.memory_space<vmem>>, vector<64x128xf32>
    %dot_general3A = arith.constant dense<0.000000e+00> : vector<2048x128xf32>
    %dot_general3A_95 = tpu.matmul %bitcast_convert_type3A_27, %get3A_94, %dot_general3A {dimension_numbers = #tpu.dot_dimension_numbers<[1], [0], [0], [1], [0, 0, 1, 1], [], []>, transpose_lhs_hint = false} : vector<2048x64xf32>, vector<64x128xf32>, vector<2048x128xf32> -> vector<2048x128xf32>
    %get3A_96 = arith.constant 64 : index
    %get3A_97 = arith.constant 0 : index
    %get3A_98 = vector.load %arg5[%get3A_96, %get3A_97] : memref<192x128xf32, #tpu.memory_space<vmem>>, vector<64x128xf32>
    %dot_general3A_99 = arith.constant dense<0.000000e+00> : vector<2048x128xf32>
    %dot_general3A_100 = tpu.matmul %bitcast_convert_type3A_59, %get3A_98, %dot_general3A_99 {dimension_numbers = #tpu.dot_dimension_numbers<[1], [0], [0], [1], [0, 0, 1, 1], [], []>, transpose_lhs_hint = false} : vector<2048x64xf32>, vector<64x128xf32>, vector<2048x128xf32> -> vector<2048x128xf32>
    %add3A = arith.addf %dot_general3A_95, %dot_general3A_100 : vector<2048x128xf32>
    %get3A_101 = arith.constant 128 : index
    %get3A_102 = arith.constant 0 : index
    %get3A_103 = vector.load %arg5[%get3A_101, %get3A_102] : memref<192x128xf32, #tpu.memory_space<vmem>>, vector<64x128xf32>
    %dot_general3A_104 = arith.constant dense<0.000000e+00> : vector<2048x128xf32>
    %dot_general3A_105 = tpu.matmul %bitcast_convert_type3A_91, %get3A_103, %dot_general3A_104 {dimension_numbers = #tpu.dot_dimension_numbers<[1], [0], [0], [1], [0, 0, 1, 1], [], []>, transpose_lhs_hint = false} : vector<2048x64xf32>, vector<64x128xf32>, vector<2048x128xf32> -> vector<2048x128xf32>
    %add3A_106 = arith.addf %add3A, %dot_general3A_105 : vector<2048x128xf32>
    %get3A_107 = arith.constant 0 : index
    %get3A_108 = arith.constant 0 : index
    %get3A_109 = vector.load %arg6[%get3A_107, %get3A_108] : memref<1x128xf32, #tpu.memory_space<vmem>>, vector<1x128xf32>
    %add3A_110 = vector.broadcast %get3A_109 : vector<1x128xf32> to vector<2048x128xf32>
    %add3A_111 = arith.addf %add3A_106, %add3A_110 : vector<2048x128xf32>
    %max3A = arith.constant 0.000000e+00 : f32
    %max3A_112 = vector.broadcast %max3A : f32 to vector<2048x128xf32>
    %max3A_113 = arith.maximumf %add3A_111, %max3A_112 : vector<2048x128xf32>
    %get3A_114 = arith.constant 0 : index
    %get3A_115 = arith.constant 0 : index
    %get3A_116 = vector.load %arg7[%get3A_114, %get3A_115] : memref<128x64xf32, #tpu.memory_space<vmem>>, vector<128x64xf32>
    %dot_general3A_117 = arith.constant dense<0.000000e+00> : vector<2048x64xf32>
    %dot_general3A_118 = tpu.matmul %max3A_113, %get3A_116, %dot_general3A_117 {dimension_numbers = #tpu.dot_dimension_numbers<[1], [0], [0], [1], [0, 0, 1, 1], [], []>, transpose_lhs_hint = false} : vector<2048x128xf32>, vector<128x64xf32>, vector<2048x64xf32> -> vector<2048x64xf32>
    %get3A_119 = arith.constant 0 : index
    %get3A_120 = arith.constant 0 : index
    %get3A_121 = vector.load %arg8[%get3A_119, %get3A_120] : memref<1x64xf32, #tpu.memory_space<vmem>>, vector<1x64xf32>
    %add3A_122 = vector.broadcast %get3A_121 : vector<1x64xf32> to vector<2048x64xf32>
    %add3A_123 = arith.addf %dot_general3A_118, %add3A_122 : vector<2048x64xf32>
    %max3A_124 = arith.constant 0.000000e+00 : f32
    %max3A_125 = vector.broadcast %max3A_124 : f32 to vector<2048x64xf32>
    %max3A_126 = arith.maximumf %add3A_123, %max3A_125 : vector<2048x64xf32>
    %get3A_127 = arith.constant 0 : index
    %get3A_128 = arith.constant 0 : index
    %get3A_129 = vector.load %arg9[%get3A_127, %get3A_128] : memref<64x1xf32, #tpu.memory_space<vmem>>, vector<64x1xf32>
    %dot_general3A_130 = arith.constant dense<0.000000e+00> : vector<2048x1xf32>
    %dot_general3A_131 = tpu.matmul %max3A_126, %get3A_129, %dot_general3A_130 {dimension_numbers = #tpu.dot_dimension_numbers<[1], [0], [0], [1], [0, 0, 1, 1], [], []>, transpose_lhs_hint = false} : vector<2048x64xf32>, vector<64x1xf32>, vector<2048x1xf32> -> vector<2048x1xf32>
    %get3A_132 = arith.constant 0 : index
    %get3A_133 = arith.constant 0 : index
    %get3A_134 = vector.load %arg10[%get3A_132, %get3A_133] : memref<1x1xf32, #tpu.memory_space<vmem>>, vector<1x1xf32>
    %add3A_135 = vector.broadcast %get3A_134 : vector<1x1xf32> to vector<2048x1xf32>
    %add3A_136 = arith.addf %dot_general3A_131, %add3A_135 : vector<2048x1xf32>
    %swap3A = arith.constant 0 : index
    %swap3A_137 = arith.constant 0 : index
    %swap3A_138 = vector.load %arg11[%swap3A, %swap3A_137] : memref<2048x1xf32, #tpu.memory_space<vmem>>, vector<2048x1xf32>
    tpu.vector_store %arg11[%swap3A, %swap3A_137], %add3A_136 {strides = array<i32>} : memref<2048x1xf32, #tpu.memory_space<vmem>>, vector<2048x1xf32>,
    return
  }
  func.func @transform_0(%arg0: i32) -> (i32, i32) {
    %c0_i32 = arith.constant 0 : i32
    %c0_i32_0 = arith.constant 0 : i32
    return %arg0, %c0_i32 : i32, i32
  }
  func.func @transform_1(%arg0: i32) -> (i32, i32) {
    %c0_i32 = arith.constant 0 : i32
    %c0_i32_0 = arith.constant 0 : i32
    return %arg0, %c0_i32 : i32, i32
  }
  func.func @transform_2(%arg0: i32) -> (i32, i32) {
    %c0_i32 = arith.constant 0 : i32
    %c0_i32_0 = arith.constant 0 : i32
    return %arg0, %c0_i32 : i32, i32
  }
  func.func @transform_3(%arg0: i32) -> (i32, i32) {
    %c0_i32 = arith.constant 0 : i32
    %c0_i32_0 = arith.constant 0 : i32
    return %arg0, %c0_i32 : i32, i32
  }
  func.func @transform_4(%arg0: i32) -> (i32, i32) {
    %c0_i32 = arith.constant 0 : i32
    %c0_i32_0 = arith.constant 0 : i32
    %c0_i32_1 = arith.constant 0 : i32
    return %c0_i32, %c0_i32_0 : i32, i32
  }
  func.func @transform_5(%arg0: i32) -> (i32, i32) {
    %c0_i32 = arith.constant 0 : i32
    %c0_i32_0 = arith.constant 0 : i32
    %c0_i32_1 = arith.constant 0 : i32
    return %c0_i32, %c0_i32_0 : i32, i32
  }
  func.func @transform_6(%arg0: i32) -> (i32, i32) {
    %c0_i32 = arith.constant 0 : i32
    %c0_i32_0 = arith.constant 0 : i32
    %c0_i32_1 = arith.constant 0 : i32
    return %c0_i32, %c0_i32_0 : i32, i32
  }
  func.func @transform_7(%arg0: i32) -> (i32, i32) {
    %c0_i32 = arith.constant 0 : i32
    %c0_i32_0 = arith.constant 0 : i32
    %c0_i32_1 = arith.constant 0 : i32
    return %c0_i32, %c0_i32_0 : i32, i32
  }
  func.func @transform_8(%arg0: i32) -> (i32, i32) {
    %c0_i32 = arith.constant 0 : i32
    %c0_i32_0 = arith.constant 0 : i32
    %c0_i32_1 = arith.constant 0 : i32
    return %c0_i32, %c0_i32_0 : i32, i32
  }
  func.func @transform_9(%arg0: i32) -> (i32, i32) {
    %c0_i32 = arith.constant 0 : i32
    %c0_i32_0 = arith.constant 0 : i32
    %c0_i32_1 = arith.constant 0 : i32
    return %c0_i32, %c0_i32_0 : i32, i32
  }
  func.func @transform_10(%arg0: i32) -> (i32, i32) {
    %c0_i32 = arith.constant 0 : i32
    %c0_i32_0 = arith.constant 0 : i32
    return %arg0, %c0_i32 : i32, i32
  }
}

</mosaic_0001>

<sc_bundles>
// kernel: kernel.7.cloned.1.call-start
scs
__scs_entry_jumppad:
0x0: {  	(pc) =	sbr.rel $0x88, $3  }
0x1: {  	(tag) =	ssettag $0x0;
	lr =	simm.s32 $0x1  }
0x2: {  	[smem:$0x3F95] =	sst lr;
	_ =	strace $0xD0000000  }
0x3: {  	_ = 	snop  }
0x4: {  	_ = 	snop  }
0x5: {  	_ = 	snop  }
0x6: {  	_ = 	snop  }
0x7: {  	_ = 	snop  }
__scs_overlays_trampoline_lowered:
0x8: {  	[smem:$0x3FA4] =	sst s0  }
0x9: {  	[smem:$0x3FA5] =	sst s1  }
0xa: {  	[smem:$0x3FA6] =	sst s2  }
0xb: {  	[smem:$0x3FA7] =	sst s3  }
0xc: {  	[smem:$0x3FA8] =	sst s4  }
0xd: {  	[smem:$0x3FA9] =	sst s5  }
0xe: {  	[smem:$0x3FAA] =	sst s6  }
0xf: {  	[smem:$0x3FAB] =	sst s7  }
0x10: {  	[smem:$0x3FAC] =	sst s8  }
0x11: {  	[smem:$0x3FAD] =	sst s9;
	s0 =	simm.s32 @!p0 $0x0  }
0x12: {  	s1 =	sld [smem:$0x3F93];
	s0 =	simm.s32 @p0 $0x1  }
0x13: {  	[smem:$0x3FAE] =	sst s0;
	s0 =	simm.s32 @!p1 $0x0  }
0x14: {  	s2 =	sld [smem:$0x3F92];
	s0 =	simm.s32 @p1 $0x1  }
0x15: {  	[smem:$0x3FAF] =	sst s0;
	s0 =	simm.s32 @!p2 $0x0  }
0x16: {  	s3 =	sld [smem:$0x3FDB];
	s0 =	simm.s32 @p2 $0x1  }
0x17: {  	s4 =	simm.s32 $0x1BF5;
	[smem:$0x3FB1] =	sst s0  }
0x18: {  	s0 =	sld [smem:$0x3F94];
	_ =	swait.ge [sflag:s4], $0x0  }
0x19: {  	s7 =	sld [smem:$0x3F95]  }
0x1a: {  	s8 =	sadd.s32 $0xFFFFE003, lr  }
0x1b: {  	s9 =	sadd.s32 $0xFFFFFEF7, lr;
	s5 =	simm.s32 $0xFFFFFFFF;
	p2 =	slt.u32 s8, $0xFFFFF086  }
0x1c: {  	p1 =	slt.u32 s9, $0xF7A;
	s5 =	simm.s32 @!p2 $0x0  }
0x1d: {  	s5 =	simm.s32 @p1 $0x1;
	p0 =	seq.s32 s7, s2  }
0x1e: {  	s7 =	smul.u32 @!p0 $0xF7A, s2;
	p2 =	seq.s32 @!p0 s5, $0x0  }
0x1f: {  	s9 =	smul.u32 $0xF7A, s1;
	s8 =	simm.s32 @!p0 $0x1BF5;
	p2 =	por !p2, p0  }
0x20: {  	[sflag:s8] =	ssyncset.s32 @!p0 $0xFFFFF086;
	s6 =	sadd.s32 @!p0 s3, s7;
	s7 =	simm.s32 @!p0 $0x108  }
0x21: {  	s3 =	sadd.s32 s3, s9;
	s6 =	sadd.s32 @!p0 $0x88, s6;
	s7 =	simm.s32 @p2 $0x1082  }
0x22: {  	[simem:s7], [sflag:s8] =	dma.local @!p0 [hbm:s6], $0xF7A  }
0x23: {  	s9 =	sor.u32 $0xD0000000, s2;
	s6 =	simm.s32 $0x108;
	_ =	swait.ge @!p0 [sflag:s8], $0x0  }
0x24: {  	s3 =	sadd.s32 $0x88, s3;
	s6 =	simm.s32 @!p1 $0x1082;
	[sflag:s4] =	ssyncset.s32 $0xFFFFF086  }
0x25: {  	[simem:s6], [sflag:s4] =	dma.local [hbm:s3], $0xF7A  }
0x26: {  	[smem:$0x3F95] =	sst s1;
	(tag) =	ssettag s2;
	_ =	strace s9  }
0x27: {  	s1 =	sld [smem:$0x3FA5]  }
0x28: {  	s2 =	sld [smem:$0x3FA6]  }
0x29: {  	s4 =	sld [smem:$0x3FA8]  }
0x2a: {  	p0 =	seq.s32 s5, $0x0;
	s5 =	sld [smem:$0x3FA9]  }
0x2b: {  	s6 =	sld [smem:$0x3FAA]  }
0x2c: {  	s7 =	sld [smem:$0x3FAB]  }
0x2d: {  	s3 =	simm.s32 $0x108;
	s8 =	sld [smem:$0x3FAC]  }
0x2e: {  	s3 =	simm.s32 @!p0 $0x1082;
	s9 =	sld [smem:$0x3FAD]  }
0x2f: {  	lr =	sadd.s32 s0, s3;
	s0 =	sld [smem:$0x3FA4]  }
0x30: {  	s3 =	sld [smem:$0x3FA7]  }
0x31: {  	[smem:$0x3FB0] =	sst s10  }
0x32: {  	s10 =	sld [smem:$0x3FAE];
	_ =	sdelay $0x3  }
0x33: {  	p0 =	seq.s32 s10, $0x1;
	s10 =	sld [smem:$0x3FB0];
	_ =	sdelay $0x3  }
0x34: {  	[smem:$0x3FB0] =	sst s10  }
0x35: {  	s10 =	sld [smem:$0x3FAF];
	_ =	sdelay $0x3  }
0x36: {  	p1 =	seq.s32 s10, $0x1;
	s10 =	sld [smem:$0x3FB0];
	_ =	sdelay $0x3  }
0x37: {  	[smem:$0x3FB0] =	sst s10  }
0x38: {  	s10 =	sld [smem:$0x3FB1]  }
0x39: {  	_ = 	snop;
	(pc) =	sbr.ind lr, $3  }
0x3a: {  	_ = 	snop  }
0x3b: {  	_ = 	snop  }
0x3c: {  	p2 =	seq.s32 s10, $0x1;
	s10 =	sld [smem:$0x3FB0]  }
0x3d: {  	_ =	shalt  }
0x3e: {  	_ =	shalt  }
0x3f: {  	_ =	shalt  }
0x40: {  	_ =	shalt  }
0x41: {  	_ =	shalt  }
0x42: {  	_ =	shalt  }
0x43: {  	_ =	shalt  }
0x44: {  	_ =	shalt  }
0x45: {  	_ =	shalt  }
0x46: {  	_ =	shalt  }
0x47: {  	_ =	shalt  }
0x48: {  	_ =	shalt  }
0x49: {  	_ =	shalt  }
0x4a: {  	_ =	shalt  }
0x4b: {  	_ =	shalt  }
0x4c: {  	_ =	shalt  }
0x4d: {  	_ =	shalt  }
0x4e: {  	_ =	shalt  }
0x4f: {  	_ =	shalt  }
0x50: {  	_ =	shalt  }
0x51: {  	_ =	shalt  }
0x52: {  	_ =	shalt  }
0x53: {  	_ =	shalt  }
0x54: {  	_ =	shalt  }
0x55: {  	_ =	shalt  }
0x56: {  	_ =	shalt  }
0x57: {  	_ =	shalt  }
0x58: {  	_ =	shalt  }
0x59: {  	_ =	shalt  }
0x5a: {  	_ =	shalt  }
0x5b: {  	_ =	shalt  }
0x5c: {  	_ =	shalt  }
0x5d: {  	_ =	shalt  }
0x5e: {  	_ =	shalt  }
0x5f: {  	_ =	shalt  }
0x60: {  	_ =	shalt  }
0x61: {  	_ =	shalt  }
0x62: {  	_ =	shalt  }
0x63: {  	_ =	shalt  }
0x64: {  	_ =	shalt  }
0x65: {  	_ =	shalt  }
0x66: {  	_ =	shalt  }
0x67: {  	_ =	shalt  }
0x68: {  	_ =	shalt  }
0x69: {  	_ =	shalt  }
0x6a: {  	_ =	shalt  }
0x6b: {  	_ =	shalt  }
0x6c: {  	_ =	shalt  }
0x6d: {  	_ =	shalt  }
0x6e: {  	_ =	shalt  }
0x6f: {  	_ =	shalt  }
0x70: {  	_ =	shalt  }
0x71: {  	_ =	shalt  }
0x72: {  	_ =	shalt  }
0x73: {  	_ =	shalt  }
0x74: {  	_ =	shalt  }
0x75: {  	_ =	shalt  }
0x76: {  	_ =	shalt  }
0x77: {  	_ =	shalt  }
0x78: {  	_ =	shalt  }
0x79: {  	_ =	shalt  }
0x7a: {  	_ =	shalt  }
0x7b: {  	_ =	shalt  }
0x7c: {  	_ =	shalt  }
0x7d: {  	_ =	shalt  }
0x7e: {  	_ =	shalt  }
0x7f: {  	_ =	shalt  }
0x80: {  	_ =	shalt  }
0x81: {  	_ =	shalt  }
0x82: {  	_ =	shalt  }
0x83: {  	_ =	shalt  }
0x84: {  	_ =	shalt  }
0x85: {  	_ =	shalt  }
0x86: {  	_ =	shalt  }
0x87: {  	_ =	shalt  }
.Lfunc_end0:
.L_simem_size_0:
called_computation_lowered:
.L_overlay_start_0:
0x88: {  	s2 =	sld [smem:$0x3FD9]  }
0x89: {  	s3 =	sld [smem:$0x3FFE];
	_ =	sdelay $0x1  }
0x8a: {  	s1 =	srdreg.scid  }
0x8b: {  	s0 =	sand.u32 $0x1, s1  }
0x8c: {  	s17 =	sshll.u32 s0, $0xA;
	s2 =	sadd.s32 s3, s2  }
0x8d: {  	s2 =	sadd.s32 s2, s17  }
0x8e: {  	[smem:$0x3FBC] =	sst s2  }
0x8f: {  	_ = 	snop  }
0x90: {  	s2 =	sld [smem:$0x3FC9]  }
0x91: {  	s18 =	sld [smem:$0x3FC8]  }
0x92: {  	s4 =	sld [smem:$0x3FC7];
	(tm) =	ssettm $0x1  }
0x93: {  	s5 =	sld [smem:$0x3FFB];
	_ =	sdelay $0x3  }
0x94: {  	_ =	strace s5  }
0x95: {  	s5 =	sld [smem:$0x3FFC];
	_ =	sdelay $0x3  }
0x96: {  	_ =	strace s5  }
0x97: {  	s5 =	sld [smem:$0x3FFD];
	_ =	sdelay $0x3  }
0x98: {  	_ =	strace s5  }
0x99: {  	_ =	strace $0x8FFFFFFF  }
0x9a: {  	s19 =	sld [smem:$0x3FDB];
	_ =	sdelay $0x1  }
0x9b: {  	s6 =	simm.s32 $_scs_section_size  }
0x9c: {  	s7 =	simm.s32 $_size__tile_overlayer_lowered;
	s8 =	simm.s32 $_tile_overlayer_lowered  }
0x9d: {  	s22 =	simm.s32 $0x1BFF;
	s21 =	sshll.u32 s8, $0x1;
	s5 =	sadd.s32 s6, s19  }
0x9e: {  	s9 =	simm.s32 $0x0;
	s20 =	sshll.u32 s7, $0x1;
	s7 =	sadd.s32 s21, s5  }
0x9f: {  	[timem:s9], [sflag:s22] =	dma.local [hbm:s7], s20  }
0xa0: {  	_ =	swait.ge [sflag:s22], s20  }
0xa1: {  	s6 =	ssub.s32 $0x0, s20;
	[sflag:s22] =	ssyncset.done $0x0  }
0xa2: {  	[sflag:s22] =	ssyncadd.s32 s6;
	_ =	sdelay $0x1  }
0xa3: {  	s23 =	simm.s32 $0x1B8B  }
0xa4: {  	_ =	swait.ge [sflag:s23], $0x1  }
0xa5: {  	[sflag:s23] =	ssyncset.done $0x0  }
0xa6: {  	s25 =	simm.s32 $0x1B8E;
	s24 =	sld [smem:$0x3FFE];
	[sflag:s23] =	ssyncadd.s32 $0xFFFFFFFF  }
0xa7: {  	s26 =	simm.s32 $execute0_lowered;
	[smem:$0x3FD2] =	sst s25  }
0xa8: {  	s7 =	sshll.u32 s26, $0x1;
	_ =	strace $0x80000046;
	[dreg:$0x1] =	wrdreg $0xFFFFFFFF  }
0xa9: {  	s28 =	simm.s32 $_size_execute0_lowered;
	s5 =	sadd.s32 s5, s7;
	[dreg:$0x0] =	wrdreg $0x0  }
0xaa: {  	s7 =	sshll.u32 s28, $0x1;
	[dreg:$0x2] =	wrdreg s5  }
0xab: {  	[dreg:$0x3] =	wrdreg s7  }
0xac: {  	[dreg:$0x4] =	wrdreg $0xC0  }
0xad: {  	_ =	task [dreg:s9], $0x5FFFF  }
0xae: {  	[dreg:$0x1] =	wrdreg $0xFFFFFFFF  }
0xaf: {  	[dreg:$0x0] =	wrdreg $0x60  }
0xb0: {  	[dreg:$0x2] =	wrdreg s2  }
0xb1: {  	[dreg:$0x3] =	wrdreg s18  }
0xb2: {  	[dreg:$0x4] =	wrdreg s4  }
0xb3: {  	[dreg:$0x5] =	wrdreg s24  }
0xb4: {  	[dreg:$0x6] =	wrdreg $0x9  }
0xb5: {  	_ =	task.clear_ibuf [dreg:s9], $0x7FFFF;
	_ =	strace $0x90000046  }
0xb6: {  	s29 =	simm.s32 $0x9;
	_ =	strace $0x80000048  }
0xb7: {  	_ =	swait.ge [sflag:s29], $0x1  }
0xb8: {  	[sflag:s29] =	ssyncadd.s32 $0xFFFFFFFF  }
0xb9: {  	_ =	strace $0x90000048  }
0xba: {  	_ =	sfence  }
0xbb: {  	s30 =	sld [smem:$0x0];
	_ =	sdelay $0x2  }
0xbc: {  	s31 =	sshll.u32 s1, $0xD;
	s1 =	sshrl.u32 s1, $0x2  }
0xbd: {  	s3 =	sand.u32 $0x4000, s31;
	s1 =	sadd.s32 s1, s30  }
0xbe: {  	s0 =	sor.u32 s3, s0;
	s1 =	sshll.u32 s1, $0x11  }
0xbf: {  	s0 =	sor.u32 s1, s0  }
0xc0: {  	s0 =	sadd.s32 $0x8F2B, s0  }
0xc1: {  	[sflag:s0] =	ssyncadd.remote.s32 $0x1  }
0xc2: {  	_ =	sfence.sel $0xFFFF  }
0xc3: {  	[dreg:$0x0] =	wrdreg $0xFFFFFFFF;
	(pc) =	sbr.abs _section_cstart, $3  }
0xc4: {  	[dreg:$0x1] =	wrdreg $0xFFFFFFFF  }
0xc5: {  	_ =	task.clear_ibuf [dreg:s9], $0x2FFFF;
	_ =	strace $0x9FFFFFFF  }
0xc6: {  	(tm) =	ssettm $0x7FFFFFFF  }
0xc7: {  	_ =	shalt  }
tec
execute0_lowered:
.L_overlay_start_1:
0x0: {  	(tag) =	ssettag $0x1  }
0x1: {  	s6 =	rddreg [dreg:$0x0]  }
0x2: {  	s7 =	rddreg [dreg:$0x1]  }
0x3: {  	s9 =	rddreg [dreg:$0x2]  }
0x4: {  	s8 =	rddreg [dreg:$0x3]  }
0x5: {  	s0 =	rddreg [dreg:$0x4];
	s1 =	simm.s32 $0x0  }
0x6: {  	s4 =	srdreg.scid;
	s2 =	stileid.u32;
	s15 =	simm.s32 $0x400  }
0x7: {  	s16 =	simm.s32 $0x80;
	s17 =	simm.s32 $0x600;
	s18 =	simm.s32 $0x4600  }
0x8: {  	s19 =	simm.s32 $0x100;
	s20 =	simm.s32 $0x8600;
	s21 =	simm.s32 $0x180  }
0x9: {  	s22 =	simm.s32 $0xC600;
	s23 =	simm.s32 $0x1;
	s24 =	simm.s32 $0x280  }
0xa: {  	s25 =	simm.s32 $0x300;
	s26 =	simm.s32 $0x380;
	s28 =	simm.s32 $0x480  }
0xb: {  	s29 =	simm.s32 $0x500;
	s30 =	simm.s32 $0x580;
	[smem:$0x7FF] =	sst s1  }
0xc: {  	s3 =	sadd.s32 $0x1C00, s8;
	s10 =	sand.u32 $0x1, s4;
	s4 =	sadd.s32 $0x3E1C00, s8  }
0xd: {  	s11 =	sshll.u32 s2, $0xE;
	s5 =	sadd.s32 $0x451C00, s8;
	s14 =	sshll.u32 s2, $0x7  }
0xe: {  	_ =	strace $0x80000047;
	s12 =	sshll.u32 s10, $0xD;
	s31 =	ssub.s32 $0x2, s10  }
0xf: {  	s10 =	sshll.u32 s10, $0x6;
	s11 =	sor.u32 s12, s11;
	s13 =	sshrl.u32 s31, $0x1  }
0x10: {  	s10 =	sor.u32 s10, s14;
	s14 =	simm.s32 $0x200;
	s11 =	sadd.s32 s11, s8  }
0x11: {  	s12 =	ssub.s32 s31, s13;
	s6 =	sadd.s32 s6, s10;
	s7 =	sadd.s32 s7, s10  }
0x12: {  	s9 =	sadd.s32 s9, s10;
	s13 =	simm.s32 $0x2;
	s8 =	sadd.s32 $0x455C00, s11  }
0x13: {  	s10 =	sadd.s32 $0x495C00, s11;
	s11 =	sadd.s32 $0x4D5C00, s11;
	s12 =	smax.u32 s12, $0x1  }
.LBB2_1:
0x14: {  	[tilespmem:s1], [sflag:$0x2] =	stream.linear.gather [hbm4b:s6+s1], $0x200, $0x38;
	[tilespmem:$0x10600] =	vst v63  }
0x15: {  	_ =	swait.ge [sflag:s13], $0x200  }
0x16: {  	[sflag:s13] =	ssyncset.done $0x0  }
0x17: {  	[sflag:s13] =	ssyncadd.s32 $0xFFFFFE00  }
0x18: {  	[tilespmem:s14], [sflag:$0x2] =	stream.linear.gather [hbm4b:s7+s1], $0x200, $0x38;
	[tilespmem:$0x10600] =	vst v63  }
0x19: {  	_ =	swait.ge [sflag:s13], $0x200  }
0x1a: {  	[sflag:s13] =	ssyncset.done $0x0  }
0x1b: {  	[sflag:s13] =	ssyncadd.s32 $0xFFFFFE00  }
0x1c: {  	[tilespmem:s15], [sflag:$0x2] =	stream.linear.gather [hbm4b:s9+s1], $0x200, $0x38;
	[tilespmem:$0x10600] =	vst v63  }
0x1d: {  	_ =	swait.ge [sflag:s13], $0x200  }
0x1e: {  	[sflag:s13] =	ssyncset.done $0x0  }
0x1f: {  	[sflag:s13] =	ssyncadd.s32 $0xFFFFFE00  }
0x20: {  	v0 =	vld [tilespmem:$0x0]  }
0x21: {  	v1 =	vld [tilespmem:$0x10]  }
0x22: {  	v2 =	vld [tilespmem:$0x20]  }
0x23: {  	v3 =	vld [tilespmem:$0x30]  }
0x24: {  	v6 =	vld [tilespmem:$0x40]  }
0x25: {  	v7 =	vld [tilespmem:$0x50]  }
0x26: {  	v29 =	vld [tilespmem:$0x60]  }
0x27: {  	v9 =	vld [tilespmem:$0x70]  }
0x28: {  	v32 =	vld [tilespmem:$0x80]  }
0x29: {  	v11 =	vld [tilespmem:$0x90]  }
0x2a: {  	v13 =	vld [tilespmem:$0xA0]  }
0x2b: {  	v14 =	vld [tilespmem:$0xB0]  }
0x2c: {  	v36 =	vld [tilespmem:$0xC0]  }
0x2d: {  	v15 =	vld [tilespmem:$0xD0]  }
0x2e: {  	v40 =	vld [tilespmem:$0xE0]  }
0x2f: {  	v17 =	vld [tilespmem:$0xF0]  }
0x30: {  	v19 =	vld [tilespmem:$0x100];
	v4 =	vand.u32 $0x7FF, v0;
	v0 =	vshrl.u32 v0, $0x2  }
0x31: {  	v20 =	vld [tilespmem:$0x110];
	v5 =	vshrl.u32 v1, $0x2;
	v1 =	vand.u32 $0x7FF, v1;
	v30 =	vand.u32 $0x7FF, v2  }
0x32: {  	v44 =	vld [tilespmem:$0x120];
	v2 =	vshrl.u32 v2, $0x2;
	v8 =	vshrl.u32 v3, $0x2;
	v3 =	vand.u32 $0x7FF, v3  }
0x33: {  	v21 =	vld [tilespmem:$0x130];
	v31 =	vshrl.u32 v6, $0x2;
	v6 =	vand.u32 $0x7FF, v6;
	v10 =	vshrl.u32 v7, $0x2  }
0x34: {  	v48 =	vld [tilespmem:$0x140];
	v33 =	vand.u32 $0x7FF, v7;
	v35 =	vand.u32 $0x7FF, v29;
	v12 =	vshrl.u32 v9, $0x2  }
0x35: {  	v23 =	vld [tilespmem:$0x150];
	v9 =	vand.u32 $0x7FF, v9;
	v37 =	vand.u32 $0x7FF, v32;
	v38 =	vshrl.u32 v11, $0x2  }
0x36: {  	v25 =	vld [tilespmem:$0x160];
	v11 =	vand.u32 $0x7FF, v11;
	v39 =	vshrl.u32 v13, $0x2;
	v13 =	vand.u32 $0x7FF, v13  }
0x37: {  	v26 =	vld [tilespmem:$0x170];
	v16 =	vshrl.u32 v14, $0x2;
	v41 =	vand.u32 $0x7FF, v14;
	v43 =	vand.u32 $0x7FF, v36  }
0x38: {  	v52 =	vld [tilespmem:$0x180];
	v18 =	vshrl.u32 v15, $0x2;
	v15 =	vand.u32 $0x7FF, v15;
	v45 =	vand.u32 $0x7FF, v40  }
0x39: {  	v56 =	vld [tilespmem:$0x1A0];
	v46 =	vshrl.u32 v17, $0x2;
	v17 =	vand.u32 $0x7FF, v17;
	v47 =	vshrl.u32 v19, $0x2  }
0x3a: {  	v60 =	vld [tilespmem:$0x1E0];
	v19 =	vand.u32 $0x7FF, v19;
	v22 =	vshrl.u32 v20, $0x2;
	v49 =	vand.u32 $0x7FF, v20  }
0x3b: {  	v51 =	vand.u32 $0x7FF, v44;
	v24 =	vshrl.u32 v21, $0x2;
	v21 =	vand.u32 $0x7FF, v21  }
0x3c: {  	v53 =	vand.u32 $0x7FF, v48;
	v54 =	vshrl.u32 v23, $0x2;
	v23 =	vand.u32 $0x7FF, v23  }
0x3d: {  	v55 =	vshrl.u32 v25, $0x2;
	v25 =	vand.u32 $0x7FF, v25;
	v28 =	vshrl.u32 v26, $0x2  }
0x3e: {  	v57 =	vand.u32 $0x7FF, v26;
	v59 =	vand.u32 $0x7FF, v52;
	v61 =	vand.u32 $0x7FF, v56  }
0x3f: {  	v26 =	vshrl.u32 v60, $0x2;
	v0 =	vand.u32 $0x3FFFF800, v0;
	v5 =	vand.u32 $0x3FFFF800, v5  }
0x40: {  	v2 =	vand.u32 $0x3FFFF800, v2;
	v8 =	vand.u32 $0x3FFFF800, v8;
	v34 =	vand.u32 $0x3FFFF800, v10  }
0x41: {  	v12 =	vand.u32 $0x3FFFF800, v12;
	v42 =	vand.u32 $0x3FFFF800, v16;
	v18 =	vand.u32 $0x3FFFF800, v18  }
0x42: {  	v50 =	vand.u32 $0x3FFFF800, v22;
	v24 =	vand.u32 $0x3FFFF800, v24;
	v58 =	vand.u32 $0x3FFFF800, v28  }
0x43: {  	v27 =	vld [tilespmem:$0x190];
	v0 =	vor.u32 v4, v0;
	v1 =	vor.u32 v1, v5;
	v2 =	vor.u32 v30, v2  }
0x44: {  	v63 =	vld [tilespmem:$0x1F0];
	v3 =	vor.u32 v3, v8;
	v5 =	vand.u32 $0x3FFFF800, v31;
	v4 =	vshrl.u32 v29, $0x2  }
0x45: {  	v7 =	vor.u32 v9, v12;
	v8 =	vshrl.u32 v32, $0x2;
	v12 =	vand.u32 $0x3FFFF800, v38  }
0x46: {  	v9 =	vshrl.u32 v36, $0x2;
	v14 =	vor.u32 v15, v18;
	v18 =	vand.u32 $0x3FFFF800, v46  }
0x47: {  	v15 =	vshrl.u32 v44, $0x2;
	v20 =	vor.u32 v21, v24;
	v24 =	vand.u32 $0x3FFFF800, v54  }
0x48: {  	v21 =	vshrl.u32 v52, $0x2;
	v30 =	vshrl.u32 v27, $0x2;
	v27 =	vand.u32 $0x7FF, v27  }
0x49: {  	v46 =	vand.u32 $0x7FF, v63;
	v5 =	vor.u32 v6, v5;
	v4 =	vand.u32 $0x3FFFF800, v4  }
0x4a: {  	v6 =	vor.u32 v33, v34;
	v8 =	vand.u32 $0x3FFFF800, v8;
	v10 =	vor.u32 v11, v12  }
0x4b: {  	v11 =	vand.u32 $0x3FFFF800, v39;
	v9 =	vand.u32 $0x3FFFF800, v9;
	v12 =	vshrl.u32 v40, $0x2  }
0x4c: {  	v16 =	vor.u32 v17, v18;
	v17 =	vand.u32 $0x3FFFF800, v47;
	v15 =	vand.u32 $0x3FFFF800, v15  }
0x4d: {  	v18 =	vshrl.u32 v48, $0x2;
	v22 =	vor.u32 v23, v24;
	v23 =	vand.u32 $0x3FFFF800, v55  }
0x4e: {  	v21 =	vand.u32 $0x3FFFF800, v21;
	v30 =	vand.u32 $0x3FFFF800, v30;
	[tilespmem:$0x0] =	vst v0;
	v0 =	vor.u32 v57, v58  }
0x4f: {  	v29 =	vld [tilespmem:$0x1B0];
	v24 =	vshrl.u32 v56, $0x2;
	v4 =	vor.u32 v35, v4;
	v8 =	vor.u32 v37, v8  }
0x50: {  	v31 =	vld [tilespmem:$0x1C0];
	v11 =	vor.u32 v13, v11;
	v13 =	vor.u32 v41, v42;
	v9 =	vor.u32 v43, v9  }
0x51: {  	v32 =	vld [tilespmem:$0x1D0];
	v12 =	vand.u32 $0x3FFFF800, v12;
	v17 =	vor.u32 v19, v17;
	v19 =	vor.u32 v49, v50  }
0x52: {  	v36 =	vld [tilespmem:$0x200];
	v15 =	vor.u32 v51, v15;
	v18 =	vand.u32 $0x3FFFF800, v18;
	v23 =	vor.u32 v25, v23  }
0x53: {  	v44 =	vld [tilespmem:$0x220];
	[tilespmem:$0x10] =	vst v1;
	v21 =	vor.u32 v59, v21;
	v25 =	vor.u32 v27, v30;
	v33 =	vand.u32 $0x3FFFF800, v24  }
0x54: {  	v52 =	vld [tilespmem:$0x250];
	[tilespmem:$0x20] =	vst v2;
	v42 =	vand.u32 $0x7FF, v60;
	v43 =	vshrl.u32 v63, $0x2;
	v12 =	vor.u32 v45, v12  }
0x55: {  	[tilespmem:$0x30] =	vst v3;
	v39 =	vld [tilespmem:$0x210];
	v18 =	vor.u32 v53, v18;
	v1 =	vor.u32 v61, v33;
	v45 =	vand.u32 $0x3FFFF800, v26  }
0x56: {  	v47 =	vld [tilespmem:$0x230];
	[tilespmem:$0x60] =	vst v4;
	v4 =	vor.u32 v42, v45;
	v62 =	vshrl.u32 v29, $0x2;
	v34 =	vand.u32 $0x7FF, v29  }
0x57: {  	[tilespmem:$0x70] =	vst v7;
	v48 =	vld [tilespmem:$0x240];
	v35 =	vshrl.u32 v31, $0x2;
	v37 =	vand.u32 $0x7FF, v31;
	v38 =	vshrl.u32 v32, $0x2  }
0x58: {  	v55 =	vld [tilespmem:$0x260];
	[tilespmem:$0xD0] =	vst v14;
	v40 =	vand.u32 $0x7FF, v32;
	v49 =	vand.u32 $0x7FF, v36;
	v50 =	vshrl.u32 v36, $0x2  }
0x59: {  	v58 =	vld [tilespmem:$0x270];
	[tilespmem:$0x130] =	vst v20;
	v54 =	vshrl.u32 v44, $0x2;
	v56 =	vand.u32 $0x7FF, v44;
	v31 =	vand.u32 $0x7FF, v52  }
0x5a: {  	[tilespmem:$0x40] =	vst v5;
	v27 =	vand.u32 $0x3FFFF800, v62;
	v3 =	vand.u32 $0x3FFFF800, v35;
	v41 =	vand.u32 $0x3FFFF800, v38  }
0x5b: {  	[tilespmem:$0x90] =	vst v10;
	v51 =	vshrl.u32 v39, $0x2;
	v10 =	vand.u32 $0x3FFFF800, v50;
	v53 =	vand.u32 $0x7FF, v39  }
0x5c: {  	[tilespmem:$0xA0] =	vst v11;
	v11 =	vand.u32 $0x3FFFF800, v54;
	v57 =	vshrl.u32 v47, $0x2;
	v59 =	vand.u32 $0x7FF, v47  }
0x5d: {  	[tilespmem:$0x50] =	vst v6;
	v61 =	vand.u32 $0x7FF, v48;
	v7 =	vshrl.u32 v48, $0x2;
	v62 =	vshrl.u32 v52, $0x2  }
0x5e: {  	v63 =	vld [tilespmem:$0x280];
	[tilespmem:$0xB0] =	vst v13;
	v13 =	vshrl.u32 v55, $0x2;
	v35 =	vshrl.u32 v58, $0x2;
	v2 =	vor.u32 v34, v27  }
0x5f: {  	[tilespmem:$0x80] =	vst v8;
	v3 =	vor.u32 v37, v3;
	v27 =	vand.u32 $0x3FFFF800, v43;
	v5 =	vor.u32 v40, v41  }
0x60: {  	[tilespmem:$0xC0] =	vst v9;
	v24 =	vand.u32 $0x3FFFF800, v51;
	v8 =	vor.u32 v49, v10;
	v9 =	vor.u32 v56, v11  }
0x61: {  	[tilespmem:$0xF0] =	vst v16;
	v33 =	vld [tilespmem:$0x2A0];
	v60 =	vand.u32 $0x3FFFF800, v57;
	v7 =	vand.u32 $0x3FFFF800, v7;
	v34 =	vand.u32 $0x7FF, v55  }
0x62: {  	[tilespmem:$0x100] =	vst v17;
	v42 =	vld [tilespmem:$0x2D0];
	v13 =	vand.u32 $0x3FFFF800, v13;
	v37 =	vand.u32 $0x7FF, v58;
	v17 =	vand.u32 $0x3FFFF800, v35  }
0x63: {  	[tilespmem:$0x150] =	vst v22;
	v32 =	vld [tilespmem:$0x290];
	v38 =	vshrl.u32 v63, $0x2;
	v40 =	vand.u32 $0x7FF, v63;
	v6 =	vor.u32 v46, v27  }
0x64: {  	[tilespmem:$0x170] =	vst v0;
	v36 =	vld [tilespmem:$0x2B0];
	v10 =	vor.u32 v53, v24;
	v24 =	vand.u32 $0x3FFFF800, v62;
	v11 =	vor.u32 v59, v60  }
0x65: {  	v30 =	vld [tilespmem:$0x350];
	[tilespmem:$0x120] =	vst v15;
	v7 =	vor.u32 v61, v7;
	v13 =	vor.u32 v34, v13;
	v15 =	vor.u32 v37, v17  }
0x66: {  	[tilespmem:$0x110] =	vst v19;
	v39 =	vld [tilespmem:$0x2C0];
	v16 =	vand.u32 $0x3FFFF800, v38;
	v44 =	vand.u32 $0x7FF, v33;
	v14 =	vshrl.u32 v33, $0x2  }
0x67: {  	[tilespmem:$0xE0] =	vst v12;
	v50 =	vld [tilespmem:$0x2F0];
	v12 =	vor.u32 v31, v24;
	v16 =	vor.u32 v40, v16;
	v47 =	vand.u32 $0x3FFFF800, v14  }
0x68: {  	[tilespmem:$0x160] =	vst v23;
	v54 =	vld [tilespmem:$0x310];
	v53 =	vshrl.u32 v42, $0x2;
	v56 =	vand.u32 $0x7FF, v42;
	v41 =	vshrl.u32 v32, $0x2  }
0x69: {  	[tilespmem:$0x180] =	vst v21;
	v43 =	vand.u32 $0x7FF, v32;
	v45 =	vshrl.u32 v36, $0x2;
	v48 =	vand.u32 $0x7FF, v36  }
0x6a: {  	[tilespmem:$0x190] =	vst v25;
	v51 =	vld [tilespmem:$0x300];
	v0 =	vor.u32 v44, v47;
	v21 =	vand.u32 $0x3FFFF800, v53;
	v20 =	vand.u32 $0x3FFFF800, v41  }
0x6b: {  	[tilespmem:$0x140] =	vst v18;
	v58 =	vld [tilespmem:$0x320];
	v49 =	vand.u32 $0x3FFFF800, v45;
	v52 =	vand.u32 $0x7FF, v39;
	v17 =	vshrl.u32 v39, $0x2  }
0x6c: {  	v35 =	vld [tilespmem:$0x370];
	[tilespmem:$0x1B0] =	vst v2;
	v2 =	vor.u32 v56, v21;
	v60 =	vshrl.u32 v50, $0x2;
	v62 =	vand.u32 $0x7FF, v50  }
0x6d: {  	[tilespmem:$0x1A0] =	vst v1;
	v46 =	vld [tilespmem:$0x2E0];
	v26 =	vshrl.u32 v54, $0x2;
	v29 =	vand.u32 $0x7FF, v54;
	v41 =	vshrl.u32 v30, $0x2  }
0x6e: {  	[tilespmem:$0x1E0] =	vst v4;
	v18 =	vor.u32 v43, v20;
	v14 =	vor.u32 v48, v49;
	v55 =	vand.u32 $0x3FFFF800, v17  }
0x6f: {  	[tilespmem:$0x1C0] =	vst v3;
	v61 =	vld [tilespmem:$0x330];
	v63 =	vand.u32 $0x3FFFF800, v60;
	v25 =	vand.u32 $0x7FF, v51;
	v19 =	vshrl.u32 v51, $0x2  }
0x70: {  	[tilespmem:$0x1D0] =	vst v5;
	v27 =	vld [tilespmem:$0x340];
	v21 =	vand.u32 $0x3FFFF800, v26;
	v32 =	vand.u32 $0x7FF, v58;
	v33 =	vshrl.u32 v58, $0x2  }
0x71: {  	[tilespmem:$0x200] =	vst v8;
	v43 =	vand.u32 $0x7FF, v30;
	v44 =	vand.u32 $0x3FFFF800, v41;
	v48 =	vand.u32 $0x7FF, v35  }
0x72: {  	[tilespmem:$0x220] =	vst v9;
	v31 =	vld [tilespmem:$0x360];
	v1 =	vor.u32 v52, v55;
	v57 =	vshrl.u32 v46, $0x2;
	v59 =	vand.u32 $0x7FF, v46  }
0x73: {  	[tilespmem:$0x1F0] =	vst v6;
	v42 =	vld [tilespmem:$0x390];
	v28 =	vand.u32 $0x3FFFF800, v19;
	v5 =	vor.u32 v62, v63;
	v6 =	vor.u32 v29, v21  }
0x74: {  	[tilespmem:$0x210] =	vst v10;
	v34 =	vshrl.u32 v61, $0x2;
	v36 =	vand.u32 $0x3FFFF800, v33;
	v37 =	vand.u32 $0x7FF, v61  }
0x75: {  	[tilespmem:$0x230] =	vst v11;
	v38 =	vshrl.u32 v27, $0x2;
	v40 =	vand.u32 $0x7FF, v27;
	v46 =	vshrl.u32 v35, $0x2  }
0x76: {  	[tilespmem:$0x240] =	vst v7;
	v47 =	vld [tilespmem:$0x3A0];
	v17 =	vand.u32 $0x3FFFF800, v57;
	v4 =	vor.u32 v25, v28;
	v19 =	vand.u32 $0x3FFFF800, v34  }
0x77: {  	[tilespmem:$0x260] =	vst v13;
	v39 =	vld [tilespmem:$0x380];
	v9 =	vor.u32 v32, v36;
	v11 =	vand.u32 $0x3FFFF800, v38;
	v45 =	vand.u32 $0x7FF, v31  }
0x78: {  	[tilespmem:$0x270] =	vst v15;
	v50 =	vld [tilespmem:$0x3C0];
	v8 =	vshrl.u32 v31, $0x2;
	v53 =	vshrl.u32 v42, $0x2;
	v56 =	vand.u32 $0x7FF, v42  }
0x79: {  	[tilespmem:$0x250] =	vst v12;
	v54 =	vld [tilespmem:$0x3D0];
	v3 =	vor.u32 v59, v17;
	v10 =	vor.u32 v37, v19;
	v7 =	vor.u32 v40, v11  }
0x7a: {  	[tilespmem:$0x280] =	vst v16;
	v49 =	vld [tilespmem:$0x3B0];
	v8 =	vand.u32 $0x3FFFF800, v8;
	v19 =	vand.u32 $0x3FFFF800, v46;
	v11 =	vor.u32 v43, v44  }
0x7b: {  	[tilespmem:$0x2A0] =	vst v0;
	v17 =	vand.u32 $0x3FFFF800, v53;
	v58 =	vshrl.u32 v47, $0x2;
	v60 =	vand.u32 $0x7FF, v47  }
0x7c: {  	[tilespmem:$0x2D0] =	vst v2;
	v30 =	vld [tilespmem:$0x410];
	v8 =	vor.u32 v45, v8;
	v12 =	vor.u32 v48, v19;
	v51 =	vand.u32 $0x7FF, v39  }
0x7d: {  	v41 =	vld [tilespmem:$0x440];
	[tilespmem:$0x290] =	vst v18;
	v52 =	vshrl.u32 v39, $0x2;
	v57 =	vor.u32 v56, v17;
	v15 =	vand.u32 $0x3FFFF800, v58  }
0x7e: {  	[tilespmem:$0x2B0] =	vst v14;
	v62 =	vld [tilespmem:$0x3F0];
	v25 =	vand.u32 $0x7FF, v50;
	v13 =	vshrl.u32 v50, $0x2;
	v26 =	vshrl.u32 v54, $0x2  }
0x7f: {  	v27 =	vld [tilespmem:$0x400];
	[tilespmem:$0x2C0] =	vst v1;
	v29 =	vand.u32 $0x7FF, v54;
	v55 =	vand.u32 $0x3FFFF800, v52;
	v61 =	vshrl.u32 v49, $0x2  }
0x80: {  	v22 =	vld [tilespmem:$0x4B0];
	[tilespmem:$0x2F0] =	vst v5;
	v1 =	vor.u32 v60, v15;
	v63 =	vand.u32 $0x7FF, v49;
	v28 =	vand.u32 $0x3FFFF800, v13  }
0x81: {  	v32 =	vld [tilespmem:$0x420];
	[tilespmem:$0x310] =	vst v6;
	v17 =	vand.u32 $0x3FFFF800, v26;
	v43 =	vshrl.u32 v30, $0x2;
	v45 =	vand.u32 $0x1FF, v30  }
0x82: {  	v36 =	vld [tilespmem:$0x430];
	[tilespmem:$0x300] =	vst v4;
	v56 =	vshrl.u32 v41, $0x2;
	v0 =	vor.u32 v51, v55;
	v24 =	vand.u32 $0x3FFFF800, v61  }
0x83: {  	v59 =	vld [tilespmem:$0x3E0];
	[tilespmem:$0x2E0] =	vst v3;
	v3 =	vor.u32 v25, v28;
	v31 =	vor.u32 v29, v17;
	v35 =	vshrl.u32 v62, $0x2  }
0x84: {  	[tilespmem:$0x320] =	vst v9;
	v38 =	vand.u32 $0x7FF, v62;
	v40 =	vshrl.u32 v27, $0x2;
	v42 =	vand.u32 $0x1FF, v27  }
0x85: {  	v44 =	vld [tilespmem:$0x450];
	[tilespmem:$0x330] =	vst v10;
	v46 =	vand.u32 $0x3FFFFE00, v43;
	v55 =	vand.u32 $0x1FF, v41;
	v2 =	vor.u32 v63, v24  }
0x86: {  	[tilespmem:$0x340] =	vst v7;
	v15 =	vand.u32 $0x3FFFF800, v35;
	v10 =	vand.u32 $0x3FFFFE00, v40;
	v47 =	vand.u32 $0x1FF, v32  }
0x87: {  	[tilespmem:$0x350] =	vst v11;
	v5 =	vshrl.u32 v32, $0x2;
	v48 =	vshrl.u32 v36, $0x2;
	v50 =	vand.u32 $0x1FF, v36  }
0x88: {  	v54 =	vld [tilespmem:$0x480];
	[tilespmem:$0x360] =	vst v8;
	v52 =	vor.u32 v45, v46;
	v35 =	vshrl.u32 v22, $0x2;
	v33 =	vand.u32 $0x7FF, v59  }
0x89: {  	v58 =	vld [tilespmem:$0x490];
	[tilespmem:$0x370] =	vst v12;
	v34 =	vshrl.u32 v59, $0x2;
	v39 =	vor.u32 v38, v15;
	v7 =	vor.u32 v42, v10  }
0x8a: {  	v49 =	vld [tilespmem:$0x460];
	[tilespmem:$0x390] =	vst v57;
	v5 =	vand.u32 $0x3FFFFE00, v5;
	v15 =	vand.u32 $0x3FFFFE00, v48;
	v57 =	vshrl.u32 v44, $0x2  }
0x8b: {  	[tilespmem:$0x3A0] =	vst v1;
	v59 =	vand.u32 $0x3FFFFE00, v56;
	v60 =	vand.u32 $0x1FF, v44;
	v38 =	vand.u32 $0x1FF, v22  }
0x8c: {  	v30 =	vld [tilespmem:$0x4D0];
	[tilespmem:$0x380] =	vst v0;
	v37 =	vand.u32 $0x3FFFF800, v34;
	v5 =	vor.u32 v47, v5;
	v53 =	vor.u32 v50, v15  }
0x8d: {  	v51 =	vld [tilespmem:$0x470];
	[tilespmem:$0x3C0] =	vst v3;
	v13 =	vand.u32 $0x3FFFFE00, v57;
	v1 =	vor.u32 v55, v59;
	v25 =	vand.u32 $0x1FF, v54  }
0x8e: {  	v27 =	vld [tilespmem:$0x4C0];
	[tilespmem:$0x3D0] =	vst v31;
	v10 =	vshrl.u32 v54, $0x2;
	v26 =	vshrl.u32 v58, $0x2;
	v29 =	vand.u32 $0x1FF, v58  }
0x8f: {  	v41 =	vld [tilespmem:$0x500];
	[tilespmem:$0x3B0] =	vst v2;
	v6 =	vor.u32 v33, v37;
	v61 =	vor.u32 v60, v13;
	v62 =	vshrl.u32 v49, $0x2  }
0x90: {  	v63 =	vld [tilespmem:$0x4A0];
	[tilespmem:$0x410] =	vst v52;
	v20 =	vand.u32 $0x1FF, v49;
	v28 =	vand.u32 $0x3FFFFE00, v10;
	v13 =	vand.u32 $0x3FFFFE00, v26  }
0x91: {  	v32 =	vld [tilespmem:$0x4E0];
	[tilespmem:$0x3F0] =	vst v39;
	v43 =	vshrl.u32 v30, $0x2;
	v45 =	vand.u32 $0x1FF, v30;
	v11 =	vand.u32 $0x3FFFFE00, v62  }
0x92: {  	v36 =	vld [tilespmem:$0x4F0];
	v21 =	vshrl.u32 v51, $0x2;
	v23 =	vand.u32 $0x1FF, v51;
	[tilespmem:$0x3E0] =	vst v6;
	v6 =	vor.u32 v25, v28  }
0x93: {  	[tilespmem:$0x400] =	vst v7;
	v31 =	vor.u32 v29, v13;
	v40 =	vshrl.u32 v27, $0x2;
	v42 =	vand.u32 $0x1FF, v27  }
0x94: {  	v16 =	vld [tilespmem:$0x570];
	[tilespmem:$0x420] =	vst v5;
	v46 =	vand.u32 $0x3FFFFE00, v43;
	v55 =	vand.u32 $0x1FF, v41;
	v56 =	vshrl.u32 v41, $0x2  }
0x95: {  	[tilespmem:$0x430] =	vst v53;
	v3 =	vor.u32 v20, v11;
	v24 =	vand.u32 $0x3FFFFE00, v21;
	v33 =	vand.u32 $0x1FF, v63  }
0x96: {  	v44 =	vld [tilespmem:$0x510];
	[tilespmem:$0x440] =	vst v1;
	v34 =	vshrl.u32 v63, $0x2;
	v11 =	vand.u32 $0x3FFFFE00, v35;
	v8 =	vand.u32 $0x3FFFFE00, v40  }
0x97: {  	v52 =	vld [tilespmem:$0x530];
	[tilespmem:$0x450] =	vst v61;
	v47 =	vand.u32 $0x1FF, v32;
	v9 =	vshrl.u32 v32, $0x2;
	v48 =	vshrl.u32 v36, $0x2  }
0x98: {  	v51 =	vand.u32 $0x1FF, v36;
	[tilespmem:$0x480] =	vst v6;
	v2 =	vor.u32 v45, v46;
	v59 =	vand.u32 $0x3FFFFE00, v56  }
0x99: {  	v54 =	vld [tilespmem:$0x540];
	[tilespmem:$0x490] =	vst v31;
	v31 =	vshrl.u32 v16, $0x2;
	v4 =	vor.u32 v23, v24;
	v37 =	vand.u32 $0x3FFFFE00, v34  }
0x9a: {  	v58 =	vld [tilespmem:$0x550];
	v39 =	vor.u32 v38, v11;
	v1 =	vor.u32 v42, v8;
	[tilespmem:$0x460] =	vst v3;
	v50 =	vand.u32 $0x3FFFFE00, v9  }
0x9b: {  	v49 =	vld [tilespmem:$0x520];
	v11 =	vand.u32 $0x3FFFFE00, v48;
	v57 =	vshrl.u32 v44, $0x2;
	v60 =	vand.u32 $0x1FF, v44;
	[tilespmem:$0x4D0] =	vst v2  }
0x9c: {  	v15 =	vshrl.u32 v52, $0x2;
	v17 =	vand.u32 $0x1FF, v52;
	v34 =	vand.u32 $0x1FF, v16;
	[tilespmem:$0x470] =	vst v4  }
0x9d: {  	v28 =	vld [tilespmem:$0x5A0];
	v0 =	vor.u32 v33, v37;
	v3 =	vor.u32 v47, v50;
	v53 =	vor.u32 v51, v11;
	[tilespmem:$0x4B0] =	vst v39  }
0x9e: {  	v41 =	vld [tilespmem:$0x5D0];
	v9 =	vand.u32 $0x3FFFFE00, v57;
	[tilespmem:$0x4C0] =	vst v1;
	v18 =	vand.u32 $0x3FFFFE00, v15;
	v19 =	vand.u32 $0x1FF, v54  }
0x9f: {  	v63 =	vld [tilespmem:$0x560];
	v6 =	vshrl.u32 v54, $0x2;
	v20 =	vshrl.u32 v58, $0x2;
	v23 =	vand.u32 $0x1FF, v58;
	[tilespmem:$0x4A0] =	vst v0  }
0xa0: {  	v21 =	vld [tilespmem:$0x580];
	v0 =	vor.u32 v55, v59;
	v61 =	vor.u32 v60, v9;
	v62 =	vshrl.u32 v49, $0x2;
	[tilespmem:$0x4E0] =	vst v3  }
0xa1: {  	v32 =	vld [tilespmem:$0x5B0];
	v14 =	vand.u32 $0x1FF, v49;
	[tilespmem:$0x4F0] =	vst v53;
	v22 =	vand.u32 $0x3FFFFE00, v6;
	v9 =	vand.u32 $0x3FFFFE00, v20  }
0xa2: {  	v25 =	vor.u32 v17, v18;
	v7 =	vand.u32 $0x3FFFFE00, v62;
	[tilespmem:$0x500] =	vst v0;
	v26 =	vor.u32 v19, v22  }
0xa3: {  	v46 =	vld [tilespmem:$0x5E0];
	v27 =	vor.u32 v23, v9;
	[tilespmem:$0x510] =	vst v61;
	v44 =	vand.u32 $0x1FF, v28;
	v4 =	vshrl.u32 v28, $0x2  }
0xa4: {  	[tilespmem:$0x530] =	vst v25;
	v54 =	vshrl.u32 v41, $0x2;
	v56 =	vand.u32 $0x1FF, v41;
	v1 =	vor.u32 v14, v7  }
0xa5: {  	v24 =	vld [tilespmem:$0x590];
	v29 =	vand.u32 $0x1FF, v63;
	v30 =	vshrl.u32 v63, $0x2;
	v7 =	vand.u32 $0x3FFFFE00, v31;
	[tilespmem:$0x540] =	vst v26  }
0xa6: {  	v37 =	vshrl.u32 v21, $0x2;
	v39 =	vand.u32 $0x1FF, v21;
	[tilespmem:$0x550] =	vst v27;
	v45 =	vshrl.u32 v32, $0x2  }
0xa7: {  	v38 =	vld [tilespmem:$0x5C0];
	v47 =	vand.u32 $0x3FFFFE00, v4;
	v48 =	vand.u32 $0x1FF, v32;
	[tilespmem:$0x520] =	vst v1;
	v36 =	vor.u32 v34, v7  }
0xa8: {  	v4 =	vand.u32 $0x3FFFFE00, v54;
	v58 =	vshrl.u32 v46, $0x2;
	v0 =	vor.u32 v44, v47;
	[tilespmem:$0x570] =	vst v36  }
0xa9: {  	v49 =	vld [tilespmem:$0x5F0];
	v59 =	vand.u32 $0x1FF, v46;
	v33 =	vand.u32 $0x3FFFFE00, v30;
	v57 =	vor.u32 v56, v4;
	[tilespmem:$0x5A0] =	vst v0  }
0xaa: {  	v5 =	vand.u32 $0x3FFFFE00, v37;
	v40 =	vshrl.u32 v24, $0x2;
	v35 =	vor.u32 v29, v33;
	[tilespmem:$0x5D0] =	vst v57  }
0xab: {  	v42 =	vand.u32 $0x1FF, v24;
	v7 =	vand.u32 $0x3FFFFE00, v45;
	v2 =	vor.u32 v39, v5;
	[tilespmem:$0x560] =	vst v35  }
0xac: {  	v53 =	vshrl.u32 v38, $0x2;
	v43 =	vand.u32 $0x3FFFFE00, v40;
	v51 =	vor.u32 v48, v7;
	[tilespmem:$0x580] =	vst v2  }
0xad: {  	v52 =	vand.u32 $0x1FF, v38;
	v55 =	vand.u32 $0x3FFFFE00, v53;
	v50 =	vor.u32 v42, v43;
	[tilespmem:$0x5B0] =	vst v51  }
0xae: {  	v0 =	vor.u32 v52, v55;
	v2 =	vand.u32 $0x3FFFFE00, v58;
	v60 =	vshrl.u32 v49, $0x2;
	[tilespmem:$0x590] =	vst v50  }
0xaf: {  	v61 =	vand.u32 $0x1FF, v49;
	[tilespmem:$0x5C0] =	vst v0;
	v0 =	vor.u32 v59, v2;
	v62 =	vand.u32 $0x3FFFFE00, v60  }
0xb0: {  	[tilespmem:$0x5E0] =	vst v0;
	v63 =	vor.u32 v61, v62  }
0xb1: {  	[tilespmem:$0x5F0] =	vst v63  }
0xb2: {  	[tilespmem:s17], [sflag:$0x1] =	stream.indirect.gather [hbm4b:s3+s16], $0x80, s1, s16, $0xb8;
	[tilespmem:$0x10600] =	vst v63  }
0xb3: {  	_ = 	snop  }
0xb4: {  	[tilespmem:s18], [sflag:$0x1] =	stream.indirect.gather [hbm4b:s3+s16], $0x80, s16, s16, $0xb8;
	[tilespmem:$0x10600] =	vst v63  }
0xb5: {  	_ = 	snop  }
0xb6: {  	[tilespmem:s20], [sflag:$0x1] =	stream.indirect.gather [hbm4b:s3+s16], $0x80, s19, s16, $0xb8;
	[tilespmem:$0x10600] =	vst v63  }
0xb7: {  	_ = 	snop  }
0xb8: {  	[tilespmem:s22], [sflag:$0x1] =	stream.indirect.gather [hbm4b:s3+s16], $0x80, s21, s16, $0xb8;
	[tilespmem:$0x10600] =	vst v63  }
0xb9: {  	_ =	swait.ge [sflag:s23], $0x4000  }
0xba: {  	[sflag:s23] =	ssyncset.done $0x0  }
0xbb: {  	[sflag:s23] =	ssyncadd.s32 $0xFFFFC000  }
0xbc: {  	_ =	swait.ge [sflag:s23], $0x4000  }
0xbd: {  	[sflag:s23] =	ssyncset.done $0x0  }
0xbe: {  	[sflag:s23] =	ssyncadd.s32 $0xFFFFC000  }
0xbf: {  	_ =	swait.ge [sflag:s23], $0x4000  }
0xc0: {  	[sflag:s23] =	ssyncset.done $0x0  }
0xc1: {  	[sflag:s23] =	ssyncadd.s32 $0xFFFFC000  }
0xc2: {  	_ =	swait.ge [sflag:s23], $0x4000  }
0xc3: {  	[sflag:s23] =	ssyncset.done $0x0  }
0xc4: {  	[sflag:s23] =	ssyncadd.s32 $0xFFFFC000  }
0xc5: {  	[hbm4b:s8+s1] =	stream.linear.scatter [tilespmem:s17], [sflag:$0x2], $0x10000, $0x38;
	[tilespmem:$0x10600] =	vst v63  }
0xc6: {  	_ =	swait.ge [sflag:s13], $0x10000  }
0xc7: {  	[sflag:s13] =	ssyncset.done $0x0  }
0xc8: {  	[sflag:s13] =	ssyncadd.s32 $0xFFFF0000  }
0xc9: {  	[tilespmem:s17], [sflag:$0x1] =	stream.indirect.gather [hbm4b:s4+s16], $0x80, s14, s16, $0xb8;
	[tilespmem:$0x10600] =	vst v63  }
0xca: {  	_ = 	snop  }
0xcb: {  	[tilespmem:s18], [sflag:$0x1] =	stream.indirect.gather [hbm4b:s4+s16], $0x80, s24, s16, $0xb8;
	[tilespmem:$0x10600] =	vst v63  }
0xcc: {  	_ = 	snop  }
0xcd: {  	[tilespmem:s20], [sflag:$0x1] =	stream.indirect.gather [hbm4b:s4+s16], $0x80, s25, s16, $0xb8;
	[tilespmem:$0x10600] =	vst v63  }
0xce: {  	_ = 	snop  }
0xcf: {  	[tilespmem:s22], [sflag:$0x1] =	stream.indirect.gather [hbm4b:s4+s16], $0x80, s26, s16, $0xb8;
	[tilespmem:$0x10600] =	vst v63  }
0xd0: {  	_ =	swait.ge [sflag:s23], $0x4000  }
0xd1: {  	[sflag:s23] =	ssyncset.done $0x0  }
0xd2: {  	[sflag:s23] =	ssyncadd.s32 $0xFFFFC000  }
0xd3: {  	_ =	swait.ge [sflag:s23], $0x4000  }
0xd4: {  	[sflag:s23] =	ssyncset.done $0x0  }
0xd5: {  	[sflag:s23] =	ssyncadd.s32 $0xFFFFC000  }
0xd6: {  	_ =	swait.ge [sflag:s23], $0x4000  }
0xd7: {  	[sflag:s23] =	ssyncset.done $0x0  }
0xd8: {  	[sflag:s23] =	ssyncadd.s32 $0xFFFFC000  }
0xd9: {  	_ =	swait.ge [sflag:s23], $0x4000  }
0xda: {  	[sflag:s23] =	ssyncset.done $0x0  }
0xdb: {  	[sflag:s23] =	ssyncadd.s32 $0xFFFFC000  }
0xdc: {  	[hbm4b:s10+s1] =	stream.linear.scatter [tilespmem:s17], [sflag:$0x2], $0x10000, $0x38;
	[tilespmem:$0x10600] =	vst v63  }
0xdd: {  	_ =	swait.ge [sflag:s13], $0x10000  }
0xde: {  	[sflag:s13] =	ssyncset.done $0x0  }
0xdf: {  	[sflag:s13] =	ssyncadd.s32 $0xFFFF0000  }
0xe0: {  	[tilespmem:s17], [sflag:$0x1] =	stream.indirect.gather [hbm4b:s5+s16], $0x80, s15, s16, $0xb8;
	[tilespmem:$0x10600] =	vst v63  }
0xe1: {  	_ = 	snop  }
0xe2: {  	[tilespmem:s18], [sflag:$0x1] =	stream.indirect.gather [hbm4b:s5+s16], $0x80, s28, s16, $0xb8;
	[tilespmem:$0x10600] =	vst v63  }
0xe3: {  	_ = 	snop  }
0xe4: {  	[tilespmem:s20], [sflag:$0x1] =	stream.indirect.gather [hbm4b:s5+s16], $0x80, s29, s16, $0xb8;
	[tilespmem:$0x10600] =	vst v63  }
0xe5: {  	_ = 	snop  }
0xe6: {  	[tilespmem:s22], [sflag:$0x1] =	stream.indirect.gather [hbm4b:s5+s16], $0x80, s30, s16, $0xb8;
	[tilespmem:$0x10600] =	vst v63  }
0xe7: {  	_ =	swait.ge [sflag:s23], $0x4000  }
0xe8: {  	[sflag:s23] =	ssyncset.done $0x0  }
0xe9: {  	[sflag:s23] =	ssyncadd.s32 $0xFFFFC000  }
0xea: {  	_ =	swait.ge [sflag:s23], $0x4000  }
0xeb: {  	[sflag:s23] =	ssyncset.done $0x0  }
0xec: {  	[sflag:s23] =	ssyncadd.s32 $0xFFFFC000  }
0xed: {  	_ =	swait.ge [sflag:s23], $0x4000  }
0xee: {  	[sflag:s23] =	ssyncset.done $0x0  }
0xef: {  	[sflag:s23] =	ssyncadd.s32 $0xFFFFC000  }
0xf0: {  	_ =	swait.ge [sflag:s23], $0x4000  }
0xf1: {  	p0 =	sne.s32 s12, $0x1;
	[sflag:s23] =	ssyncset.done $0x0  }
.Ltmp0:
0xf2: {  	[sflag:s23] =	ssyncadd.s32 $0xFFFFC000;
	(pc) =	sbr.rel @p0 .LBB2_1-.Ltmp0, $4  }
0xf3: {  	[hbm4b:s11+s1] =	stream.linear.scatter [tilespmem:s17], [sflag:$0x2], $0x10000, $0x38;
	[tilespmem:$0x10600] =	vst v63  }
0xf4: {  	_ =	swait.ge [sflag:s13], $0x10000  }
0xf5: {  	[sflag:s13] =	ssyncset.done $0x0  }
0xf6: {  	s12 =	sadd.s32 $0xFFFFFFFF, s12;
	[sflag:s13] =	ssyncadd.s32 $0xFFFF0000  }
0xf7: {  	_ =	sfence.sel $0x180000  }
0xf8: {  	[bflag:$0x0] =	sbarrier.arrive $0xFFFF  }
0xf9: {  	p0 =	sne.s32 s2, $0x0;
	_ =	strace $0x90000047  }
0xfa: {  	s0 =	sadd.s32 @!p0 $0x100000, s0;
	[bflag:$0x2] =	sbarrier.arrive $0xFFFF  }
0xfb: {  	[sflag:s0] =	ssyncadd.tile.s32 @!p0 $0x1;
	_ =	shalt  }
.Lfunc_end2:
_tile_overlayer_lowered:
.L_overlay_start_2:
0xfc: {  	(tag) =	ssettag $0x2  }
0xfd: {  	s0 =	rddreg [dreg:$0x0];
	s2 =	stileid.u32  }
0xfe: {  	s1 =	rddreg [dreg:$0x1];
	p0 =	sne.s32 s2, $0x0  }
0xff: {  	s3 =	rddreg [dreg:$0x2];
	[bflag:$0x3] =	sbarrier.arrive $0xFFFF;
	s2 =	simm.s32 @!p0 $0x1C02  }
0x100: {  	[timem:s3], [sflag:s2] =	dma.local @!p0 [hbm:s0], s1  }
0x101: {  	s0 =	simm.s32 @!p0 $0x2  }
0x102: {  	_ =	swait.ge @!p0 [sflag:s0], s1  }
0x103: {  	s1 =	ssub.s32 @!p0 $0x0, s1;
	[sflag:s0] =	ssyncset.done @!p0 $0x0  }
0x104: {  	[sflag:s0] =	ssyncadd.s32 @!p0 s1  }
0x105: {  	[bflag:$0x3] =	sbarrier.arrive $0xFFFF  }
0x106: {  	_ =	shalt  }

</sc_bundles>
